<compile_context>
chip_gen: v7x
topology: tpu7x:2x2x1
jax: 0.10.2.dev20260603
libtpu: 0.0.44.dev20260713+nightly
codegen_flags: <defaults>
</compile_context>

<pallas_src>
import functools
import math

import jax
import jax.numpy as jnp
from jax import lax
from jax.experimental import pallas as pl
from jax.experimental.pallas import tpu as pltpu
from jax.experimental.pallas import tpu_sc as plsc

_VOCAB = 1000000
_T = 200
_D = 64
_B = 4096

_NUM_CORES = 2
_NUM_SUBCORES = 16
_D_PER_CORE = _D // _NUM_CORES
_BW = _B // _NUM_SUBCORES
_TB = 25
_NBLK = _T // _TB

_SCALE = math.sqrt(_D)


def _make_pe_splat():
    pos = jnp.arange(_T, dtype=jnp.float32)[:, None]
    i = jnp.arange(0, _D, 2, dtype=jnp.float32)[None, :]
    angle = pos / jnp.power(10000.0, 2.0 * i / _D)
    pe = jnp.zeros((_T, _D), dtype=jnp.float32)
    pe = pe.at[:, 0::2].set(jnp.sin(angle))
    pe = pe.at[:, 1::2].set(jnp.cos(angle))
    return jnp.repeat(pe.T[:, :, None], 16, axis=2).reshape(_D, _T * 16)


def _sc_body(xT, tabT, peS, outT, xv, dst0, dst1, pe_v, ssem, psem, gsem,
             osem, xsem, spm):
    c = lax.axis_index("c")
    s = lax.axis_index("s")
    b0 = s * _BW
    dbase = c * _D_PER_CORE

    def tab_stage_desc(d):
        return pltpu.make_async_copy(tabT.at[d], spm, ssem)

    def pe_stage_desc(d):
        return pltpu.make_async_copy(peS.at[d], pe_v, psem)

    dsts = (dst0, dst1)

    def gather_desc(blk, p):
        return pltpu.make_async_copy(
            spm.at[xv.at[pl.ds(blk * _TB * _BW, _TB * _BW)]],
            dsts[p], gsem)

    def out_desc(t, d, p):
        return pltpu.make_async_copy(
            dsts[p].at[pl.ds((t % _TB) * _BW, _BW)],
            outT.at[t, d, pl.ds(b0, _BW)], osem)

    def xdesc(t):
        return pltpu.make_async_copy(
            xT.at[t, pl.ds(b0, _BW)], xv.at[pl.ds(t * _BW, _BW)], xsem)

    def xfire(t, _):
        xdesc(t).start()
        return 0

    def xdrain(t, _):
        xdesc(t).wait()
        return 0

    lax.fori_loop(0, _T, xfire, 0)
    lax.fori_loop(0, _T, xdrain, 0)
    pe_stage_desc(dbase).start()

    @pl.when(s == 0)
    def _():
        tab_stage_desc(dbase).start()
        tab_stage_desc(dbase).wait()

    pe_stage_desc(dbase).wait()
    plsc.subcore_barrier()

    def dbody(i, _):
        d = dbase + i

        def blockpair(bp, _):
            for p in range(2):
                blk = bp * 2 + p
                t0 = blk * _TB

                @pl.when(i * _NBLK + blk >= 2)
                def _(blk=blk, t0=t0, p=p):
                    tprev = (t0 - 2 * _TB) % _T
                    dprev = jnp.where(blk >= 2, d, d - 1)

                    def odrain(j, _):
                        out_desc(tprev + j, dprev, p).wait()
                        return 0

                    lax.fori_loop(0, _TB, odrain, 0)

                gather_desc(blk, p).start()

            for p in range(2):
                blk = bp * 2 + p
                t0 = blk * _TB
                gather_desc(blk, p).wait()

                def tbody(j, _, t0=t0, p=p):
                    t = t0 + j
                    off = j * _BW
                    pev = pe_v[pl.ds(t * 16, 16)]
                    for k in range(_BW // 16):
                        sl = pl.ds(off + k * 16, 16)
                        dsts[p][sl] = dsts[p][sl] * _SCALE + pev
                    out_desc(t, d, p).start()
                    return 0

                lax.fori_loop(0, _TB, tbody, 0)
            return 0

        lax.fori_loop(0, _NBLK // 2 - 1, blockpair, 0)

        bp = _NBLK // 2 - 1
        for p in range(2):
            blk = bp * 2 + p
            t0 = blk * _TB
            tprev = t0 - 2 * _TB

            def odrain(j, _, tprev=tprev, p=p):
                out_desc(tprev + j, d, p).wait()
                return 0

            lax.fori_loop(0, _TB, odrain, 0)
            gather_desc(blk, p).start()

        for p in range(2):
            gather_desc(bp * 2 + p, p).wait()

        plsc.subcore_barrier()

        @pl.when((i + 1 < _D_PER_CORE) & (s == 0))
        def _():
            tab_stage_desc(d + 1).start()

        for p in range(2):
            blk = bp * 2 + p
            t0 = blk * _TB

            def tbody2(j, _, t0=t0, p=p):
                t = t0 + j
                off = j * _BW
                pev = pe_v[pl.ds(t * 16, 16)]
                for k in range(_BW // 16):
                    sl = pl.ds(off + k * 16, 16)
                    dsts[p][sl] = dsts[p][sl] * _SCALE + pev
                out_desc(t, d, p).start()
                return 0

            lax.fori_loop(0, _TB, tbody2, 0)

        @pl.when(i + 1 < _D_PER_CORE)
        def _():
            pe_stage_desc(d + 1).start()
            pe_stage_desc(d + 1).wait()

            @pl.when(s == 0)
            def _():
                tab_stage_desc(d + 1).wait()

        plsc.subcore_barrier()
        return 0

    lax.fori_loop(0, _D_PER_CORE, dbody, 0)

    dlast = dbase + _D_PER_CORE - 1
    for p in range(2):
        t0 = _T - 2 * _TB + p * _TB

        def odrain_last(j, _, t0=t0, p=p):
            out_desc(t0 + j, dlast, p).wait()
            return 0

        lax.fori_loop(0, _TB, odrain_last, 0)


@jax.jit
def _run(xT, tabT, peS):
    mesh = plsc.VectorSubcoreMesh(core_axis_name="c", subcore_axis_name="s")
    k = functools.partial(
        pl.kernel,
        mesh=mesh,
        out_type=jax.ShapeDtypeStruct((_T, _D, _B), jnp.float32),
        scratch_types=[
            pltpu.VMEM((_T * _BW,), jnp.int32),
            pltpu.VMEM((_TB * _BW,), jnp.float32),
            pltpu.VMEM((_TB * _BW,), jnp.float32),
            pltpu.VMEM((_T * 16,), jnp.float32),
            pltpu.SemaphoreType.DMA,
            pltpu.SemaphoreType.DMA,
            pltpu.SemaphoreType.DMA,
            pltpu.SemaphoreType.DMA,
            pltpu.SemaphoreType.DMA,
            pltpu.VMEM_SHARED((_VOCAB,), jnp.float32),
        ],
    )(_sc_body)
    return k(xT, tabT, peS)


def kernel(x, table):
    peS = _make_pe_splat()
    outT = _run(x.T, table.T, peS)
    return outT.transpose(2, 0, 1)

# --- scband reference (transcript-rebuilt; emitter-appended) ---
"""Pipeline reference for scband-embedder-and-position-encoder-17454747091487 (READ-ONLY COPY).

The authoritative reference and input builder live on the scoring server;
editing this copy changes nothing except your own understanding.
"""

import jax, jax.numpy as jnp
import numpy as np
import math

VOCAB = 1000000
N_TOKENS = 200
EMB_DIM = 64
BATCH = 4096


def make_pe(n_tokens, dim):
    pos = jnp.arange(n_tokens, dtype=jnp.float32)[:, None]
    i = jnp.arange(0, dim, 2, dtype=jnp.float32)[None, :]
    angle = pos / jnp.power(10000.0, 2.0 * i / dim)
    pe = jnp.zeros((n_tokens, dim), dtype=jnp.float32)
    pe = pe.at[:, 0::2].set(jnp.sin(angle))
    pe = pe.at[:, 1::2].set(jnp.cos(angle))
    return pe[None, :, :]


def setup_inputs(seed: int = 0) -> dict:
    key = jax.random.key(seed)
    k1, k2 = jax.random.split(key)
    x = jax.random.randint(k1, (BATCH, N_TOKENS), 0, VOCAB, dtype=jnp.int64 if jax.config.jax_enable_x64 else jnp.int32)
    table = jax.random.normal(k2, (VOCAB, EMB_DIM), dtype=jnp.float32)
    return {"x": x, "table": table}


def reference(x, table):
    pe = make_pe(N_TOKENS, EMB_DIM)
    embedded = jnp.take(table, x, axis=0)  # [B, T, D] gather
    posed = math.sqrt(EMB_DIM) * embedded + pe
    return posed

if __name__ == "__main__":
    import jax
    _d = setup_inputs()
    print(jax.jit(kernel)(*tuple(_d.values())))

</pallas_src>

<mosaic_0001>
#map = affine_map<(d0, d1) -> (0, 0)>
#map1 = affine_map<(d0, d1) -> (0, 0, 0)>
module attributes {stable_mosaic.version = 14 : i64} {
  func.func @_sc_body(%arg0: i32, %arg1: i32, %arg2: memref<200x4096xi32, #tpu.memory_space<hbm>>, %arg3: memref<64x1000000xf32, #tpu.memory_space<hbm>>, %arg4: memref<64x3200xf32, #tpu.memory_space<hbm>>, %arg5: memref<200x64x4096xf32, #tpu.memory_space<hbm>>, %arg6: memref<51200xi32, #tpu.memory_space<vmem>>, %arg7: memref<6400xf32, #tpu.memory_space<vmem>>, %arg8: memref<6400xf32, #tpu.memory_space<vmem>>, %arg9: memref<3200xf32, #tpu.memory_space<vmem>>, %arg10: memref<!tpu.dma_semaphore, #tpu.memory_space<semaphore_mem>>, %arg11: memref<!tpu.dma_semaphore, #tpu.memory_space<semaphore_mem>>, %arg12: memref<!tpu.dma_semaphore, #tpu.memory_space<semaphore_mem>>, %arg13: memref<!tpu.dma_semaphore, #tpu.memory_space<semaphore_mem>>, %arg14: memref<!tpu.dma_semaphore, #tpu.memory_space<semaphore_mem>>, %arg15: memref<1000000xf32, #tpu.memory_space<vmem_shared>>) attributes {dimension_semantics = [#tpu.dimension_semantics<core_parallel>, #tpu.dimension_semantics<subcore_parallel>], iteration_bounds = array<i64: 2, 16>, scalar_prefetch = 0 : i64, scratch_operands = 10 : i64, tpu.core_type = #tpu.core_type<sc_vector_subcore>, window_params = [{transform_indices = #map}, {transform_indices = #map}, {transform_indices = #map}, {transform_indices = #map1}]} {
    %mul3A = arith.constant 256 : i32
    %mul3A_0 = arith.muli %arg1, %mul3A : i32
    %mul3A_1 = arith.constant 32 : i32
    %mul3A_2 = arith.muli %arg0, %mul3A_1 : i32
    %scan3A = arith.constant 0 : i32
    %scan3A_3 = arith.constant 0 : i32
    %scan3A_4 = arith.constant 200 : i32
    %scan3A_5 = arith.addi %scan3A_3, %scan3A_4 : i32
    %scan3A_6 = arith.constant 1 : i32
    %scan3A_7 = scf.for %scan3A_51 = %scan3A_3 to %scan3A_5 step %scan3A_6 iter_args(%scan3A_52 = %scan3A) -> (i32)  : i32 {
      %mul3A_53 = arith.constant 256 : i32
      %mul3A_54 = arith.muli %scan3A_51, %mul3A_53 : i32
      %dma_start3A_55 = tpu.memref_slice %arg6[%mul3A_54] : memref<51200xi32, #tpu.memory_space<vmem>> -> memref<256xi32, #tpu.memory_space<vmem>>
      %dma_start3A_56 = tpu.memref_slice %arg2[%scan3A_51, %mul3A_0] : memref<200x4096xi32, #tpu.memory_space<hbm>> -> memref<1x256xi32, #tpu.memory_space<hbm>>
      %dma_start3A_57 = tpu.memref_squeeze %dma_start3A_56 : memref<1x256xi32, #tpu.memory_space<hbm>> -> memref<256xi32, #tpu.memory_space<hbm>>
      %dma_start3A_58 = tpu.memref_slice %arg6[%mul3A_54] : memref<51200xi32, #tpu.memory_space<vmem>> -> memref<256xi32, #tpu.memory_space<vmem>>
      %dma_start3A_59 = tpu.memref_slice %arg2[%scan3A_51, %mul3A_0] : memref<200x4096xi32, #tpu.memory_space<hbm>> -> memref<1x256xi32, #tpu.memory_space<hbm>>
      %dma_start3A_60 = tpu.memref_squeeze %dma_start3A_59 : memref<1x256xi32, #tpu.memory_space<hbm>> -> memref<256xi32, #tpu.memory_space<hbm>>
      tpu.enqueue_dma source(%dma_start3A_60 : memref<256xi32, #tpu.memory_space<hbm>>) target(%dma_start3A_58 : memref<256xi32, #tpu.memory_space<vmem>>) target_semaphore(%arg14 : memref<!tpu.dma_semaphore, #tpu.memory_space<semaphore_mem>>)
      %scan3A_61 = arith.constant 0 : i32
      scf.yield %scan3A_61 : i32
    }
    %scan3A_8 = arith.constant 200 : i32
    %scan3A_9 = arith.constant 0 : i32
    %scan3A_10 = arith.constant 0 : i32
    %scan3A_11 = arith.constant 200 : i32
    %scan3A_12 = arith.addi %scan3A_10, %scan3A_11 : i32
    %scan3A_13 = arith.constant 1 : i32
    %scan3A_14 = scf.for %scan3A_51 = %scan3A_10 to %scan3A_12 step %scan3A_13 iter_args(%scan3A_52 = %scan3A_9) -> (i32)  : i32 {
      %mul3A_53 = arith.constant 256 : i32
      %mul3A_54 = arith.muli %scan3A_51, %mul3A_53 : i32
      %dma_wait3A_55 = tpu.memref_slice %arg6[%mul3A_54] : memref<51200xi32, #tpu.memory_space<vmem>> -> memref<256xi32, #tpu.memory_space<vmem>>
      %dma_wait3A_56 = tpu.memref_slice %arg2[%scan3A_51, %mul3A_0] : memref<200x4096xi32, #tpu.memory_space<hbm>> -> memref<1x256xi32, #tpu.memory_space<hbm>>
      %dma_wait3A_57 = tpu.memref_squeeze %dma_wait3A_56 : memref<1x256xi32, #tpu.memory_space<hbm>> -> memref<256xi32, #tpu.memory_space<hbm>>
      %dma_wait3A_58 = tpu.memref_slice %arg6[%mul3A_54] : memref<51200xi32, #tpu.memory_space<vmem>> -> memref<256xi32, #tpu.memory_space<vmem>>
      %dma_wait3A_59 = tpu.memref_slice %arg2[%scan3A_51, %mul3A_0] : memref<200x4096xi32, #tpu.memory_space<hbm>> -> memref<1x256xi32, #tpu.memory_space<hbm>>
      %dma_wait3A_60 = tpu.memref_squeeze %dma_wait3A_59 : memref<1x256xi32, #tpu.memory_space<hbm>> -> memref<256xi32, #tpu.memory_space<hbm>>
      tpu.wait_dma2 semaphore(%arg14 : memref<!tpu.dma_semaphore, #tpu.memory_space<semaphore_mem>>) src(%dma_wait3A_60 : memref<256xi32, #tpu.memory_space<hbm>>) dst(%dma_wait3A_58 : memref<256xi32, #tpu.memory_space<vmem>>)
      %scan3A_61 = arith.constant 0 : i32
      scf.yield %scan3A_61 : i32
    }
    %scan3A_15 = arith.constant 200 : i32
    %dma_start3A = arith.constant 0 : i32
    %dma_start3A_16 = tpu.memref_slice %arg4[%mul3A_2, %dma_start3A] : memref<64x3200xf32, #tpu.memory_space<hbm>> -> memref<1x3200xf32, #tpu.memory_space<hbm>>
    %dma_start3A_17 = tpu.memref_squeeze %dma_start3A_16 : memref<1x3200xf32, #tpu.memory_space<hbm>> -> memref<3200xf32, #tpu.memory_space<hbm>>
    %dma_start3A_18 = arith.constant 0 : i32
    %dma_start3A_19 = tpu.memref_slice %arg4[%mul3A_2, %dma_start3A_18] : memref<64x3200xf32, #tpu.memory_space<hbm>> -> memref<1x3200xf32, #tpu.memory_space<hbm>>
    %dma_start3A_20 = tpu.memref_squeeze %dma_start3A_19 : memref<1x3200xf32, #tpu.memory_space<hbm>> -> memref<3200xf32, #tpu.memory_space<hbm>>
    tpu.enqueue_dma source(%dma_start3A_20 : memref<3200xf32, #tpu.memory_space<hbm>>) target(%arg9 : memref<3200xf32, #tpu.memory_space<vmem>>) target_semaphore(%arg11 : memref<!tpu.dma_semaphore, #tpu.memory_space<semaphore_mem>>)
    %eq3A = arith.constant 0 : i32
    %eq3A_21 = arith.cmpi eq, %arg1, %eq3A : i32
    %convert_element_type3A = arith.extui %eq3A_21 : i1 to i32
    %cond3A = arith.constant 0 : i32
    %cond3A_22 = arith.cmpi ne, %convert_element_type3A, %cond3A : i32
    scf.if %cond3A_22 {
      %dma_start3A_51 = arith.constant 0 : i32
      %dma_start3A_52 = tpu.memref_slice %arg3[%mul3A_2, %dma_start3A_51] : memref<64x1000000xf32, #tpu.memory_space<hbm>> -> memref<1x1000000xf32, #tpu.memory_space<hbm>>
      %dma_start3A_53 = tpu.memref_squeeze %dma_start3A_52 : memref<1x1000000xf32, #tpu.memory_space<hbm>> -> memref<1000000xf32, #tpu.memory_space<hbm>>
      tpu.enqueue_dma source(%dma_start3A_53 : memref<1000000xf32, #tpu.memory_space<hbm>>) target(%arg15 : memref<1000000xf32, #tpu.memory_space<vmem_shared>>) target_semaphore(%arg10 : memref<!tpu.dma_semaphore, #tpu.memory_space<semaphore_mem>>)
      %dma_wait3A_54 = arith.constant 0 : i32
      %dma_wait3A_55 = tpu.memref_slice %arg3[%mul3A_2, %dma_wait3A_54] : memref<64x1000000xf32, #tpu.memory_space<hbm>> -> memref<1x1000000xf32, #tpu.memory_space<hbm>>
      %dma_wait3A_56 = tpu.memref_squeeze %dma_wait3A_55 : memref<1x1000000xf32, #tpu.memory_space<hbm>> -> memref<1000000xf32, #tpu.memory_space<hbm>>
      tpu.wait_dma2 semaphore(%arg10 : memref<!tpu.dma_semaphore, #tpu.memory_space<semaphore_mem>>) src(%dma_wait3A_56 : memref<1000000xf32, #tpu.memory_space<hbm>>) dst(%arg15 : memref<1000000xf32, #tpu.memory_space<vmem_shared>>)
    } else {
    }
    %dma_wait3A = arith.constant 0 : i32
    %dma_wait3A_23 = tpu.memref_slice %arg4[%mul3A_2, %dma_wait3A] : memref<64x3200xf32, #tpu.memory_space<hbm>> -> memref<1x3200xf32, #tpu.memory_space<hbm>>
    %dma_wait3A_24 = tpu.memref_squeeze %dma_wait3A_23 : memref<1x3200xf32, #tpu.memory_space<hbm>> -> memref<3200xf32, #tpu.memory_space<hbm>>
    %dma_wait3A_25 = arith.constant 0 : i32
    %dma_wait3A_26 = tpu.memref_slice %arg4[%mul3A_2, %dma_wait3A_25] : memref<64x3200xf32, #tpu.memory_space<hbm>> -> memref<1x3200xf32, #tpu.memory_space<hbm>>
    %dma_wait3A_27 = tpu.memref_squeeze %dma_wait3A_26 : memref<1x3200xf32, #tpu.memory_space<hbm>> -> memref<3200xf32, #tpu.memory_space<hbm>>
    tpu.wait_dma2 semaphore(%arg11 : memref<!tpu.dma_semaphore, #tpu.memory_space<semaphore_mem>>) src(%dma_wait3A_27 : memref<3200xf32, #tpu.memory_space<hbm>>) dst(%arg9 : memref<3200xf32, #tpu.memory_space<vmem>>)
    %barrier3A = arith.constant 0 : index
    tpu.barrier barrier_id(%barrier3A)
    %scan3A_28 = arith.constant 0 : i32
    %scan3A_29 = arith.constant 0 : i32
    %scan3A_30 = arith.constant 32 : i32
    %scan3A_31 = arith.addi %scan3A_29, %scan3A_30 : i32
    %scan3A_32 = arith.constant 1 : i32
    %scan3A_33 = scf.for %scan3A_51 = %scan3A_29 to %scan3A_31 step %scan3A_32 iter_args(%scan3A_52 = %scan3A_28) -> (i32)  : i32 {
      %add3A_53 = arith.addi %mul3A_2, %scan3A_51 : i32
      %scan3A_54 = arith.constant 0 : i32
      %scan3A_55 = arith.constant 0 : i32
      %scan3A_56 = arith.constant 3 : i32
      %scan3A_57 = arith.addi %scan3A_55, %scan3A_56 : i32
      %scan3A_58 = arith.constant 1 : i32
      %scan3A_59 = scf.for %scan3A_123 = %scan3A_55 to %scan3A_57 step %scan3A_58 iter_args(%scan3A_124 = %scan3A_54) -> (i32)  : i32 {
        %mul3A_125 = arith.constant 2 : i32
        %mul3A_126 = arith.muli %scan3A_123, %mul3A_125 : i32
        %add3A_127 = arith.constant 0 : i32
        %add3A_128 = arith.addi %mul3A_126, %add3A_127 : i32
        %mul3A_129 = arith.constant 25 : i32
        %mul3A_130 = arith.muli %add3A_128, %mul3A_129 : i32
        %mul3A_131 = arith.constant 8 : i32
        %mul3A_132 = arith.muli %scan3A_51, %mul3A_131 : i32
        %add3A_133 = arith.addi %mul3A_132, %add3A_128 : i32
        %ge3A = arith.constant 2 : i32
        %ge3A_134 = arith.cmpi sge, %add3A_133, %ge3A : i32
        %convert_element_type3A_135 = arith.extui %ge3A_134 : i1 to i32
        %cond3A_136 = arith.constant 0 : i32
        %cond3A_137 = arith.cmpi ne, %convert_element_type3A_135, %cond3A_136 : i32
        scf.if %cond3A_137 {
          %sub3A_207 = arith.constant 50 : i32
          %sub3A_208 = arith.subi %mul3A_130, %sub3A_207 : i32
          %jit3A = arith.constant 200 : i32
          %eq3A_209 = arith.constant 0 : i32
          %eq3A_210 = arith.cmpi eq, %jit3A, %eq3A_209 : i32
          %jit3A_211 = arith.constant 1 : i32
          %select_n3A = arith.select %eq3A_210, %jit3A_211, %jit3A : i32
          %rem3A = arith.remsi %sub3A_208, %select_n3A : i32
          %ne3A = arith.constant 0 : i32
          %ne3A_212 = arith.cmpi ne, %rem3A, %ne3A : i32
          %lt3A_213 = arith.constant 0 : i32
          %lt3A_214 = arith.cmpi slt, %rem3A, %lt3A_213 : i32
          %lt3A_215 = arith.constant 0 : i32
          %lt3A_216 = arith.cmpi slt, %select_n3A, %lt3A_215 : i32
          %ne3A_217 = arith.xori %lt3A_214, %lt3A_216 : i1
          %and3A_218 = arith.andi %ne3A_217, %ne3A_212 : i1
          %add3A_219 = arith.addi %rem3A, %select_n3A : i32
          %select_n3A_220 = arith.select %and3A_218, %add3A_219, %rem3A : i32
          %ge3A_221 = arith.constant 2 : i32
          %ge3A_222 = arith.cmpi sge, %add3A_128, %ge3A_221 : i32
          %sub3A_223 = arith.constant 1 : i32
          %sub3A_224 = arith.subi %add3A_53, %sub3A_223 : i32
          %select_n3A_225 = arith.select %ge3A_222, %add3A_53, %sub3A_224 : i32
          %scan3A_226 = arith.constant 0 : i32
          %scan3A_227 = arith.constant 0 : i32
          %scan3A_228 = arith.constant 25 : i32
          %scan3A_229 = arith.addi %scan3A_227, %scan3A_228 : i32
          %scan3A_230 = arith.constant 1 : i32
          %scan3A_231 = scf.for %scan3A_233 = %scan3A_227 to %scan3A_229 step %scan3A_230 iter_args(%scan3A_234 = %scan3A_226) -> (i32)  : i32 {
            %add3A_235 = arith.addi %select_n3A_220, %scan3A_233 : i32
            %jit3A_236 = arith.constant 25 : i32
            %eq3A_237 = arith.constant 0 : i32
            %eq3A_238 = arith.cmpi eq, %jit3A_236, %eq3A_237 : i32
            %jit3A_239 = arith.constant 1 : i32
            %select_n3A_240 = arith.select %eq3A_238, %jit3A_239, %jit3A_236 : i32
            %rem3A_241 = arith.remsi %add3A_235, %select_n3A_240 : i32
            %ne3A_242 = arith.constant 0 : i32
            %ne3A_243 = arith.cmpi ne, %rem3A_241, %ne3A_242 : i32
            %lt3A_244 = arith.constant 0 : i32
            %lt3A_245 = arith.cmpi slt, %rem3A_241, %lt3A_244 : i32
            %lt3A_246 = arith.constant 0 : i32
            %lt3A_247 = arith.cmpi slt, %select_n3A_240, %lt3A_246 : i32
            %ne3A_248 = arith.xori %lt3A_245, %lt3A_247 : i1
            %and3A_249 = arith.andi %ne3A_248, %ne3A_243 : i1
            %add3A_250 = arith.addi %rem3A_241, %select_n3A_240 : i32
            %select_n3A_251 = arith.select %and3A_249, %add3A_250, %rem3A_241 : i32
            %mul3A_252 = arith.constant 256 : i32
            %mul3A_253 = arith.muli %select_n3A_251, %mul3A_252 : i32
            %dma_wait3A_254 = tpu.memref_slice %arg7[%mul3A_253] : memref<6400xf32, #tpu.memory_space<vmem>> -> memref<256xf32, #tpu.memory_space<vmem>>
            %dma_wait3A_255 = tpu.memref_slice %arg5[%add3A_235, %select_n3A_225, %mul3A_0] : memref<200x64x4096xf32, #tpu.memory_space<hbm>> -> memref<1x1x256xf32, #tpu.memory_space<hbm>>
            %dma_wait3A_256 = tpu.memref_squeeze %dma_wait3A_255 : memref<1x1x256xf32, #tpu.memory_space<hbm>> -> memref<256xf32, #tpu.memory_space<hbm>>
            %dma_wait3A_257 = tpu.memref_slice %arg5[%add3A_235, %select_n3A_225, %mul3A_0] : memref<200x64x4096xf32, #tpu.memory_space<hbm>> -> memref<1x1x256xf32, #tpu.memory_space<hbm>>
            %dma_wait3A_258 = tpu.memref_squeeze %dma_wait3A_257 : memref<1x1x256xf32, #tpu.memory_space<hbm>> -> memref<256xf32, #tpu.memory_space<hbm>>
            %dma_wait3A_259 = tpu.memref_slice %arg7[%mul3A_253] : memref<6400xf32, #tpu.memory_space<vmem>> -> memref<256xf32, #tpu.memory_space<vmem>>
            tpu.wait_dma2 semaphore(%arg13 : memref<!tpu.dma_semaphore, #tpu.memory_space<semaphore_mem>>) src(%dma_wait3A_259 : memref<256xf32, #tpu.memory_space<vmem>>) dst(%dma_wait3A_258 : memref<256xf32, #tpu.memory_space<hbm>>)
            %scan3A_260 = arith.constant 0 : i32
            scf.yield %scan3A_260 : i32
          }
          %scan3A_232 = arith.constant 25 : i32
        } else {
        }
        %mul3A_138 = arith.constant 25 : i32
        %mul3A_139 = arith.muli %add3A_128, %mul3A_138 : i32
        %mul3A_140 = arith.constant 256 : i32
        %mul3A_141 = arith.muli %mul3A_139, %mul3A_140 : i32
        %dma_start3A_142 = tpu.memref_slice %arg6[%mul3A_141] : memref<51200xi32, #tpu.memory_space<vmem>> -> memref<6400xi32, #tpu.memory_space<vmem>>
        %dma_start3A_143 = arith.constant 0 : i32
        %dma_start3A_144 = tpu.memref_slice %arg15[%dma_start3A_143] : memref<1000000xf32, #tpu.memory_space<vmem_shared>> -> memref<1000000xf32, #tpu.memory_space<vmem_shared>>
        tpu.enqueue_indirect_dma source(%dma_start3A_144 : memref<1000000xf32, #tpu.memory_space<vmem_shared>>) target(%arg7 : memref<6400xf32, #tpu.memory_space<vmem>>) offsets(%dma_start3A_142 : memref<6400xi32, #tpu.memory_space<vmem>>) semaphore(%arg12 : memref<!tpu.dma_semaphore, #tpu.memory_space<semaphore_mem>>)
        %mul3A_145 = arith.constant 2 : i32
        %mul3A_146 = arith.muli %scan3A_123, %mul3A_145 : i32
        %add3A_147 = arith.constant 1 : i32
        %add3A_148 = arith.addi %mul3A_146, %add3A_147 : i32
        %mul3A_149 = arith.constant 25 : i32
        %mul3A_150 = arith.muli %add3A_148, %mul3A_149 : i32
        %mul3A_151 = arith.constant 8 : i32
        %mul3A_152 = arith.muli %scan3A_51, %mul3A_151 : i32
        %add3A_153 = arith.addi %mul3A_152, %add3A_148 : i32
        %ge3A_154 = arith.constant 2 : i32
        %ge3A_155 = arith.cmpi sge, %add3A_153, %ge3A_154 : i32
        %convert_element_type3A_156 = arith.extui %ge3A_155 : i1 to i32
        %cond3A_157 = arith.constant 0 : i32
        %cond3A_158 = arith.cmpi ne, %convert_element_type3A_156, %cond3A_157 : i32
        scf.if %cond3A_158 {
          %sub3A_207 = arith.constant 50 : i32
          %sub3A_208 = arith.subi %mul3A_150, %sub3A_207 : i32
          %jit3A = arith.constant 200 : i32
          %eq3A_209 = arith.constant 0 : i32
          %eq3A_210 = arith.cmpi eq, %jit3A, %eq3A_209 : i32
          %jit3A_211 = arith.constant 1 : i32
          %select_n3A = arith.select %eq3A_210, %jit3A_211, %jit3A : i32
          %rem3A = arith.remsi %sub3A_208, %select_n3A : i32
          %ne3A = arith.constant 0 : i32
          %ne3A_212 = arith.cmpi ne, %rem3A, %ne3A : i32
          %lt3A_213 = arith.constant 0 : i32
          %lt3A_214 = arith.cmpi slt, %rem3A, %lt3A_213 : i32
          %lt3A_215 = arith.constant 0 : i32
          %lt3A_216 = arith.cmpi slt, %select_n3A, %lt3A_215 : i32
          %ne3A_217 = arith.xori %lt3A_214, %lt3A_216 : i1
          %and3A_218 = arith.andi %ne3A_217, %ne3A_212 : i1
          %add3A_219 = arith.addi %rem3A, %select_n3A : i32
          %select_n3A_220 = arith.select %and3A_218, %add3A_219, %rem3A : i32
          %ge3A_221 = arith.constant 2 : i32
          %ge3A_222 = arith.cmpi sge, %add3A_148, %ge3A_221 : i32
          %sub3A_223 = arith.constant 1 : i32
          %sub3A_224 = arith.subi %add3A_53, %sub3A_223 : i32
          %select_n3A_225 = arith.select %ge3A_222, %add3A_53, %sub3A_224 : i32
          %scan3A_226 = arith.constant 0 : i32
          %scan3A_227 = arith.constant 0 : i32
          %scan3A_228 = arith.constant 25 : i32
          %scan3A_229 = arith.addi %scan3A_227, %scan3A_228 : i32
          %scan3A_230 = arith.constant 1 : i32
          %scan3A_231 = scf.for %scan3A_233 = %scan3A_227 to %scan3A_229 step %scan3A_230 iter_args(%scan3A_234 = %scan3A_226) -> (i32)  : i32 {
            %add3A_235 = arith.addi %select_n3A_220, %scan3A_233 : i32
            %jit3A_236 = arith.constant 25 : i32
            %eq3A_237 = arith.constant 0 : i32
            %eq3A_238 = arith.cmpi eq, %jit3A_236, %eq3A_237 : i32
            %jit3A_239 = arith.constant 1 : i32
            %select_n3A_240 = arith.select %eq3A_238, %jit3A_239, %jit3A_236 : i32
            %rem3A_241 = arith.remsi %add3A_235, %select_n3A_240 : i32
            %ne3A_242 = arith.constant 0 : i32
            %ne3A_243 = arith.cmpi ne, %rem3A_241, %ne3A_242 : i32
            %lt3A_244 = arith.constant 0 : i32
            %lt3A_245 = arith.cmpi slt, %rem3A_241, %lt3A_244 : i32
            %lt3A_246 = arith.constant 0 : i32
            %lt3A_247 = arith.cmpi slt, %select_n3A_240, %lt3A_246 : i32
            %ne3A_248 = arith.xori %lt3A_245, %lt3A_247 : i1
            %and3A_249 = arith.andi %ne3A_248, %ne3A_243 : i1
            %add3A_250 = arith.addi %rem3A_241, %select_n3A_240 : i32
            %select_n3A_251 = arith.select %and3A_249, %add3A_250, %rem3A_241 : i32
            %mul3A_252 = arith.constant 256 : i32
            %mul3A_253 = arith.muli %select_n3A_251, %mul3A_252 : i32
            %dma_wait3A_254 = tpu.memref_slice %arg8[%mul3A_253] : memref<6400xf32, #tpu.memory_space<vmem>> -> memref<256xf32, #tpu.memory_space<vmem>>
            %dma_wait3A_255 = tpu.memref_slice %arg5[%add3A_235, %select_n3A_225, %mul3A_0] : memref<200x64x4096xf32, #tpu.memory_space<hbm>> -> memref<1x1x256xf32, #tpu.memory_space<hbm>>
            %dma_wait3A_256 = tpu.memref_squeeze %dma_wait3A_255 : memref<1x1x256xf32, #tpu.memory_space<hbm>> -> memref<256xf32, #tpu.memory_space<hbm>>
            %dma_wait3A_257 = tpu.memref_slice %arg5[%add3A_235, %select_n3A_225, %mul3A_0] : memref<200x64x4096xf32, #tpu.memory_space<hbm>> -> memref<1x1x256xf32, #tpu.memory_space<hbm>>
            %dma_wait3A_258 = tpu.memref_squeeze %dma_wait3A_257 : memref<1x1x256xf32, #tpu.memory_space<hbm>> -> memref<256xf32, #tpu.memory_space<hbm>>
            %dma_wait3A_259 = tpu.memref_slice %arg8[%mul3A_253] : memref<6400xf32, #tpu.memory_space<vmem>> -> memref<256xf32, #tpu.memory_space<vmem>>
            tpu.wait_dma2 semaphore(%arg13 : memref<!tpu.dma_semaphore, #tpu.memory_space<semaphore_mem>>) src(%dma_wait3A_259 : memref<256xf32, #tpu.memory_space<vmem>>) dst(%dma_wait3A_258 : memref<256xf32, #tpu.memory_space<hbm>>)
            %scan3A_260 = arith.constant 0 : i32
            scf.yield %scan3A_260 : i32
          }
          %scan3A_232 = arith.constant 25 : i32
        } else {
        }
        %mul3A_159 = arith.constant 25 : i32
        %mul3A_160 = arith.muli %add3A_148, %mul3A_159 : i32
        %mul3A_161 = arith.constant 256 : i32
        %mul3A_162 = arith.muli %mul3A_160, %mul3A_161 : i32
        %dma_start3A_163 = tpu.memref_slice %arg6[%mul3A_162] : memref<51200xi32, #tpu.memory_space<vmem>> -> memref<6400xi32, #tpu.memory_space<vmem>>
        %dma_start3A_164 = arith.constant 0 : i32
        %dma_start3A_165 = tpu.memref_slice %arg15[%dma_start3A_164] : memref<1000000xf32, #tpu.memory_space<vmem_shared>> -> memref<1000000xf32, #tpu.memory_space<vmem_shared>>
        tpu.enqueue_indirect_dma source(%dma_start3A_165 : memref<1000000xf32, #tpu.memory_space<vmem_shared>>) target(%arg8 : memref<6400xf32, #tpu.memory_space<vmem>>) offsets(%dma_start3A_163 : memref<6400xi32, #tpu.memory_space<vmem>>) semaphore(%arg12 : memref<!tpu.dma_semaphore, #tpu.memory_space<semaphore_mem>>)
        %mul3A_166 = arith.constant 2 : i32
        %mul3A_167 = arith.muli %scan3A_123, %mul3A_166 : i32
        %add3A_168 = arith.constant 0 : i32
        %add3A_169 = arith.addi %mul3A_167, %add3A_168 : i32
        %mul3A_170 = arith.constant 25 : i32
        %mul3A_171 = arith.muli %add3A_169, %mul3A_170 : i32
        %mul3A_172 = arith.constant 25 : i32
        %mul3A_173 = arith.muli %add3A_169, %mul3A_172 : i32
        %mul3A_174 = arith.constant 256 : i32
        %mul3A_175 = arith.muli %mul3A_173, %mul3A_174 : i32
        %dma_wait3A_176 = tpu.memref_slice %arg6[%mul3A_175] : memref<51200xi32, #tpu.memory_space<vmem>> -> memref<6400xi32, #tpu.memory_space<vmem>>
        %dma_wait3A_177 = arith.constant 0 : i32
        %dma_wait3A_178 = tpu.memref_slice %arg15[%dma_wait3A_177] : memref<1000000xf32, #tpu.memory_space<vmem_shared>> -> memref<1000000xf32, #tpu.memory_space<vmem_shared>>
        tpu.wait_indirect_dma semaphore(%arg12 : memref<!tpu.dma_semaphore, #tpu.memory_space<semaphore_mem>>) src(%dma_wait3A_178 : memref<1000000xf32, #tpu.memory_space<vmem_shared>>) dst(%arg7 : memref<6400xf32, #tpu.memory_space<vmem>>)
        %scan3A_179 = arith.constant 0 : i32
        %scan3A_180 = arith.constant 0 : i32
        %scan3A_181 = arith.constant 25 : i32
        %scan3A_182 = arith.addi %scan3A_180, %scan3A_181 : i32
        %scan3A_183 = arith.constant 1 : i32
        %scan3A_184 = scf.for %scan3A_207 = %scan3A_180 to %scan3A_182 step %scan3A_183 iter_args(%scan3A_208 = %scan3A_179) -> (i32)  : i32 {
          %add3A_209 = arith.addi %mul3A_171, %scan3A_207 : i32
          %mul3A_210 = arith.constant 256 : i32
          %mul3A_211 = arith.muli %scan3A_207, %mul3A_210 : i32
          %mul3A_212 = arith.constant 16 : i32
          %mul3A_213 = arith.muli %add3A_209, %mul3A_212 : i32
          %get3A = arith.index_cast %mul3A_213 : i32 to index
          %get3A_214 = tpu.vector_load %arg9[%get3A] {strides = array<i32>} : memref<3200xf32, #tpu.memory_space<vmem>>, vector<16xf32>,
          %get3A_215 = vector.shape_cast %get3A_214 : vector<16xf32> to vector<16xf32>
          %add3A_216 = arith.constant 0 : i32
          %add3A_217 = arith.addi %mul3A_211, %add3A_216 : i32
          %get3A_218 = arith.index_cast %add3A_217 : i32 to index
          %get3A_219 = tpu.vector_load %arg7[%get3A_218] {strides = array<i32>} : memref<6400xf32, #tpu.memory_space<vmem>>, vector<16xf32>,
          %get3A_220 = vector.shape_cast %get3A_219 : vector<16xf32> to vector<16xf32>
          %mul3A_221 = arith.constant 8.000000e+00 : f32
          %mul3A_222 = vector.broadcast %mul3A_221 : f32 to vector<16xf32>
          %mul3A_223 = arith.mulf %get3A_220, %mul3A_222 : vector<16xf32>
          %add3A_224 = arith.addf %mul3A_223, %get3A_215 : vector<16xf32>
          %swap3A = arith.index_cast %add3A_217 : i32 to index
          %swap3A_225 = tpu.vector_load %arg7[%swap3A] {strides = array<i32>} : memref<6400xf32, #tpu.memory_space<vmem>>, vector<16xf32>,
          %swap3A_226 = vector.shape_cast %swap3A_225 : vector<16xf32> to vector<16xf32>
          %swap3A_227 = vector.shape_cast %add3A_224 : vector<16xf32> to vector<16xf32>
          tpu.vector_store %arg7[%swap3A], %swap3A_227 {strides = array<i32>} : memref<6400xf32, #tpu.memory_space<vmem>>, vector<16xf32>,
          %add3A_228 = arith.constant 16 : i32
          %add3A_229 = arith.addi %mul3A_211, %add3A_228 : i32
          %get3A_230 = arith.index_cast %add3A_229 : i32 to index
          %get3A_231 = tpu.vector_load %arg7[%get3A_230] {strides = array<i32>} : memref<6400xf32, #tpu.memory_space<vmem>>, vector<16xf32>,
          %get3A_232 = vector.shape_cast %get3A_231 : vector<16xf32> to vector<16xf32>
          %mul3A_233 = arith.constant 8.000000e+00 : f32
          %mul3A_234 = vector.broadcast %mul3A_233 : f32 to vector<16xf32>
          %mul3A_235 = arith.mulf %get3A_232, %mul3A_234 : vector<16xf32>
          %add3A_236 = arith.addf %mul3A_235, %get3A_215 : vector<16xf32>
          %swap3A_237 = arith.index_cast %add3A_229 : i32 to index
          %swap3A_238 = tpu.vector_load %arg7[%swap3A_237] {strides = array<i32>} : memref<6400xf32, #tpu.memory_space<vmem>>, vector<16xf32>,
          %swap3A_239 = vector.shape_cast %swap3A_238 : vector<16xf32> to vector<16xf32>
          %swap3A_240 = vector.shape_cast %add3A_236 : vector<16xf32> to vector<16xf32>
          tpu.vector_store %arg7[%swap3A_237], %swap3A_240 {strides = array<i32>} : memref<6400xf32, #tpu.memory_space<vmem>>, vector<16xf32>,
          %add3A_241 = arith.constant 32 : i32
          %add3A_242 = arith.addi %mul3A_211, %add3A_241 : i32
          %get3A_243 = arith.index_cast %add3A_242 : i32 to index
          %get3A_244 = tpu.vector_load %arg7[%get3A_243] {strides = array<i32>} : memref<6400xf32, #tpu.memory_space<vmem>>, vector<16xf32>,
          %get3A_245 = vector.shape_cast %get3A_244 : vector<16xf32> to vector<16xf32>
          %mul3A_246 = arith.constant 8.000000e+00 : f32
          %mul3A_247 = vector.broadcast %mul3A_246 : f32 to vector<16xf32>
          %mul3A_248 = arith.mulf %get3A_245, %mul3A_247 : vector<16xf32>
          %add3A_249 = arith.addf %mul3A_248, %get3A_215 : vector<16xf32>
          %swap3A_250 = arith.index_cast %add3A_242 : i32 to index
          %swap3A_251 = tpu.vector_load %arg7[%swap3A_250] {strides = array<i32>} : memref<6400xf32, #tpu.memory_space<vmem>>, vector<16xf32>,
          %swap3A_252 = vector.shape_cast %swap3A_251 : vector<16xf32> to vector<16xf32>
          %swap3A_253 = vector.shape_cast %add3A_249 : vector<16xf32> to vector<16xf32>
          tpu.vector_store %arg7[%swap3A_250], %swap3A_253 {strides = array<i32>} : memref<6400xf32, #tpu.memory_space<vmem>>, vector<16xf32>,
          %add3A_254 = arith.constant 48 : i32
          %add3A_255 = arith.addi %mul3A_211, %add3A_254 : i32
          %get3A_256 = arith.index_cast %add3A_255 : i32 to index
          %get3A_257 = tpu.vector_load %arg7[%get3A_256] {strides = array<i32>} : memref<6400xf32, #tpu.memory_space<vmem>>, vector<16xf32>,
          %get3A_258 = vector.shape_cast %get3A_257 : vector<16xf32> to vector<16xf32>
          %mul3A_259 = arith.constant 8.000000e+00 : f32
          %mul3A_260 = vector.broadcast %mul3A_259 : f32 to vector<16xf32>
          %mul3A_261 = arith.mulf %get3A_258, %mul3A_260 : vector<16xf32>
          %add3A_262 = arith.addf %mul3A_261, %get3A_215 : vector<16xf32>
          %swap3A_263 = arith.index_cast %add3A_255 : i32 to index
          %swap3A_264 = tpu.vector_load %arg7[%swap3A_263] {strides = array<i32>} : memref<6400xf32, #tpu.memory_space<vmem>>, vector<16xf32>,
          %swap3A_265 = vector.shape_cast %swap3A_264 : vector<16xf32> to vector<16xf32>
          %swap3A_266 = vector.shape_cast %add3A_262 : vector<16xf32> to vector<16xf32>
          tpu.vector_store %arg7[%swap3A_263], %swap3A_266 {strides = array<i32>} : memref<6400xf32, #tpu.memory_space<vmem>>, vector<16xf32>,
          %add3A_267 = arith.constant 64 : i32
          %add3A_268 = arith.addi %mul3A_211, %add3A_267 : i32
          %get3A_269 = arith.index_cast %add3A_268 : i32 to index
          %get3A_270 = tpu.vector_load %arg7[%get3A_269] {strides = array<i32>} : memref<6400xf32, #tpu.memory_space<vmem>>, vector<16xf32>,
          %get3A_271 = vector.shape_cast %get3A_270 : vector<16xf32> to vector<16xf32>
          %mul3A_272 = arith.constant 8.000000e+00 : f32
          %mul3A_273 = vector.broadcast %mul3A_272 : f32 to vector<16xf32>
          %mul3A_274 = arith.mulf %get3A_271, %mul3A_273 : vector<16xf32>
          %add3A_275 = arith.addf %mul3A_274, %get3A_215 : vector<16xf32>
          %swap3A_276 = arith.index_cast %add3A_268 : i32 to index
          %swap3A_277 = tpu.vector_load %arg7[%swap3A_276] {strides = array<i32>} : memref<6400xf32, #tpu.memory_space<vmem>>, vector<16xf32>,
          %swap3A_278 = vector.shape_cast %swap3A_277 : vector<16xf32> to vector<16xf32>
          %swap3A_279 = vector.shape_cast %add3A_275 : vector<16xf32> to vector<16xf32>
          tpu.vector_store %arg7[%swap3A_276], %swap3A_279 {strides = array<i32>} : memref<6400xf32, #tpu.memory_space<vmem>>, vector<16xf32>,
          %add3A_280 = arith.constant 80 : i32
          %add3A_281 = arith.addi %mul3A_211, %add3A_280 : i32
          %get3A_282 = arith.index_cast %add3A_281 : i32 to index
          %get3A_283 = tpu.vector_load %arg7[%get3A_282] {strides = array<i32>} : memref<6400xf32, #tpu.memory_space<vmem>>, vector<16xf32>,
          %get3A_284 = vector.shape_cast %get3A_283 : vector<16xf32> to vector<16xf32>
          %mul3A_285 = arith.constant 8.000000e+00 : f32
          %mul3A_286 = vector.broadcast %mul3A_285 : f32 to vector<16xf32>
          %mul3A_287 = arith.mulf %get3A_284, %mul3A_286 : vector<16xf32>
          %add3A_288 = arith.addf %mul3A_287, %get3A_215 : vector<16xf32>
          %swap3A_289 = arith.index_cast %add3A_281 : i32 to index
          %swap3A_290 = tpu.vector_load %arg7[%swap3A_289] {strides = array<i32>} : memref<6400xf32, #tpu.memory_space<vmem>>, vector<16xf32>,
          %swap3A_291 = vector.shape_cast %swap3A_290 : vector<16xf32> to vector<16xf32>
          %swap3A_292 = vector.shape_cast %add3A_288 : vector<16xf32> to vector<16xf32>
          tpu.vector_store %arg7[%swap3A_289], %swap3A_292 {strides = array<i32>} : memref<6400xf32, #tpu.memory_space<vmem>>, vector<16xf32>,
          %add3A_293 = arith.constant 96 : i32
          %add3A_294 = arith.addi %mul3A_211, %add3A_293 : i32
          %get3A_295 = arith.index_cast %add3A_294 : i32 to index
          %get3A_296 = tpu.vector_load %arg7[%get3A_295] {strides = array<i32>} : memref<6400xf32, #tpu.memory_space<vmem>>, vector<16xf32>,
          %get3A_297 = vector.shape_cast %get3A_296 : vector<16xf32> to vector<16xf32>
          %mul3A_298 = arith.constant 8.000000e+00 : f32
          %mul3A_299 = vector.broadcast %mul3A_298 : f32 to vector<16xf32>
          %mul3A_300 = arith.mulf %get3A_297, %mul3A_299 : vector<16xf32>
          %add3A_301 = arith.addf %mul3A_300, %get3A_215 : vector<16xf32>
          %swap3A_302 = arith.index_cast %add3A_294 : i32 to index
          %swap3A_303 = tpu.vector_load %arg7[%swap3A_302] {strides = array<i32>} : memref<6400xf32, #tpu.memory_space<vmem>>, vector<16xf32>,
          %swap3A_304 = vector.shape_cast %swap3A_303 : vector<16xf32> to vector<16xf32>
          %swap3A_305 = vector.shape_cast %add3A_301 : vector<16xf32> to vector<16xf32>
          tpu.vector_store %arg7[%swap3A_302], %swap3A_305 {strides = array<i32>} : memref<6400xf32, #tpu.memory_space<vmem>>, vector<16xf32>,
          %add3A_306 = arith.constant 112 : i32
          %add3A_307 = arith.addi %mul3A_211, %add3A_306 : i32
          %get3A_308 = arith.index_cast %add3A_307 : i32 to index
          %get3A_309 = tpu.vector_load %arg7[%get3A_308] {strides = array<i32>} : memref<6400xf32, #tpu.memory_space<vmem>>, vector<16xf32>,
          %get3A_310 = vector.shape_cast %get3A_309 : vector<16xf32> to vector<16xf32>
          %mul3A_311 = arith.constant 8.000000e+00 : f32
          %mul3A_312 = vector.broadcast %mul3A_311 : f32 to vector<16xf32>
          %mul3A_313 = arith.mulf %get3A_310, %mul3A_312 : vector<16xf32>
          %add3A_314 = arith.addf %mul3A_313, %get3A_215 : vector<16xf32>
          %swap3A_315 = arith.index_cast %add3A_307 : i32 to index
          %swap3A_316 = tpu.vector_load %arg7[%swap3A_315] {strides = array<i32>} : memref<6400xf32, #tpu.memory_space<vmem>>, vector<16xf32>,
          %swap3A_317 = vector.shape_cast %swap3A_316 : vector<16xf32> to vector<16xf32>
          %swap3A_318 = vector.shape_cast %add3A_314 : vector<16xf32> to vector<16xf32>
          tpu.vector_store %arg7[%swap3A_315], %swap3A_318 {strides = array<i32>} : memref<6400xf32, #tpu.memory_space<vmem>>, vector<16xf32>,
          %add3A_319 = arith.constant 128 : i32
          %add3A_320 = arith.addi %mul3A_211, %add3A_319 : i32
          %get3A_321 = arith.index_cast %add3A_320 : i32 to index
          %get3A_322 = tpu.vector_load %arg7[%get3A_321] {strides = array<i32>} : memref<6400xf32, #tpu.memory_space<vmem>>, vector<16xf32>,
          %get3A_323 = vector.shape_cast %get3A_322 : vector<16xf32> to vector<16xf32>
          %mul3A_324 = arith.constant 8.000000e+00 : f32
          %mul3A_325 = vector.broadcast %mul3A_324 : f32 to vector<16xf32>
          %mul3A_326 = arith.mulf %get3A_323, %mul3A_325 : vector<16xf32>
          %add3A_327 = arith.addf %mul3A_326, %get3A_215 : vector<16xf32>
          %swap3A_328 = arith.index_cast %add3A_320 : i32 to index
          %swap3A_329 = tpu.vector_load %arg7[%swap3A_328] {strides = array<i32>} : memref<6400xf32, #tpu.memory_space<vmem>>, vector<16xf32>,
          %swap3A_330 = vector.shape_cast %swap3A_329 : vector<16xf32> to vector<16xf32>
          %swap3A_331 = vector.shape_cast %add3A_327 : vector<16xf32> to vector<16xf32>
          tpu.vector_store %arg7[%swap3A_328], %swap3A_331 {strides = array<i32>} : memref<6400xf32, #tpu.memory_space<vmem>>, vector<16xf32>,
          %add3A_332 = arith.constant 144 : i32
          %add3A_333 = arith.addi %mul3A_211, %add3A_332 : i32
          %get3A_334 = arith.index_cast %add3A_333 : i32 to index
          %get3A_335 = tpu.vector_load %arg7[%get3A_334] {strides = array<i32>} : memref<6400xf32, #tpu.memory_space<vmem>>, vector<16xf32>,
          %get3A_336 = vector.shape_cast %get3A_335 : vector<16xf32> to vector<16xf32>
          %mul3A_337 = arith.constant 8.000000e+00 : f32
          %mul3A_338 = vector.broadcast %mul3A_337 : f32 to vector<16xf32>
          %mul3A_339 = arith.mulf %get3A_336, %mul3A_338 : vector<16xf32>
          %add3A_340 = arith.addf %mul3A_339, %get3A_215 : vector<16xf32>
          %swap3A_341 = arith.index_cast %add3A_333 : i32 to index
          %swap3A_342 = tpu.vector_load %arg7[%swap3A_341] {strides = array<i32>} : memref<6400xf32, #tpu.memory_space<vmem>>, vector<16xf32>,
          %swap3A_343 = vector.shape_cast %swap3A_342 : vector<16xf32> to vector<16xf32>
          %swap3A_344 = vector.shape_cast %add3A_340 : vector<16xf32> to vector<16xf32>
          tpu.vector_store %arg7[%swap3A_341], %swap3A_344 {strides = array<i32>} : memref<6400xf32, #tpu.memory_space<vmem>>, vector<16xf32>,
          %add3A_345 = arith.constant 160 : i32
          %add3A_346 = arith.addi %mul3A_211, %add3A_345 : i32
          %get3A_347 = arith.index_cast %add3A_346 : i32 to index
          %get3A_348 = tpu.vector_load %arg7[%get3A_347] {strides = array<i32>} : memref<6400xf32, #tpu.memory_space<vmem>>, vector<16xf32>,
          %get3A_349 = vector.shape_cast %get3A_348 : vector<16xf32> to vector<16xf32>
          %mul3A_350 = arith.constant 8.000000e+00 : f32
          %mul3A_351 = vector.broadcast %mul3A_350 : f32 to vector<16xf32>
          %mul3A_352 = arith.mulf %get3A_349, %mul3A_351 : vector<16xf32>
          %add3A_353 = arith.addf %mul3A_352, %get3A_215 : vector<16xf32>
          %swap3A_354 = arith.index_cast %add3A_346 : i32 to index
          %swap3A_355 = tpu.vector_load %arg7[%swap3A_354] {strides = array<i32>} : memref<6400xf32, #tpu.memory_space<vmem>>, vector<16xf32>,
          %swap3A_356 = vector.shape_cast %swap3A_355 : vector<16xf32> to vector<16xf32>
          %swap3A_357 = vector.shape_cast %add3A_353 : vector<16xf32> to vector<16xf32>
          tpu.vector_store %arg7[%swap3A_354], %swap3A_357 {strides = array<i32>} : memref<6400xf32, #tpu.memory_space<vmem>>, vector<16xf32>,
          %add3A_358 = arith.constant 176 : i32
          %add3A_359 = arith.addi %mul3A_211, %add3A_358 : i32
          %get3A_360 = arith.index_cast %add3A_359 : i32 to index
          %get3A_361 = tpu.vector_load %arg7[%get3A_360] {strides = array<i32>} : memref<6400xf32, #tpu.memory_space<vmem>>, vector<16xf32>,
          %get3A_362 = vector.shape_cast %get3A_361 : vector<16xf32> to vector<16xf32>
          %mul3A_363 = arith.constant 8.000000e+00 : f32
          %mul3A_364 = vector.broadcast %mul3A_363 : f32 to vector<16xf32>
          %mul3A_365 = arith.mulf %get3A_362, %mul3A_364 : vector<16xf32>
          %add3A_366 = arith.addf %mul3A_365, %get3A_215 : vector<16xf32>
          %swap3A_367 = arith.index_cast %add3A_359 : i32 to index
          %swap3A_368 = tpu.vector_load %arg7[%swap3A_367] {strides = array<i32>} : memref<6400xf32, #tpu.memory_space<vmem>>, vector<16xf32>,
          %swap3A_369 = vector.shape_cast %swap3A_368 : vector<16xf32> to vector<16xf32>
          %swap3A_370 = vector.shape_cast %add3A_366 : vector<16xf32> to vector<16xf32>
          tpu.vector_store %arg7[%swap3A_367], %swap3A_370 {strides = array<i32>} : memref<6400xf32, #tpu.memory_space<vmem>>, vector<16xf32>,
          %add3A_371 = arith.constant 192 : i32
          %add3A_372 = arith.addi %mul3A_211, %add3A_371 : i32
          %get3A_373 = arith.index_cast %add3A_372 : i32 to index
          %get3A_374 = tpu.vector_load %arg7[%get3A_373] {strides = array<i32>} : memref<6400xf32, #tpu.memory_space<vmem>>, vector<16xf32>,
          %get3A_375 = vector.shape_cast %get3A_374 : vector<16xf32> to vector<16xf32>
          %mul3A_376 = arith.constant 8.000000e+00 : f32
          %mul3A_377 = vector.broadcast %mul3A_376 : f32 to vector<16xf32>
          %mul3A_378 = arith.mulf %get3A_375, %mul3A_377 : vector<16xf32>
          %add3A_379 = arith.addf %mul3A_378, %get3A_215 : vector<16xf32>
          %swap3A_380 = arith.index_cast %add3A_372 : i32 to index
          %swap3A_381 = tpu.vector_load %arg7[%swap3A_380] {strides = array<i32>} : memref<6400xf32, #tpu.memory_space<vmem>>, vector<16xf32>,
          %swap3A_382 = vector.shape_cast %swap3A_381 : vector<16xf32> to vector<16xf32>
          %swap3A_383 = vector.shape_cast %add3A_379 : vector<16xf32> to vector<16xf32>
          tpu.vector_store %arg7[%swap3A_380], %swap3A_383 {strides = array<i32>} : memref<6400xf32, #tpu.memory_space<vmem>>, vector<16xf32>,
          %add3A_384 = arith.constant 208 : i32
          %add3A_385 = arith.addi %mul3A_211, %add3A_384 : i32
          %get3A_386 = arith.index_cast %add3A_385 : i32 to index
          %get3A_387 = tpu.vector_load %arg7[%get3A_386] {strides = array<i32>} : memref<6400xf32, #tpu.memory_space<vmem>>, vector<16xf32>,
          %get3A_388 = vector.shape_cast %get3A_387 : vector<16xf32> to vector<16xf32>
          %mul3A_389 = arith.constant 8.000000e+00 : f32
          %mul3A_390 = vector.broadcast %mul3A_389 : f32 to vector<16xf32>
          %mul3A_391 = arith.mulf %get3A_388, %mul3A_390 : vector<16xf32>
          %add3A_392 = arith.addf %mul3A_391, %get3A_215 : vector<16xf32>
          %swap3A_393 = arith.index_cast %add3A_385 : i32 to index
          %swap3A_394 = tpu.vector_load %arg7[%swap3A_393] {strides = array<i32>} : memref<6400xf32, #tpu.memory_space<vmem>>, vector<16xf32>,
          %swap3A_395 = vector.shape_cast %swap3A_394 : vector<16xf32> to vector<16xf32>
          %swap3A_396 = vector.shape_cast %add3A_392 : vector<16xf32> to vector<16xf32>
          tpu.vector_store %arg7[%swap3A_393], %swap3A_396 {strides = array<i32>} : memref<6400xf32, #tpu.memory_space<vmem>>, vector<16xf32>,
          %add3A_397 = arith.constant 224 : i32
          %add3A_398 = arith.addi %mul3A_211, %add3A_397 : i32
          %get3A_399 = arith.index_cast %add3A_398 : i32 to index
          %get3A_400 = tpu.vector_load %arg7[%get3A_399] {strides = array<i32>} : memref<6400xf32, #tpu.memory_space<vmem>>, vector<16xf32>,
          %get3A_401 = vector.shape_cast %get3A_400 : vector<16xf32> to vector<16xf32>
          %mul3A_402 = arith.constant 8.000000e+00 : f32
          %mul3A_403 = vector.broadcast %mul3A_402 : f32 to vector<16xf32>
          %mul3A_404 = arith.mulf %get3A_401, %mul3A_403 : vector<16xf32>
          %add3A_405 = arith.addf %mul3A_404, %get3A_215 : vector<16xf32>
          %swap3A_406 = arith.index_cast %add3A_398 : i32 to index
          %swap3A_407 = tpu.vector_load %arg7[%swap3A_406] {strides = array<i32>} : memref<6400xf32, #tpu.memory_space<vmem>>, vector<16xf32>,
          %swap3A_408 = vector.shape_cast %swap3A_407 : vector<16xf32> to vector<16xf32>
          %swap3A_409 = vector.shape_cast %add3A_405 : vector<16xf32> to vector<16xf32>
          tpu.vector_store %arg7[%swap3A_406], %swap3A_409 {strides = array<i32>} : memref<6400xf32, #tpu.memory_space<vmem>>, vector<16xf32>,
          %add3A_410 = arith.constant 240 : i32
          %add3A_411 = arith.addi %mul3A_211, %add3A_410 : i32
          %get3A_412 = arith.index_cast %add3A_411 : i32 to index
          %get3A_413 = tpu.vector_load %arg7[%get3A_412] {strides = array<i32>} : memref<6400xf32, #tpu.memory_space<vmem>>, vector<16xf32>,
          %get3A_414 = vector.shape_cast %get3A_413 : vector<16xf32> to vector<16xf32>
          %mul3A_415 = arith.constant 8.000000e+00 : f32
          %mul3A_416 = vector.broadcast %mul3A_415 : f32 to vector<16xf32>
          %mul3A_417 = arith.mulf %get3A_414, %mul3A_416 : vector<16xf32>
          %add3A_418 = arith.addf %mul3A_417, %get3A_215 : vector<16xf32>
          %swap3A_419 = arith.index_cast %add3A_411 : i32 to index
          %swap3A_420 = tpu.vector_load %arg7[%swap3A_419] {strides = array<i32>} : memref<6400xf32, #tpu.memory_space<vmem>>, vector<16xf32>,
          %swap3A_421 = vector.shape_cast %swap3A_420 : vector<16xf32> to vector<16xf32>
          %swap3A_422 = vector.shape_cast %add3A_418 : vector<16xf32> to vector<16xf32>
          tpu.vector_store %arg7[%swap3A_419], %swap3A_422 {strides = array<i32>} : memref<6400xf32, #tpu.memory_space<vmem>>, vector<16xf32>,
          %jit3A = arith.constant 25 : i32
          %eq3A_423 = arith.constant 0 : i32
          %eq3A_424 = arith.cmpi eq, %jit3A, %eq3A_423 : i32
          %jit3A_425 = arith.constant 1 : i32
          %select_n3A = arith.select %eq3A_424, %jit3A_425, %jit3A : i32
          %rem3A = arith.remsi %add3A_209, %select_n3A : i32
          %ne3A = arith.constant 0 : i32
          %ne3A_426 = arith.cmpi ne, %rem3A, %ne3A : i32
          %lt3A_427 = arith.constant 0 : i32
          %lt3A_428 = arith.cmpi slt, %rem3A, %lt3A_427 : i32
          %lt3A_429 = arith.constant 0 : i32
          %lt3A_430 = arith.cmpi slt, %select_n3A, %lt3A_429 : i32
          %ne3A_431 = arith.xori %lt3A_428, %lt3A_430 : i1
          %and3A_432 = arith.andi %ne3A_431, %ne3A_426 : i1
          %add3A_433 = arith.addi %rem3A, %select_n3A : i32
          %select_n3A_434 = arith.select %and3A_432, %add3A_433, %rem3A : i32
          %mul3A_435 = arith.constant 256 : i32
          %mul3A_436 = arith.muli %select_n3A_434, %mul3A_435 : i32
          %dma_start3A_437 = tpu.memref_slice %arg7[%mul3A_436] : memref<6400xf32, #tpu.memory_space<vmem>> -> memref<256xf32, #tpu.memory_space<vmem>>
          %dma_start3A_438 = tpu.memref_slice %arg5[%add3A_209, %add3A_53, %mul3A_0] : memref<200x64x4096xf32, #tpu.memory_space<hbm>> -> memref<1x1x256xf32, #tpu.memory_space<hbm>>
          %dma_start3A_439 = tpu.memref_squeeze %dma_start3A_438 : memref<1x1x256xf32, #tpu.memory_space<hbm>> -> memref<256xf32, #tpu.memory_space<hbm>>
          %dma_start3A_440 = tpu.memref_slice %arg5[%add3A_209, %add3A_53, %mul3A_0] : memref<200x64x4096xf32, #tpu.memory_space<hbm>> -> memref<1x1x256xf32, #tpu.memory_space<hbm>>
          %dma_start3A_441 = tpu.memref_squeeze %dma_start3A_440 : memref<1x1x256xf32, #tpu.memory_space<hbm>> -> memref<256xf32, #tpu.memory_space<hbm>>
          %dma_start3A_442 = tpu.memref_slice %arg7[%mul3A_436] : memref<6400xf32, #tpu.memory_space<vmem>> -> memref<256xf32, #tpu.memory_space<vmem>>
          tpu.enqueue_dma source(%dma_start3A_442 : memref<256xf32, #tpu.memory_space<vmem>>) target(%dma_start3A_441 : memref<256xf32, #tpu.memory_space<hbm>>) target_semaphore(%arg13 : memref<!tpu.dma_semaphore, #tpu.memory_space<semaphore_mem>>)
          %scan3A_443 = arith.constant 0 : i32
          scf.yield %scan3A_443 : i32
        }
        %scan3A_185 = arith.constant 25 : i32
        %mul3A_186 = arith.constant 2 : i32
        %mul3A_187 = arith.muli %scan3A_123, %mul3A_186 : i32
        %add3A_188 = arith.constant 1 : i32
        %add3A_189 = arith.addi %mul3A_187, %add3A_188 : i32
        %mul3A_190 = arith.constant 25 : i32
        %mul3A_191 = arith.muli %add3A_189, %mul3A_190 : i32
        %mul3A_192 = arith.constant 25 : i32
        %mul3A_193 = arith.muli %add3A_189, %mul3A_192 : i32
        %mul3A_194 = arith.constant 256 : i32
        %mul3A_195 = arith.muli %mul3A_193, %mul3A_194 : i32
        %dma_wait3A_196 = tpu.memref_slice %arg6[%mul3A_195] : memref<51200xi32, #tpu.memory_space<vmem>> -> memref<6400xi32, #tpu.memory_space<vmem>>
        %dma_wait3A_197 = arith.constant 0 : i32
        %dma_wait3A_198 = tpu.memref_slice %arg15[%dma_wait3A_197] : memref<1000000xf32, #tpu.memory_space<vmem_shared>> -> memref<1000000xf32, #tpu.memory_space<vmem_shared>>
        tpu.wait_indirect_dma semaphore(%arg12 : memref<!tpu.dma_semaphore, #tpu.memory_space<semaphore_mem>>) src(%dma_wait3A_198 : memref<1000000xf32, #tpu.memory_space<vmem_shared>>) dst(%arg8 : memref<6400xf32, #tpu.memory_space<vmem>>)
        %scan3A_199 = arith.constant 0 : i32
        %scan3A_200 = arith.constant 0 : i32
        %scan3A_201 = arith.constant 25 : i32
        %scan3A_202 = arith.addi %scan3A_200, %scan3A_201 : i32
        %scan3A_203 = arith.constant 1 : i32
        %scan3A_204 = scf.for %scan3A_207 = %scan3A_200 to %scan3A_202 step %scan3A_203 iter_args(%scan3A_208 = %scan3A_199) -> (i32)  : i32 {
          %add3A_209 = arith.addi %mul3A_191, %scan3A_207 : i32
          %mul3A_210 = arith.constant 256 : i32
          %mul3A_211 = arith.muli %scan3A_207, %mul3A_210 : i32
          %mul3A_212 = arith.constant 16 : i32
          %mul3A_213 = arith.muli %add3A_209, %mul3A_212 : i32
          %get3A = arith.index_cast %mul3A_213 : i32 to index
          %get3A_214 = tpu.vector_load %arg9[%get3A] {strides = array<i32>} : memref<3200xf32, #tpu.memory_space<vmem>>, vector<16xf32>,
          %get3A_215 = vector.shape_cast %get3A_214 : vector<16xf32> to vector<16xf32>
          %add3A_216 = arith.constant 0 : i32
          %add3A_217 = arith.addi %mul3A_211, %add3A_216 : i32
          %get3A_218 = arith.index_cast %add3A_217 : i32 to index
          %get3A_219 = tpu.vector_load %arg8[%get3A_218] {strides = array<i32>} : memref<6400xf32, #tpu.memory_space<vmem>>, vector<16xf32>,
          %get3A_220 = vector.shape_cast %get3A_219 : vector<16xf32> to vector<16xf32>
          %mul3A_221 = arith.constant 8.000000e+00 : f32
          %mul3A_222 = vector.broadcast %mul3A_221 : f32 to vector<16xf32>
          %mul3A_223 = arith.mulf %get3A_220, %mul3A_222 : vector<16xf32>
          %add3A_224 = arith.addf %mul3A_223, %get3A_215 : vector<16xf32>
          %swap3A = arith.index_cast %add3A_217 : i32 to index
          %swap3A_225 = tpu.vector_load %arg8[%swap3A] {strides = array<i32>} : memref<6400xf32, #tpu.memory_space<vmem>>, vector<16xf32>,
          %swap3A_226 = vector.shape_cast %swap3A_225 : vector<16xf32> to vector<16xf32>
          %swap3A_227 = vector.shape_cast %add3A_224 : vector<16xf32> to vector<16xf32>
          tpu.vector_store %arg8[%swap3A], %swap3A_227 {strides = array<i32>} : memref<6400xf32, #tpu.memory_space<vmem>>, vector<16xf32>,
          %add3A_228 = arith.constant 16 : i32
          %add3A_229 = arith.addi %mul3A_211, %add3A_228 : i32
          %get3A_230 = arith.index_cast %add3A_229 : i32 to index
          %get3A_231 = tpu.vector_load %arg8[%get3A_230] {strides = array<i32>} : memref<6400xf32, #tpu.memory_space<vmem>>, vector<16xf32>,
          %get3A_232 = vector.shape_cast %get3A_231 : vector<16xf32> to vector<16xf32>
          %mul3A_233 = arith.constant 8.000000e+00 : f32
          %mul3A_234 = vector.broadcast %mul3A_233 : f32 to vector<16xf32>
          %mul3A_235 = arith.mulf %get3A_232, %mul3A_234 : vector<16xf32>
          %add3A_236 = arith.addf %mul3A_235, %get3A_215 : vector<16xf32>
          %swap3A_237 = arith.index_cast %add3A_229 : i32 to index
          %swap3A_238 = tpu.vector_load %arg8[%swap3A_237] {strides = array<i32>} : memref<6400xf32, #tpu.memory_space<vmem>>, vector<16xf32>,
          %swap3A_239 = vector.shape_cast %swap3A_238 : vector<16xf32> to vector<16xf32>
          %swap3A_240 = vector.shape_cast %add3A_236 : vector<16xf32> to vector<16xf32>
          tpu.vector_store %arg8[%swap3A_237], %swap3A_240 {strides = array<i32>} : memref<6400xf32, #tpu.memory_space<vmem>>, vector<16xf32>,
          %add3A_241 = arith.constant 32 : i32
          %add3A_242 = arith.addi %mul3A_211, %add3A_241 : i32
          %get3A_243 = arith.index_cast %add3A_242 : i32 to index
          %get3A_244 = tpu.vector_load %arg8[%get3A_243] {strides = array<i32>} : memref<6400xf32, #tpu.memory_space<vmem>>, vector<16xf32>,
          %get3A_245 = vector.shape_cast %get3A_244 : vector<16xf32> to vector<16xf32>
          %mul3A_246 = arith.constant 8.000000e+00 : f32
          %mul3A_247 = vector.broadcast %mul3A_246 : f32 to vector<16xf32>
          %mul3A_248 = arith.mulf %get3A_245, %mul3A_247 : vector<16xf32>
          %add3A_249 = arith.addf %mul3A_248, %get3A_215 : vector<16xf32>
          %swap3A_250 = arith.index_cast %add3A_242 : i32 to index
          %swap3A_251 = tpu.vector_load %arg8[%swap3A_250] {strides = array<i32>} : memref<6400xf32, #tpu.memory_space<vmem>>, vector<16xf32>,
          %swap3A_252 = vector.shape_cast %swap3A_251 : vector<16xf32> to vector<16xf32>
          %swap3A_253 = vector.shape_cast %add3A_249 : vector<16xf32> to vector<16xf32>
          tpu.vector_store %arg8[%swap3A_250], %swap3A_253 {strides = array<i32>} : memref<6400xf32, #tpu.memory_space<vmem>>, vector<16xf32>,
          %add3A_254 = arith.constant 48 : i32
          %add3A_255 = arith.addi %mul3A_211, %add3A_254 : i32
          %get3A_256 = arith.index_cast %add3A_255 : i32 to index
          %get3A_257 = tpu.vector_load %arg8[%get3A_256] {strides = array<i32>} : memref<6400xf32, #tpu.memory_space<vmem>>, vector<16xf32>,
          %get3A_258 = vector.shape_cast %get3A_257 : vector<16xf32> to vector<16xf32>
          %mul3A_259 = arith.constant 8.000000e+00 : f32
          %mul3A_260 = vector.broadcast %mul3A_259 : f32 to vector<16xf32>
          %mul3A_261 = arith.mulf %get3A_258, %mul3A_260 : vector<16xf32>
          %add3A_262 = arith.addf %mul3A_261, %get3A_215 : vector<16xf32>
          %swap3A_263 = arith.index_cast %add3A_255 : i32 to index
          %swap3A_264 = tpu.vector_load %arg8[%swap3A_263] {strides = array<i32>} : memref<6400xf32, #tpu.memory_space<vmem>>, vector<16xf32>,
          %swap3A_265 = vector.shape_cast %swap3A_264 : vector<16xf32> to vector<16xf32>
          %swap3A_266 = vector.shape_cast %add3A_262 : vector<16xf32> to vector<16xf32>
          tpu.vector_store %arg8[%swap3A_263], %swap3A_266 {strides = array<i32>} : memref<6400xf32, #tpu.memory_space<vmem>>, vector<16xf32>,
          %add3A_267 = arith.constant 64 : i32
          %add3A_268 = arith.addi %mul3A_211, %add3A_267 : i32
          %get3A_269 = arith.index_cast %add3A_268 : i32 to index
          %get3A_270 = tpu.vector_load %arg8[%get3A_269] {strides = array<i32>} : memref<6400xf32, #tpu.memory_space<vmem>>, vector<16xf32>,
          %get3A_271 = vector.shape_cast %get3A_270 : vector<16xf32> to vector<16xf32>
          %mul3A_272 = arith.constant 8.000000e+00 : f32
          %mul3A_273 = vector.broadcast %mul3A_272 : f32 to vector<16xf32>
          %mul3A_274 = arith.mulf %get3A_271, %mul3A_273 : vector<16xf32>
          %add3A_275 = arith.addf %mul3A_274, %get3A_215 : vector<16xf32>
          %swap3A_276 = arith.index_cast %add3A_268 : i32 to index
          %swap3A_277 = tpu.vector_load %arg8[%swap3A_276] {strides = array<i32>} : memref<6400xf32, #tpu.memory_space<vmem>>, vector<16xf32>,
          %swap3A_278 = vector.shape_cast %swap3A_277 : vector<16xf32> to vector<16xf32>
          %swap3A_279 = vector.shape_cast %add3A_275 : vector<16xf32> to vector<16xf32>
          tpu.vector_store %arg8[%swap3A_276], %swap3A_279 {strides = array<i32>} : memref<6400xf32, #tpu.memory_space<vmem>>, vector<16xf32>,
          %add3A_280 = arith.constant 80 : i32
          %add3A_281 = arith.addi %mul3A_211, %add3A_280 : i32
          %get3A_282 = arith.index_cast %add3A_281 : i32 to index
          %get3A_283 = tpu.vector_load %arg8[%get3A_282] {strides = array<i32>} : memref<6400xf32, #tpu.memory_space<vmem>>, vector<16xf32>,
          %get3A_284 = vector.shape_cast %get3A_283 : vector<16xf32> to vector<16xf32>
          %mul3A_285 = arith.constant 8.000000e+00 : f32
          %mul3A_286 = vector.broadcast %mul3A_285 : f32 to vector<16xf32>
          %mul3A_287 = arith.mulf %get3A_284, %mul3A_286 : vector<16xf32>
          %add3A_288 = arith.addf %mul3A_287, %get3A_215 : vector<16xf32>
          %swap3A_289 = arith.index_cast %add3A_281 : i32 to index
          %swap3A_290 = tpu.vector_load %arg8[%swap3A_289] {strides = array<i32>} : memref<6400xf32, #tpu.memory_space<vmem>>, vector<16xf32>,
          %swap3A_291 = vector.shape_cast %swap3A_290 : vector<16xf32> to vector<16xf32>
          %swap3A_292 = vector.shape_cast %add3A_288 : vector<16xf32> to vector<16xf32>
          tpu.vector_store %arg8[%swap3A_289], %swap3A_292 {strides = array<i32>} : memref<6400xf32, #tpu.memory_space<vmem>>, vector<16xf32>,
          %add3A_293 = arith.constant 96 : i32
          %add3A_294 = arith.addi %mul3A_211, %add3A_293 : i32
          %get3A_295 = arith.index_cast %add3A_294 : i32 to index
          %get3A_296 = tpu.vector_load %arg8[%get3A_295] {strides = array<i32>} : memref<6400xf32, #tpu.memory_space<vmem>>, vector<16xf32>,
          %get3A_297 = vector.shape_cast %get3A_296 : vector<16xf32> to vector<16xf32>
          %mul3A_298 = arith.constant 8.000000e+00 : f32
          %mul3A_299 = vector.broadcast %mul3A_298 : f32 to vector<16xf32>
          %mul3A_300 = arith.mulf %get3A_297, %mul3A_299 : vector<16xf32>
          %add3A_301 = arith.addf %mul3A_300, %get3A_215 : vector<16xf32>
          %swap3A_302 = arith.index_cast %add3A_294 : i32 to index
          %swap3A_303 = tpu.vector_load %arg8[%swap3A_302] {strides = array<i32>} : memref<6400xf32, #tpu.memory_space<vmem>>, vector<16xf32>,
          %swap3A_304 = vector.shape_cast %swap3A_303 : vector<16xf32> to vector<16xf32>
          %swap3A_305 = vector.shape_cast %add3A_301 : vector<16xf32> to vector<16xf32>
          tpu.vector_store %arg8[%swap3A_302], %swap3A_305 {strides = array<i32>} : memref<6400xf32, #tpu.memory_space<vmem>>, vector<16xf32>,
          %add3A_306 = arith.constant 112 : i32
          %add3A_307 = arith.addi %mul3A_211, %add3A_306 : i32
          %get3A_308 = arith.index_cast %add3A_307 : i32 to index
          %get3A_309 = tpu.vector_load %arg8[%get3A_308] {strides = array<i32>} : memref<6400xf32, #tpu.memory_space<vmem>>, vector<16xf32>,
          %get3A_310 = vector.shape_cast %get3A_309 : vector<16xf32> to vector<16xf32>
          %mul3A_311 = arith.constant 8.000000e+00 : f32
          %mul3A_312 = vector.broadcast %mul3A_311 : f32 to vector<16xf32>
          %mul3A_313 = arith.mulf %get3A_310, %mul3A_312 : vector<16xf32>
          %add3A_314 = arith.addf %mul3A_313, %get3A_215 : vector<16xf32>
          %swap3A_315 = arith.index_cast %add3A_307 : i32 to index
          %swap3A_316 = tpu.vector_load %arg8[%swap3A_315] {strides = array<i32>} : memref<6400xf32, #tpu.memory_space<vmem>>, vector<16xf32>,
          %swap3A_317 = vector.shape_cast %swap3A_316 : vector<16xf32> to vector<16xf32>
          %swap3A_318 = vector.shape_cast %add3A_314 : vector<16xf32> to vector<16xf32>
          tpu.vector_store %arg8[%swap3A_315], %swap3A_318 {strides = array<i32>} : memref<6400xf32, #tpu.memory_space<vmem>>, vector<16xf32>,
          %add3A_319 = arith.constant 128 : i32
          %add3A_320 = arith.addi %mul3A_211, %add3A_319 : i32
          %get3A_321 = arith.index_cast %add3A_320 : i32 to index
          %get3A_322 = tpu.vector_load %arg8[%get3A_321] {strides = array<i32>} : memref<6400xf32, #tpu.memory_space<vmem>>, vector<16xf32>,
          %get3A_323 = vector.shape_cast %get3A_322 : vector<16xf32> to vector<16xf32>
          %mul3A_324 = arith.constant 8.000000e+00 : f32
          %mul3A_325 = vector.broadcast %mul3A_324 : f32 to vector<16xf32>
          %mul3A_326 = arith.mulf %get3A_323, %mul3A_325 : vector<16xf32>
          %add3A_327 = arith.addf %mul3A_326, %get3A_215 : vector<16xf32>
          %swap3A_328 = arith.index_cast %add3A_320 : i32 to index
          %swap3A_329 = tpu.vector_load %arg8[%swap3A_328] {strides = array<i32>} : memref<6400xf32, #tpu.memory_space<vmem>>, vector<16xf32>,
          %swap3A_330 = vector.shape_cast %swap3A_329 : vector<16xf32> to vector<16xf32>
          %swap3A_331 = vector.shape_cast %add3A_327 : vector<16xf32> to vector<16xf32>
          tpu.vector_store %arg8[%swap3A_328], %swap3A_331 {strides = array<i32>} : memref<6400xf32, #tpu.memory_space<vmem>>, vector<16xf32>,
          %add3A_332 = arith.constant 144 : i32
          %add3A_333 = arith.addi %mul3A_211, %add3A_332 : i32
          %get3A_334 = arith.index_cast %add3A_333 : i32 to index
          %get3A_335 = tpu.vector_load %arg8[%get3A_334] {strides = array<i32>} : memref<6400xf32, #tpu.memory_space<vmem>>, vector<16xf32>,
          %get3A_336 = vector.shape_cast %get3A_335 : vector<16xf32> to vector<16xf32>
          %mul3A_337 = arith.constant 8.000000e+00 : f32
          %mul3A_338 = vector.broadcast %mul3A_337 : f32 to vector<16xf32>
          %mul3A_339 = arith.mulf %get3A_336, %mul3A_338 : vector<16xf32>
          %add3A_340 = arith.addf %mul3A_339, %get3A_215 : vector<16xf32>
          %swap3A_341 = arith.index_cast %add3A_333 : i32 to index
          %swap3A_342 = tpu.vector_load %arg8[%swap3A_341] {strides = array<i32>} : memref<6400xf32, #tpu.memory_space<vmem>>, vector<16xf32>,
          %swap3A_343 = vector.shape_cast %swap3A_342 : vector<16xf32> to vector<16xf32>
          %swap3A_344 = vector.shape_cast %add3A_340 : vector<16xf32> to vector<16xf32>
          tpu.vector_store %arg8[%swap3A_341], %swap3A_344 {strides = array<i32>} : memref<6400xf32, #tpu.memory_space<vmem>>, vector<16xf32>,
          %add3A_345 = arith.constant 160 : i32
          %add3A_346 = arith.addi %mul3A_211, %add3A_345 : i32
          %get3A_347 = arith.index_cast %add3A_346 : i32 to index
          %get3A_348 = tpu.vector_load %arg8[%get3A_347] {strides = array<i32>} : memref<6400xf32, #tpu.memory_space<vmem>>, vector<16xf32>,
          %get3A_349 = vector.shape_cast %get3A_348 : vector<16xf32> to vector<16xf32>
          %mul3A_350 = arith.constant 8.000000e+00 : f32
          %mul3A_351 = vector.broadcast %mul3A_350 : f32 to vector<16xf32>
          %mul3A_352 = arith.mulf %get3A_349, %mul3A_351 : vector<16xf32>
          %add3A_353 = arith.addf %mul3A_352, %get3A_215 : vector<16xf32>
          %swap3A_354 = arith.index_cast %add3A_346 : i32 to index
          %swap3A_355 = tpu.vector_load %arg8[%swap3A_354] {strides = array<i32>} : memref<6400xf32, #tpu.memory_space<vmem>>, vector<16xf32>,
          %swap3A_356 = vector.shape_cast %swap3A_355 : vector<16xf32> to vector<16xf32>
          %swap3A_357 = vector.shape_cast %add3A_353 : vector<16xf32> to vector<16xf32>
          tpu.vector_store %arg8[%swap3A_354], %swap3A_357 {strides = array<i32>} : memref<6400xf32, #tpu.memory_space<vmem>>, vector<16xf32>,
          %add3A_358 = arith.constant 176 : i32
          %add3A_359 = arith.addi %mul3A_211, %add3A_358 : i32
          %get3A_360 = arith.index_cast %add3A_359 : i32 to index
          %get3A_361 = tpu.vector_load %arg8[%get3A_360] {strides = array<i32>} : memref<6400xf32, #tpu.memory_space<vmem>>, vector<16xf32>,
          %get3A_362 = vector.shape_cast %get3A_361 : vector<16xf32> to vector<16xf32>
          %mul3A_363 = arith.constant 8.000000e+00 : f32
          %mul3A_364 = vector.broadcast %mul3A_363 : f32 to vector<16xf32>
          %mul3A_365 = arith.mulf %get3A_362, %mul3A_364 : vector<16xf32>
          %add3A_366 = arith.addf %mul3A_365, %get3A_215 : vector<16xf32>
          %swap3A_367 = arith.index_cast %add3A_359 : i32 to index
          %swap3A_368 = tpu.vector_load %arg8[%swap3A_367] {strides = array<i32>} : memref<6400xf32, #tpu.memory_space<vmem>>, vector<16xf32>,
          %swap3A_369 = vector.shape_cast %swap3A_368 : vector<16xf32> to vector<16xf32>
          %swap3A_370 = vector.shape_cast %add3A_366 : vector<16xf32> to vector<16xf32>
          tpu.vector_store %arg8[%swap3A_367], %swap3A_370 {strides = array<i32>} : memref<6400xf32, #tpu.memory_space<vmem>>, vector<16xf32>,
          %add3A_371 = arith.constant 192 : i32
          %add3A_372 = arith.addi %mul3A_211, %add3A_371 : i32
          %get3A_373 = arith.index_cast %add3A_372 : i32 to index
          %get3A_374 = tpu.vector_load %arg8[%get3A_373] {strides = array<i32>} : memref<6400xf32, #tpu.memory_space<vmem>>, vector<16xf32>,
          %get3A_375 = vector.shape_cast %get3A_374 : vector<16xf32> to vector<16xf32>
          %mul3A_376 = arith.constant 8.000000e+00 : f32
          %mul3A_377 = vector.broadcast %mul3A_376 : f32 to vector<16xf32>
          %mul3A_378 = arith.mulf %get3A_375, %mul3A_377 : vector<16xf32>
          %add3A_379 = arith.addf %mul3A_378, %get3A_215 : vector<16xf32>
          %swap3A_380 = arith.index_cast %add3A_372 : i32 to index
          %swap3A_381 = tpu.vector_load %arg8[%swap3A_380] {strides = array<i32>} : memref<6400xf32, #tpu.memory_space<vmem>>, vector<16xf32>,
          %swap3A_382 = vector.shape_cast %swap3A_381 : vector<16xf32> to vector<16xf32>
          %swap3A_383 = vector.shape_cast %add3A_379 : vector<16xf32> to vector<16xf32>
          tpu.vector_store %arg8[%swap3A_380], %swap3A_383 {strides = array<i32>} : memref<6400xf32, #tpu.memory_space<vmem>>, vector<16xf32>,
          %add3A_384 = arith.constant 208 : i32
          %add3A_385 = arith.addi %mul3A_211, %add3A_384 : i32
          %get3A_386 = arith.index_cast %add3A_385 : i32 to index
          %get3A_387 = tpu.vector_load %arg8[%get3A_386] {strides = array<i32>} : memref<6400xf32, #tpu.memory_space<vmem>>, vector<16xf32>,
          %get3A_388 = vector.shape_cast %get3A_387 : vector<16xf32> to vector<16xf32>
          %mul3A_389 = arith.constant 8.000000e+00 : f32
          %mul3A_390 = vector.broadcast %mul3A_389 : f32 to vector<16xf32>
          %mul3A_391 = arith.mulf %get3A_388, %mul3A_390 : vector<16xf32>
          %add3A_392 = arith.addf %mul3A_391, %get3A_215 : vector<16xf32>
          %swap3A_393 = arith.index_cast %add3A_385 : i32 to index
          %swap3A_394 = tpu.vector_load %arg8[%swap3A_393] {strides = array<i32>} : memref<6400xf32, #tpu.memory_space<vmem>>, vector<16xf32>,
          %swap3A_395 = vector.shape_cast %swap3A_394 : vector<16xf32> to vector<16xf32>
          %swap3A_396 = vector.shape_cast %add3A_392 : vector<16xf32> to vector<16xf32>
          tpu.vector_store %arg8[%swap3A_393], %swap3A_396 {strides = array<i32>} : memref<6400xf32, #tpu.memory_space<vmem>>, vector<16xf32>,
          %add3A_397 = arith.constant 224 : i32
          %add3A_398 = arith.addi %mul3A_211, %add3A_397 : i32
          %get3A_399 = arith.index_cast %add3A_398 : i32 to index
          %get3A_400 = tpu.vector_load %arg8[%get3A_399] {strides = array<i32>} : memref<6400xf32, #tpu.memory_space<vmem>>, vector<16xf32>,
          %get3A_401 = vector.shape_cast %get3A_400 : vector<16xf32> to vector<16xf32>
          %mul3A_402 = arith.constant 8.000000e+00 : f32
          %mul3A_403 = vector.broadcast %mul3A_402 : f32 to vector<16xf32>
          %mul3A_404 = arith.mulf %get3A_401, %mul3A_403 : vector<16xf32>
          %add3A_405 = arith.addf %mul3A_404, %get3A_215 : vector<16xf32>
          %swap3A_406 = arith.index_cast %add3A_398 : i32 to index
          %swap3A_407 = tpu.vector_load %arg8[%swap3A_406] {strides = array<i32>} : memref<6400xf32, #tpu.memory_space<vmem>>, vector<16xf32>,
          %swap3A_408 = vector.shape_cast %swap3A_407 : vector<16xf32> to vector<16xf32>
          %swap3A_409 = vector.shape_cast %add3A_405 : vector<16xf32> to vector<16xf32>
          tpu.vector_store %arg8[%swap3A_406], %swap3A_409 {strides = array<i32>} : memref<6400xf32, #tpu.memory_space<vmem>>, vector<16xf32>,
          %add3A_410 = arith.constant 240 : i32
          %add3A_411 = arith.addi %mul3A_211, %add3A_410 : i32
          %get3A_412 = arith.index_cast %add3A_411 : i32 to index
          %get3A_413 = tpu.vector_load %arg8[%get3A_412] {strides = array<i32>} : memref<6400xf32, #tpu.memory_space<vmem>>, vector<16xf32>,
          %get3A_414 = vector.shape_cast %get3A_413 : vector<16xf32> to vector<16xf32>
          %mul3A_415 = arith.constant 8.000000e+00 : f32
          %mul3A_416 = vector.broadcast %mul3A_415 : f32 to vector<16xf32>
          %mul3A_417 = arith.mulf %get3A_414, %mul3A_416 : vector<16xf32>
          %add3A_418 = arith.addf %mul3A_417, %get3A_215 : vector<16xf32>
          %swap3A_419 = arith.index_cast %add3A_411 : i32 to index
          %swap3A_420 = tpu.vector_load %arg8[%swap3A_419] {strides = array<i32>} : memref<6400xf32, #tpu.memory_space<vmem>>, vector<16xf32>,
          %swap3A_421 = vector.shape_cast %swap3A_420 : vector<16xf32> to vector<16xf32>
          %swap3A_422 = vector.shape_cast %add3A_418 : vector<16xf32> to vector<16xf32>
          tpu.vector_store %arg8[%swap3A_419], %swap3A_422 {strides = array<i32>} : memref<6400xf32, #tpu.memory_space<vmem>>, vector<16xf32>,
          %jit3A = arith.constant 25 : i32
          %eq3A_423 = arith.constant 0 : i32
          %eq3A_424 = arith.cmpi eq, %jit3A, %eq3A_423 : i32
          %jit3A_425 = arith.constant 1 : i32
          %select_n3A = arith.select %eq3A_424, %jit3A_425, %jit3A : i32
          %rem3A = arith.remsi %add3A_209, %select_n3A : i32
          %ne3A = arith.constant 0 : i32
          %ne3A_426 = arith.cmpi ne, %rem3A, %ne3A : i32
          %lt3A_427 = arith.constant 0 : i32
          %lt3A_428 = arith.cmpi slt, %rem3A, %lt3A_427 : i32
          %lt3A_429 = arith.constant 0 : i32
          %lt3A_430 = arith.cmpi slt, %select_n3A, %lt3A_429 : i32
          %ne3A_431 = arith.xori %lt3A_428, %lt3A_430 : i1
          %and3A_432 = arith.andi %ne3A_431, %ne3A_426 : i1
          %add3A_433 = arith.addi %rem3A, %select_n3A : i32
          %select_n3A_434 = arith.select %and3A_432, %add3A_433, %rem3A : i32
          %mul3A_435 = arith.constant 256 : i32
          %mul3A_436 = arith.muli %select_n3A_434, %mul3A_435 : i32
          %dma_start3A_437 = tpu.memref_slice %arg8[%mul3A_436] : memref<6400xf32, #tpu.memory_space<vmem>> -> memref<256xf32, #tpu.memory_space<vmem>>
          %dma_start3A_438 = tpu.memref_slice %arg5[%add3A_209, %add3A_53, %mul3A_0] : memref<200x64x4096xf32, #tpu.memory_space<hbm>> -> memref<1x1x256xf32, #tpu.memory_space<hbm>>
          %dma_start3A_439 = tpu.memref_squeeze %dma_start3A_438 : memref<1x1x256xf32, #tpu.memory_space<hbm>> -> memref<256xf32, #tpu.memory_space<hbm>>
          %dma_start3A_440 = tpu.memref_slice %arg5[%add3A_209, %add3A_53, %mul3A_0] : memref<200x64x4096xf32, #tpu.memory_space<hbm>> -> memref<1x1x256xf32, #tpu.memory_space<hbm>>
          %dma_start3A_441 = tpu.memref_squeeze %dma_start3A_440 : memref<1x1x256xf32, #tpu.memory_space<hbm>> -> memref<256xf32, #tpu.memory_space<hbm>>
          %dma_start3A_442 = tpu.memref_slice %arg8[%mul3A_436] : memref<6400xf32, #tpu.memory_space<vmem>> -> memref<256xf32, #tpu.memory_space<vmem>>
          tpu.enqueue_dma source(%dma_start3A_442 : memref<256xf32, #tpu.memory_space<vmem>>) target(%dma_start3A_441 : memref<256xf32, #tpu.memory_space<hbm>>) target_semaphore(%arg13 : memref<!tpu.dma_semaphore, #tpu.memory_space<semaphore_mem>>)
          %scan3A_443 = arith.constant 0 : i32
          scf.yield %scan3A_443 : i32
        }
        %scan3A_205 = arith.constant 25 : i32
        %scan3A_206 = arith.constant 0 : i32
        scf.yield %scan3A_206 : i32
      }
      %scan3A_60 = arith.constant 3 : i32
      %scan3A_61 = arith.constant 0 : i32
      %scan3A_62 = arith.constant 0 : i32
      %scan3A_63 = arith.constant 25 : i32
      %scan3A_64 = arith.addi %scan3A_62, %scan3A_63 : i32
      %scan3A_65 = arith.constant 1 : i32
      %scan3A_66 = scf.for %scan3A_123 = %scan3A_62 to %scan3A_64 step %scan3A_65 iter_args(%scan3A_124 = %scan3A_61) -> (i32)  : i32 {
        %add3A_125 = arith.constant 100 : i32
        %add3A_126 = arith.addi %add3A_125, %scan3A_123 : i32
        %jit3A = arith.constant 25 : i32
        %eq3A_127 = arith.constant 0 : i32
        %eq3A_128 = arith.cmpi eq, %jit3A, %eq3A_127 : i32
        %jit3A_129 = arith.constant 1 : i32
        %select_n3A = arith.select %eq3A_128, %jit3A_129, %jit3A : i32
        %rem3A = arith.remsi %add3A_126, %select_n3A : i32
        %ne3A = arith.constant 0 : i32
        %ne3A_130 = arith.cmpi ne, %rem3A, %ne3A : i32
        %lt3A_131 = arith.constant 0 : i32
        %lt3A_132 = arith.cmpi slt, %rem3A, %lt3A_131 : i32
        %lt3A_133 = arith.constant 0 : i32
        %lt3A_134 = arith.cmpi slt, %select_n3A, %lt3A_133 : i32
        %ne3A_135 = arith.xori %lt3A_132, %lt3A_134 : i1
        %and3A_136 = arith.andi %ne3A_135, %ne3A_130 : i1
        %add3A_137 = arith.addi %rem3A, %select_n3A : i32
        %select_n3A_138 = arith.select %and3A_136, %add3A_137, %rem3A : i32
        %mul3A_139 = arith.constant 256 : i32
        %mul3A_140 = arith.muli %select_n3A_138, %mul3A_139 : i32
        %dma_wait3A_141 = tpu.memref_slice %arg7[%mul3A_140] : memref<6400xf32, #tpu.memory_space<vmem>> -> memref<256xf32, #tpu.memory_space<vmem>>
        %dma_wait3A_142 = tpu.memref_slice %arg5[%add3A_126, %add3A_53, %mul3A_0] : memref<200x64x4096xf32, #tpu.memory_space<hbm>> -> memref<1x1x256xf32, #tpu.memory_space<hbm>>
        %dma_wait3A_143 = tpu.memref_squeeze %dma_wait3A_142 : memref<1x1x256xf32, #tpu.memory_space<hbm>> -> memref<256xf32, #tpu.memory_space<hbm>>
        %dma_wait3A_144 = tpu.memref_slice %arg5[%add3A_126, %add3A_53, %mul3A_0] : memref<200x64x4096xf32, #tpu.memory_space<hbm>> -> memref<1x1x256xf32, #tpu.memory_space<hbm>>
        %dma_wait3A_145 = tpu.memref_squeeze %dma_wait3A_144 : memref<1x1x256xf32, #tpu.memory_space<hbm>> -> memref<256xf32, #tpu.memory_space<hbm>>
        %dma_wait3A_146 = tpu.memref_slice %arg7[%mul3A_140] : memref<6400xf32, #tpu.memory_space<vmem>> -> memref<256xf32, #tpu.memory_space<vmem>>
        tpu.wait_dma2 semaphore(%arg13 : memref<!tpu.dma_semaphore, #tpu.memory_space<semaphore_mem>>) src(%dma_wait3A_146 : memref<256xf32, #tpu.memory_space<vmem>>) dst(%dma_wait3A_145 : memref<256xf32, #tpu.memory_space<hbm>>)
        %scan3A_147 = arith.constant 0 : i32
        scf.yield %scan3A_147 : i32
      }
      %scan3A_67 = arith.constant 25 : i32
      %dma_start3A_68 = arith.constant 38400 : i32
      %dma_start3A_69 = tpu.memref_slice %arg6[%dma_start3A_68] : memref<51200xi32, #tpu.memory_space<vmem>> -> memref<6400xi32, #tpu.memory_space<vmem>>
      %dma_start3A_70 = arith.constant 0 : i32
      %dma_start3A_71 = tpu.memref_slice %arg15[%dma_start3A_70] : memref<1000000xf32, #tpu.memory_space<vmem_shared>> -> memref<1000000xf32, #tpu.memory_space<vmem_shared>>
      tpu.enqueue_indirect_dma source(%dma_start3A_71 : memref<1000000xf32, #tpu.memory_space<vmem_shared>>) target(%arg7 : memref<6400xf32, #tpu.memory_space<vmem>>) offsets(%dma_start3A_69 : memref<6400xi32, #tpu.memory_space<vmem>>) semaphore(%arg12 : memref<!tpu.dma_semaphore, #tpu.memory_space<semaphore_mem>>)
      %scan3A_72 = arith.constant 0 : i32
      %scan3A_73 = arith.constant 0 : i32
      %scan3A_74 = arith.constant 25 : i32
      %scan3A_75 = arith.addi %scan3A_73, %scan3A_74 : i32
      %scan3A_76 = arith.constant 1 : i32
      %scan3A_77 = scf.for %scan3A_123 = %scan3A_73 to %scan3A_75 step %scan3A_76 iter_args(%scan3A_124 = %scan3A_72) -> (i32)  : i32 {
        %add3A_125 = arith.constant 125 : i32
        %add3A_126 = arith.addi %add3A_125, %scan3A_123 : i32
        %jit3A = arith.constant 25 : i32
        %eq3A_127 = arith.constant 0 : i32
        %eq3A_128 = arith.cmpi eq, %jit3A, %eq3A_127 : i32
        %jit3A_129 = arith.constant 1 : i32
        %select_n3A = arith.select %eq3A_128, %jit3A_129, %jit3A : i32
        %rem3A = arith.remsi %add3A_126, %select_n3A : i32
        %ne3A = arith.constant 0 : i32
        %ne3A_130 = arith.cmpi ne, %rem3A, %ne3A : i32
        %lt3A_131 = arith.constant 0 : i32
        %lt3A_132 = arith.cmpi slt, %rem3A, %lt3A_131 : i32
        %lt3A_133 = arith.constant 0 : i32
        %lt3A_134 = arith.cmpi slt, %select_n3A, %lt3A_133 : i32
        %ne3A_135 = arith.xori %lt3A_132, %lt3A_134 : i1
        %and3A_136 = arith.andi %ne3A_135, %ne3A_130 : i1
        %add3A_137 = arith.addi %rem3A, %select_n3A : i32
        %select_n3A_138 = arith.select %and3A_136, %add3A_137, %rem3A : i32
        %mul3A_139 = arith.constant 256 : i32
        %mul3A_140 = arith.muli %select_n3A_138, %mul3A_139 : i32
        %dma_wait3A_141 = tpu.memref_slice %arg8[%mul3A_140] : memref<6400xf32, #tpu.memory_space<vmem>> -> memref<256xf32, #tpu.memory_space<vmem>>
        %dma_wait3A_142 = tpu.memref_slice %arg5[%add3A_126, %add3A_53, %mul3A_0] : memref<200x64x4096xf32, #tpu.memory_space<hbm>> -> memref<1x1x256xf32, #tpu.memory_space<hbm>>
        %dma_wait3A_143 = tpu.memref_squeeze %dma_wait3A_142 : memref<1x1x256xf32, #tpu.memory_space<hbm>> -> memref<256xf32, #tpu.memory_space<hbm>>
        %dma_wait3A_144 = tpu.memref_slice %arg5[%add3A_126, %add3A_53, %mul3A_0] : memref<200x64x4096xf32, #tpu.memory_space<hbm>> -> memref<1x1x256xf32, #tpu.memory_space<hbm>>
        %dma_wait3A_145 = tpu.memref_squeeze %dma_wait3A_144 : memref<1x1x256xf32, #tpu.memory_space<hbm>> -> memref<256xf32, #tpu.memory_space<hbm>>
        %dma_wait3A_146 = tpu.memref_slice %arg8[%mul3A_140] : memref<6400xf32, #tpu.memory_space<vmem>> -> memref<256xf32, #tpu.memory_space<vmem>>
        tpu.wait_dma2 semaphore(%arg13 : memref<!tpu.dma_semaphore, #tpu.memory_space<semaphore_mem>>) src(%dma_wait3A_146 : memref<256xf32, #tpu.memory_space<vmem>>) dst(%dma_wait3A_145 : memref<256xf32, #tpu.memory_space<hbm>>)
        %scan3A_147 = arith.constant 0 : i32
        scf.yield %scan3A_147 : i32
      }
      %scan3A_78 = arith.constant 25 : i32
      %dma_start3A_79 = arith.constant 44800 : i32
      %dma_start3A_80 = tpu.memref_slice %arg6[%dma_start3A_79] : memref<51200xi32, #tpu.memory_space<vmem>> -> memref<6400xi32, #tpu.memory_space<vmem>>
      %dma_start3A_81 = arith.constant 0 : i32
      %dma_start3A_82 = tpu.memref_slice %arg15[%dma_start3A_81] : memref<1000000xf32, #tpu.memory_space<vmem_shared>> -> memref<1000000xf32, #tpu.memory_space<vmem_shared>>
      tpu.enqueue_indirect_dma source(%dma_start3A_82 : memref<1000000xf32, #tpu.memory_space<vmem_shared>>) target(%arg8 : memref<6400xf32, #tpu.memory_space<vmem>>) offsets(%dma_start3A_80 : memref<6400xi32, #tpu.memory_space<vmem>>) semaphore(%arg12 : memref<!tpu.dma_semaphore, #tpu.memory_space<semaphore_mem>>)
      %dma_wait3A_83 = arith.constant 38400 : i32
      %dma_wait3A_84 = tpu.memref_slice %arg6[%dma_wait3A_83] : memref<51200xi32, #tpu.memory_space<vmem>> -> memref<6400xi32, #tpu.memory_space<vmem>>
      %dma_wait3A_85 = arith.constant 0 : i32
      %dma_wait3A_86 = tpu.memref_slice %arg15[%dma_wait3A_85] : memref<1000000xf32, #tpu.memory_space<vmem_shared>> -> memref<1000000xf32, #tpu.memory_space<vmem_shared>>
      tpu.wait_indirect_dma semaphore(%arg12 : memref<!tpu.dma_semaphore, #tpu.memory_space<semaphore_mem>>) src(%dma_wait3A_86 : memref<1000000xf32, #tpu.memory_space<vmem_shared>>) dst(%arg7 : memref<6400xf32, #tpu.memory_space<vmem>>)
      %dma_wait3A_87 = arith.constant 44800 : i32
      %dma_wait3A_88 = tpu.memref_slice %arg6[%dma_wait3A_87] : memref<51200xi32, #tpu.memory_space<vmem>> -> memref<6400xi32, #tpu.memory_space<vmem>>
      %dma_wait3A_89 = arith.constant 0 : i32
      %dma_wait3A_90 = tpu.memref_slice %arg15[%dma_wait3A_89] : memref<1000000xf32, #tpu.memory_space<vmem_shared>> -> memref<1000000xf32, #tpu.memory_space<vmem_shared>>
      tpu.wait_indirect_dma semaphore(%arg12 : memref<!tpu.dma_semaphore, #tpu.memory_space<semaphore_mem>>) src(%dma_wait3A_90 : memref<1000000xf32, #tpu.memory_space<vmem_shared>>) dst(%arg8 : memref<6400xf32, #tpu.memory_space<vmem>>)
      %barrier3A_91 = arith.constant 0 : index
      tpu.barrier barrier_id(%barrier3A_91)
      %add3A_92 = arith.constant 1 : i32
      %add3A_93 = arith.addi %scan3A_51, %add3A_92 : i32
      %lt3A = arith.constant 32 : i32
      %lt3A_94 = arith.cmpi slt, %add3A_93, %lt3A : i32
      %eq3A_95 = arith.constant 0 : i32
      %eq3A_96 = arith.cmpi eq, %arg1, %eq3A_95 : i32
      %and3A = arith.andi %lt3A_94, %eq3A_96 : i1
      %convert_element_type3A_97 = arith.extui %and3A : i1 to i32
      %cond3A_98 = arith.constant 0 : i32
      %cond3A_99 = arith.cmpi ne, %convert_element_type3A_97, %cond3A_98 : i32
      scf.if %cond3A_99 {
        %add3A_123 = arith.constant 1 : i32
        %add3A_124 = arith.addi %add3A_53, %add3A_123 : i32
        %dma_start3A_125 = arith.constant 0 : i32
        %dma_start3A_126 = tpu.memref_slice %arg3[%add3A_124, %dma_start3A_125] : memref<64x1000000xf32, #tpu.memory_space<hbm>> -> memref<1x1000000xf32, #tpu.memory_space<hbm>>
        %dma_start3A_127 = tpu.memref_squeeze %dma_start3A_126 : memref<1x1000000xf32, #tpu.memory_space<hbm>> -> memref<1000000xf32, #tpu.memory_space<hbm>>
        tpu.enqueue_dma source(%dma_start3A_127 : memref<1000000xf32, #tpu.memory_space<hbm>>) target(%arg15 : memref<1000000xf32, #tpu.memory_space<vmem_shared>>) target_semaphore(%arg10 : memref<!tpu.dma_semaphore, #tpu.memory_space<semaphore_mem>>)
      } else {
      }
      %scan3A_100 = arith.constant 0 : i32
      %scan3A_101 = arith.constant 0 : i32
      %scan3A_102 = arith.constant 25 : i32
      %scan3A_103 = arith.addi %scan3A_101, %scan3A_102 : i32
      %scan3A_104 = arith.constant 1 : i32
      %scan3A_105 = scf.for %scan3A_123 = %scan3A_101 to %scan3A_103 step %scan3A_104 iter_args(%scan3A_124 = %scan3A_100) -> (i32)  : i32 {
        %add3A_125 = arith.constant 150 : i32
        %add3A_126 = arith.addi %add3A_125, %scan3A_123 : i32
        %mul3A_127 = arith.constant 256 : i32
        %mul3A_128 = arith.muli %scan3A_123, %mul3A_127 : i32
        %mul3A_129 = arith.constant 16 : i32
        %mul3A_130 = arith.muli %add3A_126, %mul3A_129 : i32
        %get3A = arith.index_cast %mul3A_130 : i32 to index
        %get3A_131 = tpu.vector_load %arg9[%get3A] {strides = array<i32>} : memref<3200xf32, #tpu.memory_space<vmem>>, vector<16xf32>,
        %get3A_132 = vector.shape_cast %get3A_131 : vector<16xf32> to vector<16xf32>
        %add3A_133 = arith.constant 0 : i32
        %add3A_134 = arith.addi %mul3A_128, %add3A_133 : i32
        %get3A_135 = arith.index_cast %add3A_134 : i32 to index
        %get3A_136 = tpu.vector_load %arg7[%get3A_135] {strides = array<i32>} : memref<6400xf32, #tpu.memory_space<vmem>>, vector<16xf32>,
        %get3A_137 = vector.shape_cast %get3A_136 : vector<16xf32> to vector<16xf32>
        %mul3A_138 = arith.constant 8.000000e+00 : f32
        %mul3A_139 = vector.broadcast %mul3A_138 : f32 to vector<16xf32>
        %mul3A_140 = arith.mulf %get3A_137, %mul3A_139 : vector<16xf32>
        %add3A_141 = arith.addf %mul3A_140, %get3A_132 : vector<16xf32>
        %swap3A = arith.index_cast %add3A_134 : i32 to index
        %swap3A_142 = tpu.vector_load %arg7[%swap3A] {strides = array<i32>} : memref<6400xf32, #tpu.memory_space<vmem>>, vector<16xf32>,
        %swap3A_143 = vector.shape_cast %swap3A_142 : vector<16xf32> to vector<16xf32>
        %swap3A_144 = vector.shape_cast %add3A_141 : vector<16xf32> to vector<16xf32>
        tpu.vector_store %arg7[%swap3A], %swap3A_144 {strides = array<i32>} : memref<6400xf32, #tpu.memory_space<vmem>>, vector<16xf32>,
        %add3A_145 = arith.constant 16 : i32
        %add3A_146 = arith.addi %mul3A_128, %add3A_145 : i32
        %get3A_147 = arith.index_cast %add3A_146 : i32 to index
        %get3A_148 = tpu.vector_load %arg7[%get3A_147] {strides = array<i32>} : memref<6400xf32, #tpu.memory_space<vmem>>, vector<16xf32>,
        %get3A_149 = vector.shape_cast %get3A_148 : vector<16xf32> to vector<16xf32>
        %mul3A_150 = arith.constant 8.000000e+00 : f32
        %mul3A_151 = vector.broadcast %mul3A_150 : f32 to vector<16xf32>
        %mul3A_152 = arith.mulf %get3A_149, %mul3A_151 : vector<16xf32>
        %add3A_153 = arith.addf %mul3A_152, %get3A_132 : vector<16xf32>
        %swap3A_154 = arith.index_cast %add3A_146 : i32 to index
        %swap3A_155 = tpu.vector_load %arg7[%swap3A_154] {strides = array<i32>} : memref<6400xf32, #tpu.memory_space<vmem>>, vector<16xf32>,
        %swap3A_156 = vector.shape_cast %swap3A_155 : vector<16xf32> to vector<16xf32>
        %swap3A_157 = vector.shape_cast %add3A_153 : vector<16xf32> to vector<16xf32>
        tpu.vector_store %arg7[%swap3A_154], %swap3A_157 {strides = array<i32>} : memref<6400xf32, #tpu.memory_space<vmem>>, vector<16xf32>,
        %add3A_158 = arith.constant 32 : i32
        %add3A_159 = arith.addi %mul3A_128, %add3A_158 : i32
        %get3A_160 = arith.index_cast %add3A_159 : i32 to index
        %get3A_161 = tpu.vector_load %arg7[%get3A_160] {strides = array<i32>} : memref<6400xf32, #tpu.memory_space<vmem>>, vector<16xf32>,
        %get3A_162 = vector.shape_cast %get3A_161 : vector<16xf32> to vector<16xf32>
        %mul3A_163 = arith.constant 8.000000e+00 : f32
        %mul3A_164 = vector.broadcast %mul3A_163 : f32 to vector<16xf32>
        %mul3A_165 = arith.mulf %get3A_162, %mul3A_164 : vector<16xf32>
        %add3A_166 = arith.addf %mul3A_165, %get3A_132 : vector<16xf32>
        %swap3A_167 = arith.index_cast %add3A_159 : i32 to index
        %swap3A_168 = tpu.vector_load %arg7[%swap3A_167] {strides = array<i32>} : memref<6400xf32, #tpu.memory_space<vmem>>, vector<16xf32>,
        %swap3A_169 = vector.shape_cast %swap3A_168 : vector<16xf32> to vector<16xf32>
        %swap3A_170 = vector.shape_cast %add3A_166 : vector<16xf32> to vector<16xf32>
        tpu.vector_store %arg7[%swap3A_167], %swap3A_170 {strides = array<i32>} : memref<6400xf32, #tpu.memory_space<vmem>>, vector<16xf32>,
        %add3A_171 = arith.constant 48 : i32
        %add3A_172 = arith.addi %mul3A_128, %add3A_171 : i32
        %get3A_173 = arith.index_cast %add3A_172 : i32 to index
        %get3A_174 = tpu.vector_load %arg7[%get3A_173] {strides = array<i32>} : memref<6400xf32, #tpu.memory_space<vmem>>, vector<16xf32>,
        %get3A_175 = vector.shape_cast %get3A_174 : vector<16xf32> to vector<16xf32>
        %mul3A_176 = arith.constant 8.000000e+00 : f32
        %mul3A_177 = vector.broadcast %mul3A_176 : f32 to vector<16xf32>
        %mul3A_178 = arith.mulf %get3A_175, %mul3A_177 : vector<16xf32>
        %add3A_179 = arith.addf %mul3A_178, %get3A_132 : vector<16xf32>
        %swap3A_180 = arith.index_cast %add3A_172 : i32 to index
        %swap3A_181 = tpu.vector_load %arg7[%swap3A_180] {strides = array<i32>} : memref<6400xf32, #tpu.memory_space<vmem>>, vector<16xf32>,
        %swap3A_182 = vector.shape_cast %swap3A_181 : vector<16xf32> to vector<16xf32>
        %swap3A_183 = vector.shape_cast %add3A_179 : vector<16xf32> to vector<16xf32>
        tpu.vector_store %arg7[%swap3A_180], %swap3A_183 {strides = array<i32>} : memref<6400xf32, #tpu.memory_space<vmem>>, vector<16xf32>,
        %add3A_184 = arith.constant 64 : i32
        %add3A_185 = arith.addi %mul3A_128, %add3A_184 : i32
        %get3A_186 = arith.index_cast %add3A_185 : i32 to index
        %get3A_187 = tpu.vector_load %arg7[%get3A_186] {strides = array<i32>} : memref<6400xf32, #tpu.memory_space<vmem>>, vector<16xf32>,
        %get3A_188 = vector.shape_cast %get3A_187 : vector<16xf32> to vector<16xf32>
        %mul3A_189 = arith.constant 8.000000e+00 : f32
        %mul3A_190 = vector.broadcast %mul3A_189 : f32 to vector<16xf32>
        %mul3A_191 = arith.mulf %get3A_188, %mul3A_190 : vector<16xf32>
        %add3A_192 = arith.addf %mul3A_191, %get3A_132 : vector<16xf32>
        %swap3A_193 = arith.index_cast %add3A_185 : i32 to index
        %swap3A_194 = tpu.vector_load %arg7[%swap3A_193] {strides = array<i32>} : memref<6400xf32, #tpu.memory_space<vmem>>, vector<16xf32>,
        %swap3A_195 = vector.shape_cast %swap3A_194 : vector<16xf32> to vector<16xf32>
        %swap3A_196 = vector.shape_cast %add3A_192 : vector<16xf32> to vector<16xf32>
        tpu.vector_store %arg7[%swap3A_193], %swap3A_196 {strides = array<i32>} : memref<6400xf32, #tpu.memory_space<vmem>>, vector<16xf32>,
        %add3A_197 = arith.constant 80 : i32
        %add3A_198 = arith.addi %mul3A_128, %add3A_197 : i32
        %get3A_199 = arith.index_cast %add3A_198 : i32 to index
        %get3A_200 = tpu.vector_load %arg7[%get3A_199] {strides = array<i32>} : memref<6400xf32, #tpu.memory_space<vmem>>, vector<16xf32>,
        %get3A_201 = vector.shape_cast %get3A_200 : vector<16xf32> to vector<16xf32>
        %mul3A_202 = arith.constant 8.000000e+00 : f32
        %mul3A_203 = vector.broadcast %mul3A_202 : f32 to vector<16xf32>
        %mul3A_204 = arith.mulf %get3A_201, %mul3A_203 : vector<16xf32>
        %add3A_205 = arith.addf %mul3A_204, %get3A_132 : vector<16xf32>
        %swap3A_206 = arith.index_cast %add3A_198 : i32 to index
        %swap3A_207 = tpu.vector_load %arg7[%swap3A_206] {strides = array<i32>} : memref<6400xf32, #tpu.memory_space<vmem>>, vector<16xf32>,
        %swap3A_208 = vector.shape_cast %swap3A_207 : vector<16xf32> to vector<16xf32>
        %swap3A_209 = vector.shape_cast %add3A_205 : vector<16xf32> to vector<16xf32>
        tpu.vector_store %arg7[%swap3A_206], %swap3A_209 {strides = array<i32>} : memref<6400xf32, #tpu.memory_space<vmem>>, vector<16xf32>,
        %add3A_210 = arith.constant 96 : i32
        %add3A_211 = arith.addi %mul3A_128, %add3A_210 : i32
        %get3A_212 = arith.index_cast %add3A_211 : i32 to index
        %get3A_213 = tpu.vector_load %arg7[%get3A_212] {strides = array<i32>} : memref<6400xf32, #tpu.memory_space<vmem>>, vector<16xf32>,
        %get3A_214 = vector.shape_cast %get3A_213 : vector<16xf32> to vector<16xf32>
        %mul3A_215 = arith.constant 8.000000e+00 : f32
        %mul3A_216 = vector.broadcast %mul3A_215 : f32 to vector<16xf32>
        %mul3A_217 = arith.mulf %get3A_214, %mul3A_216 : vector<16xf32>
        %add3A_218 = arith.addf %mul3A_217, %get3A_132 : vector<16xf32>
        %swap3A_219 = arith.index_cast %add3A_211 : i32 to index
        %swap3A_220 = tpu.vector_load %arg7[%swap3A_219] {strides = array<i32>} : memref<6400xf32, #tpu.memory_space<vmem>>, vector<16xf32>,
        %swap3A_221 = vector.shape_cast %swap3A_220 : vector<16xf32> to vector<16xf32>
        %swap3A_222 = vector.shape_cast %add3A_218 : vector<16xf32> to vector<16xf32>
        tpu.vector_store %arg7[%swap3A_219], %swap3A_222 {strides = array<i32>} : memref<6400xf32, #tpu.memory_space<vmem>>, vector<16xf32>,
        %add3A_223 = arith.constant 112 : i32
        %add3A_224 = arith.addi %mul3A_128, %add3A_223 : i32
        %get3A_225 = arith.index_cast %add3A_224 : i32 to index
        %get3A_226 = tpu.vector_load %arg7[%get3A_225] {strides = array<i32>} : memref<6400xf32, #tpu.memory_space<vmem>>, vector<16xf32>,
        %get3A_227 = vector.shape_cast %get3A_226 : vector<16xf32> to vector<16xf32>
        %mul3A_228 = arith.constant 8.000000e+00 : f32
        %mul3A_229 = vector.broadcast %mul3A_228 : f32 to vector<16xf32>
        %mul3A_230 = arith.mulf %get3A_227, %mul3A_229 : vector<16xf32>
        %add3A_231 = arith.addf %mul3A_230, %get3A_132 : vector<16xf32>
        %swap3A_232 = arith.index_cast %add3A_224 : i32 to index
        %swap3A_233 = tpu.vector_load %arg7[%swap3A_232] {strides = array<i32>} : memref<6400xf32, #tpu.memory_space<vmem>>, vector<16xf32>,
        %swap3A_234 = vector.shape_cast %swap3A_233 : vector<16xf32> to vector<16xf32>
        %swap3A_235 = vector.shape_cast %add3A_231 : vector<16xf32> to vector<16xf32>
        tpu.vector_store %arg7[%swap3A_232], %swap3A_235 {strides = array<i32>} : memref<6400xf32, #tpu.memory_space<vmem>>, vector<16xf32>,
        %add3A_236 = arith.constant 128 : i32
        %add3A_237 = arith.addi %mul3A_128, %add3A_236 : i32
        %get3A_238 = arith.index_cast %add3A_237 : i32 to index
        %get3A_239 = tpu.vector_load %arg7[%get3A_238] {strides = array<i32>} : memref<6400xf32, #tpu.memory_space<vmem>>, vector<16xf32>,
        %get3A_240 = vector.shape_cast %get3A_239 : vector<16xf32> to vector<16xf32>
        %mul3A_241 = arith.constant 8.000000e+00 : f32
        %mul3A_242 = vector.broadcast %mul3A_241 : f32 to vector<16xf32>
        %mul3A_243 = arith.mulf %get3A_240, %mul3A_242 : vector<16xf32>
        %add3A_244 = arith.addf %mul3A_243, %get3A_132 : vector<16xf32>
        %swap3A_245 = arith.index_cast %add3A_237 : i32 to index
        %swap3A_246 = tpu.vector_load %arg7[%swap3A_245] {strides = array<i32>} : memref<6400xf32, #tpu.memory_space<vmem>>, vector<16xf32>,
        %swap3A_247 = vector.shape_cast %swap3A_246 : vector<16xf32> to vector<16xf32>
        %swap3A_248 = vector.shape_cast %add3A_244 : vector<16xf32> to vector<16xf32>
        tpu.vector_store %arg7[%swap3A_245], %swap3A_248 {strides = array<i32>} : memref<6400xf32, #tpu.memory_space<vmem>>, vector<16xf32>,
        %add3A_249 = arith.constant 144 : i32
        %add3A_250 = arith.addi %mul3A_128, %add3A_249 : i32
        %get3A_251 = arith.index_cast %add3A_250 : i32 to index
        %get3A_252 = tpu.vector_load %arg7[%get3A_251] {strides = array<i32>} : memref<6400xf32, #tpu.memory_space<vmem>>, vector<16xf32>,
        %get3A_253 = vector.shape_cast %get3A_252 : vector<16xf32> to vector<16xf32>
        %mul3A_254 = arith.constant 8.000000e+00 : f32
        %mul3A_255 = vector.broadcast %mul3A_254 : f32 to vector<16xf32>
        %mul3A_256 = arith.mulf %get3A_253, %mul3A_255 : vector<16xf32>
        %add3A_257 = arith.addf %mul3A_256, %get3A_132 : vector<16xf32>
        %swap3A_258 = arith.index_cast %add3A_250 : i32 to index
        %swap3A_259 = tpu.vector_load %arg7[%swap3A_258] {strides = array<i32>} : memref<6400xf32, #tpu.memory_space<vmem>>, vector<16xf32>,
        %swap3A_260 = vector.shape_cast %swap3A_259 : vector<16xf32> to vector<16xf32>
        %swap3A_261 = vector.shape_cast %add3A_257 : vector<16xf32> to vector<16xf32>
        tpu.vector_store %arg7[%swap3A_258], %swap3A_261 {strides = array<i32>} : memref<6400xf32, #tpu.memory_space<vmem>>, vector<16xf32>,
        %add3A_262 = arith.constant 160 : i32
        %add3A_263 = arith.addi %mul3A_128, %add3A_262 : i32
        %get3A_264 = arith.index_cast %add3A_263 : i32 to index
        %get3A_265 = tpu.vector_load %arg7[%get3A_264] {strides = array<i32>} : memref<6400xf32, #tpu.memory_space<vmem>>, vector<16xf32>,
        %get3A_266 = vector.shape_cast %get3A_265 : vector<16xf32> to vector<16xf32>
        %mul3A_267 = arith.constant 8.000000e+00 : f32
        %mul3A_268 = vector.broadcast %mul3A_267 : f32 to vector<16xf32>
        %mul3A_269 = arith.mulf %get3A_266, %mul3A_268 : vector<16xf32>
        %add3A_270 = arith.addf %mul3A_269, %get3A_132 : vector<16xf32>
        %swap3A_271 = arith.index_cast %add3A_263 : i32 to index
        %swap3A_272 = tpu.vector_load %arg7[%swap3A_271] {strides = array<i32>} : memref<6400xf32, #tpu.memory_space<vmem>>, vector<16xf32>,
        %swap3A_273 = vector.shape_cast %swap3A_272 : vector<16xf32> to vector<16xf32>
        %swap3A_274 = vector.shape_cast %add3A_270 : vector<16xf32> to vector<16xf32>
        tpu.vector_store %arg7[%swap3A_271], %swap3A_274 {strides = array<i32>} : memref<6400xf32, #tpu.memory_space<vmem>>, vector<16xf32>,
        %add3A_275 = arith.constant 176 : i32
        %add3A_276 = arith.addi %mul3A_128, %add3A_275 : i32
        %get3A_277 = arith.index_cast %add3A_276 : i32 to index
        %get3A_278 = tpu.vector_load %arg7[%get3A_277] {strides = array<i32>} : memref<6400xf32, #tpu.memory_space<vmem>>, vector<16xf32>,
        %get3A_279 = vector.shape_cast %get3A_278 : vector<16xf32> to vector<16xf32>
        %mul3A_280 = arith.constant 8.000000e+00 : f32
        %mul3A_281 = vector.broadcast %mul3A_280 : f32 to vector<16xf32>
        %mul3A_282 = arith.mulf %get3A_279, %mul3A_281 : vector<16xf32>
        %add3A_283 = arith.addf %mul3A_282, %get3A_132 : vector<16xf32>
        %swap3A_284 = arith.index_cast %add3A_276 : i32 to index
        %swap3A_285 = tpu.vector_load %arg7[%swap3A_284] {strides = array<i32>} : memref<6400xf32, #tpu.memory_space<vmem>>, vector<16xf32>,
        %swap3A_286 = vector.shape_cast %swap3A_285 : vector<16xf32> to vector<16xf32>
        %swap3A_287 = vector.shape_cast %add3A_283 : vector<16xf32> to vector<16xf32>
        tpu.vector_store %arg7[%swap3A_284], %swap3A_287 {strides = array<i32>} : memref<6400xf32, #tpu.memory_space<vmem>>, vector<16xf32>,
        %add3A_288 = arith.constant 192 : i32
        %add3A_289 = arith.addi %mul3A_128, %add3A_288 : i32
        %get3A_290 = arith.index_cast %add3A_289 : i32 to index
        %get3A_291 = tpu.vector_load %arg7[%get3A_290] {strides = array<i32>} : memref<6400xf32, #tpu.memory_space<vmem>>, vector<16xf32>,
        %get3A_292 = vector.shape_cast %get3A_291 : vector<16xf32> to vector<16xf32>
        %mul3A_293 = arith.constant 8.000000e+00 : f32
        %mul3A_294 = vector.broadcast %mul3A_293 : f32 to vector<16xf32>
        %mul3A_295 = arith.mulf %get3A_292, %mul3A_294 : vector<16xf32>
        %add3A_296 = arith.addf %mul3A_295, %get3A_132 : vector<16xf32>
        %swap3A_297 = arith.index_cast %add3A_289 : i32 to index
        %swap3A_298 = tpu.vector_load %arg7[%swap3A_297] {strides = array<i32>} : memref<6400xf32, #tpu.memory_space<vmem>>, vector<16xf32>,
        %swap3A_299 = vector.shape_cast %swap3A_298 : vector<16xf32> to vector<16xf32>
        %swap3A_300 = vector.shape_cast %add3A_296 : vector<16xf32> to vector<16xf32>
        tpu.vector_store %arg7[%swap3A_297], %swap3A_300 {strides = array<i32>} : memref<6400xf32, #tpu.memory_space<vmem>>, vector<16xf32>,
        %add3A_301 = arith.constant 208 : i32
        %add3A_302 = arith.addi %mul3A_128, %add3A_301 : i32
        %get3A_303 = arith.index_cast %add3A_302 : i32 to index
        %get3A_304 = tpu.vector_load %arg7[%get3A_303] {strides = array<i32>} : memref<6400xf32, #tpu.memory_space<vmem>>, vector<16xf32>,
        %get3A_305 = vector.shape_cast %get3A_304 : vector<16xf32> to vector<16xf32>
        %mul3A_306 = arith.constant 8.000000e+00 : f32
        %mul3A_307 = vector.broadcast %mul3A_306 : f32 to vector<16xf32>
        %mul3A_308 = arith.mulf %get3A_305, %mul3A_307 : vector<16xf32>
        %add3A_309 = arith.addf %mul3A_308, %get3A_132 : vector<16xf32>
        %swap3A_310 = arith.index_cast %add3A_302 : i32 to index
        %swap3A_311 = tpu.vector_load %arg7[%swap3A_310] {strides = array<i32>} : memref<6400xf32, #tpu.memory_space<vmem>>, vector<16xf32>,
        %swap3A_312 = vector.shape_cast %swap3A_311 : vector<16xf32> to vector<16xf32>
        %swap3A_313 = vector.shape_cast %add3A_309 : vector<16xf32> to vector<16xf32>
        tpu.vector_store %arg7[%swap3A_310], %swap3A_313 {strides = array<i32>} : memref<6400xf32, #tpu.memory_space<vmem>>, vector<16xf32>,
        %add3A_314 = arith.constant 224 : i32
        %add3A_315 = arith.addi %mul3A_128, %add3A_314 : i32
        %get3A_316 = arith.index_cast %add3A_315 : i32 to index
        %get3A_317 = tpu.vector_load %arg7[%get3A_316] {strides = array<i32>} : memref<6400xf32, #tpu.memory_space<vmem>>, vector<16xf32>,
        %get3A_318 = vector.shape_cast %get3A_317 : vector<16xf32> to vector<16xf32>
        %mul3A_319 = arith.constant 8.000000e+00 : f32
        %mul3A_320 = vector.broadcast %mul3A_319 : f32 to vector<16xf32>
        %mul3A_321 = arith.mulf %get3A_318, %mul3A_320 : vector<16xf32>
        %add3A_322 = arith.addf %mul3A_321, %get3A_132 : vector<16xf32>
        %swap3A_323 = arith.index_cast %add3A_315 : i32 to index
        %swap3A_324 = tpu.vector_load %arg7[%swap3A_323] {strides = array<i32>} : memref<6400xf32, #tpu.memory_space<vmem>>, vector<16xf32>,
        %swap3A_325 = vector.shape_cast %swap3A_324 : vector<16xf32> to vector<16xf32>
        %swap3A_326 = vector.shape_cast %add3A_322 : vector<16xf32> to vector<16xf32>
        tpu.vector_store %arg7[%swap3A_323], %swap3A_326 {strides = array<i32>} : memref<6400xf32, #tpu.memory_space<vmem>>, vector<16xf32>,
        %add3A_327 = arith.constant 240 : i32
        %add3A_328 = arith.addi %mul3A_128, %add3A_327 : i32
        %get3A_329 = arith.index_cast %add3A_328 : i32 to index
        %get3A_330 = tpu.vector_load %arg7[%get3A_329] {strides = array<i32>} : memref<6400xf32, #tpu.memory_space<vmem>>, vector<16xf32>,
        %get3A_331 = vector.shape_cast %get3A_330 : vector<16xf32> to vector<16xf32>
        %mul3A_332 = arith.constant 8.000000e+00 : f32
        %mul3A_333 = vector.broadcast %mul3A_332 : f32 to vector<16xf32>
        %mul3A_334 = arith.mulf %get3A_331, %mul3A_333 : vector<16xf32>
        %add3A_335 = arith.addf %mul3A_334, %get3A_132 : vector<16xf32>
        %swap3A_336 = arith.index_cast %add3A_328 : i32 to index
        %swap3A_337 = tpu.vector_load %arg7[%swap3A_336] {strides = array<i32>} : memref<6400xf32, #tpu.memory_space<vmem>>, vector<16xf32>,
        %swap3A_338 = vector.shape_cast %swap3A_337 : vector<16xf32> to vector<16xf32>
        %swap3A_339 = vector.shape_cast %add3A_335 : vector<16xf32> to vector<16xf32>
        tpu.vector_store %arg7[%swap3A_336], %swap3A_339 {strides = array<i32>} : memref<6400xf32, #tpu.memory_space<vmem>>, vector<16xf32>,
        %jit3A = arith.constant 25 : i32
        %eq3A_340 = arith.constant 0 : i32
        %eq3A_341 = arith.cmpi eq, %jit3A, %eq3A_340 : i32
        %jit3A_342 = arith.constant 1 : i32
        %select_n3A = arith.select %eq3A_341, %jit3A_342, %jit3A : i32
        %rem3A = arith.remsi %add3A_126, %select_n3A : i32
        %ne3A = arith.constant 0 : i32
        %ne3A_343 = arith.cmpi ne, %rem3A, %ne3A : i32
        %lt3A_344 = arith.constant 0 : i32
        %lt3A_345 = arith.cmpi slt, %rem3A, %lt3A_344 : i32
        %lt3A_346 = arith.constant 0 : i32
        %lt3A_347 = arith.cmpi slt, %select_n3A, %lt3A_346 : i32
        %ne3A_348 = arith.xori %lt3A_345, %lt3A_347 : i1
        %and3A_349 = arith.andi %ne3A_348, %ne3A_343 : i1
        %add3A_350 = arith.addi %rem3A, %select_n3A : i32
        %select_n3A_351 = arith.select %and3A_349, %add3A_350, %rem3A : i32
        %mul3A_352 = arith.constant 256 : i32
        %mul3A_353 = arith.muli %select_n3A_351, %mul3A_352 : i32
        %dma_start3A_354 = tpu.memref_slice %arg7[%mul3A_353] : memref<6400xf32, #tpu.memory_space<vmem>> -> memref<256xf32, #tpu.memory_space<vmem>>
        %dma_start3A_355 = tpu.memref_slice %arg5[%add3A_126, %add3A_53, %mul3A_0] : memref<200x64x4096xf32, #tpu.memory_space<hbm>> -> memref<1x1x256xf32, #tpu.memory_space<hbm>>
        %dma_start3A_356 = tpu.memref_squeeze %dma_start3A_355 : memref<1x1x256xf32, #tpu.memory_space<hbm>> -> memref<256xf32, #tpu.memory_space<hbm>>
        %dma_start3A_357 = tpu.memref_slice %arg5[%add3A_126, %add3A_53, %mul3A_0] : memref<200x64x4096xf32, #tpu.memory_space<hbm>> -> memref<1x1x256xf32, #tpu.memory_space<hbm>>
        %dma_start3A_358 = tpu.memref_squeeze %dma_start3A_357 : memref<1x1x256xf32, #tpu.memory_space<hbm>> -> memref<256xf32, #tpu.memory_space<hbm>>
        %dma_start3A_359 = tpu.memref_slice %arg7[%mul3A_353] : memref<6400xf32, #tpu.memory_space<vmem>> -> memref<256xf32, #tpu.memory_space<vmem>>
        tpu.enqueue_dma source(%dma_start3A_359 : memref<256xf32, #tpu.memory_space<vmem>>) target(%dma_start3A_358 : memref<256xf32, #tpu.memory_space<hbm>>) target_semaphore(%arg13 : memref<!tpu.dma_semaphore, #tpu.memory_space<semaphore_mem>>)
        %scan3A_360 = arith.constant 0 : i32
        scf.yield %scan3A_360 : i32
      }
      %scan3A_106 = arith.constant 25 : i32
      %scan3A_107 = arith.constant 0 : i32
      %scan3A_108 = arith.constant 0 : i32
      %scan3A_109 = arith.constant 25 : i32
      %scan3A_110 = arith.addi %scan3A_108, %scan3A_109 : i32
      %scan3A_111 = arith.constant 1 : i32
      %scan3A_112 = scf.for %scan3A_123 = %scan3A_108 to %scan3A_110 step %scan3A_111 iter_args(%scan3A_124 = %scan3A_107) -> (i32)  : i32 {
        %add3A_125 = arith.constant 175 : i32
        %add3A_126 = arith.addi %add3A_125, %scan3A_123 : i32
        %mul3A_127 = arith.constant 256 : i32
        %mul3A_128 = arith.muli %scan3A_123, %mul3A_127 : i32
        %mul3A_129 = arith.constant 16 : i32
        %mul3A_130 = arith.muli %add3A_126, %mul3A_129 : i32
        %get3A = arith.index_cast %mul3A_130 : i32 to index
        %get3A_131 = tpu.vector_load %arg9[%get3A] {strides = array<i32>} : memref<3200xf32, #tpu.memory_space<vmem>>, vector<16xf32>,
        %get3A_132 = vector.shape_cast %get3A_131 : vector<16xf32> to vector<16xf32>
        %add3A_133 = arith.constant 0 : i32
        %add3A_134 = arith.addi %mul3A_128, %add3A_133 : i32
        %get3A_135 = arith.index_cast %add3A_134 : i32 to index
        %get3A_136 = tpu.vector_load %arg8[%get3A_135] {strides = array<i32>} : memref<6400xf32, #tpu.memory_space<vmem>>, vector<16xf32>,
        %get3A_137 = vector.shape_cast %get3A_136 : vector<16xf32> to vector<16xf32>
        %mul3A_138 = arith.constant 8.000000e+00 : f32
        %mul3A_139 = vector.broadcast %mul3A_138 : f32 to vector<16xf32>
        %mul3A_140 = arith.mulf %get3A_137, %mul3A_139 : vector<16xf32>
        %add3A_141 = arith.addf %mul3A_140, %get3A_132 : vector<16xf32>
        %swap3A = arith.index_cast %add3A_134 : i32 to index
        %swap3A_142 = tpu.vector_load %arg8[%swap3A] {strides = array<i32>} : memref<6400xf32, #tpu.memory_space<vmem>>, vector<16xf32>,
        %swap3A_143 = vector.shape_cast %swap3A_142 : vector<16xf32> to vector<16xf32>
        %swap3A_144 = vector.shape_cast %add3A_141 : vector<16xf32> to vector<16xf32>
        tpu.vector_store %arg8[%swap3A], %swap3A_144 {strides = array<i32>} : memref<6400xf32, #tpu.memory_space<vmem>>, vector<16xf32>,
        %add3A_145 = arith.constant 16 : i32
        %add3A_146 = arith.addi %mul3A_128, %add3A_145 : i32
        %get3A_147 = arith.index_cast %add3A_146 : i32 to index
        %get3A_148 = tpu.vector_load %arg8[%get3A_147] {strides = array<i32>} : memref<6400xf32, #tpu.memory_space<vmem>>, vector<16xf32>,
        %get3A_149 = vector.shape_cast %get3A_148 : vector<16xf32> to vector<16xf32>
        %mul3A_150 = arith.constant 8.000000e+00 : f32
        %mul3A_151 = vector.broadcast %mul3A_150 : f32 to vector<16xf32>
        %mul3A_152 = arith.mulf %get3A_149, %mul3A_151 : vector<16xf32>
        %add3A_153 = arith.addf %mul3A_152, %get3A_132 : vector<16xf32>
        %swap3A_154 = arith.index_cast %add3A_146 : i32 to index
        %swap3A_155 = tpu.vector_load %arg8[%swap3A_154] {strides = array<i32>} : memref<6400xf32, #tpu.memory_space<vmem>>, vector<16xf32>,
        %swap3A_156 = vector.shape_cast %swap3A_155 : vector<16xf32> to vector<16xf32>
        %swap3A_157 = vector.shape_cast %add3A_153 : vector<16xf32> to vector<16xf32>
        tpu.vector_store %arg8[%swap3A_154], %swap3A_157 {strides = array<i32>} : memref<6400xf32, #tpu.memory_space<vmem>>, vector<16xf32>,
        %add3A_158 = arith.constant 32 : i32
        %add3A_159 = arith.addi %mul3A_128, %add3A_158 : i32
        %get3A_160 = arith.index_cast %add3A_159 : i32 to index
        %get3A_161 = tpu.vector_load %arg8[%get3A_160] {strides = array<i32>} : memref<6400xf32, #tpu.memory_space<vmem>>, vector<16xf32>,
        %get3A_162 = vector.shape_cast %get3A_161 : vector<16xf32> to vector<16xf32>
        %mul3A_163 = arith.constant 8.000000e+00 : f32
        %mul3A_164 = vector.broadcast %mul3A_163 : f32 to vector<16xf32>
        %mul3A_165 = arith.mulf %get3A_162, %mul3A_164 : vector<16xf32>
        %add3A_166 = arith.addf %mul3A_165, %get3A_132 : vector<16xf32>
        %swap3A_167 = arith.index_cast %add3A_159 : i32 to index
        %swap3A_168 = tpu.vector_load %arg8[%swap3A_167] {strides = array<i32>} : memref<6400xf32, #tpu.memory_space<vmem>>, vector<16xf32>,
        %swap3A_169 = vector.shape_cast %swap3A_168 : vector<16xf32> to vector<16xf32>
        %swap3A_170 = vector.shape_cast %add3A_166 : vector<16xf32> to vector<16xf32>
        tpu.vector_store %arg8[%swap3A_167], %swap3A_170 {strides = array<i32>} : memref<6400xf32, #tpu.memory_space<vmem>>, vector<16xf32>,
        %add3A_171 = arith.constant 48 : i32
        %add3A_172 = arith.addi %mul3A_128, %add3A_171 : i32
        %get3A_173 = arith.index_cast %add3A_172 : i32 to index
        %get3A_174 = tpu.vector_load %arg8[%get3A_173] {strides = array<i32>} : memref<6400xf32, #tpu.memory_space<vmem>>, vector<16xf32>,
        %get3A_175 = vector.shape_cast %get3A_174 : vector<16xf32> to vector<16xf32>
        %mul3A_176 = arith.constant 8.000000e+00 : f32
        %mul3A_177 = vector.broadcast %mul3A_176 : f32 to vector<16xf32>
        %mul3A_178 = arith.mulf %get3A_175, %mul3A_177 : vector<16xf32>
        %add3A_179 = arith.addf %mul3A_178, %get3A_132 : vector<16xf32>
        %swap3A_180 = arith.index_cast %add3A_172 : i32 to index
        %swap3A_181 = tpu.vector_load %arg8[%swap3A_180] {strides = array<i32>} : memref<6400xf32, #tpu.memory_space<vmem>>, vector<16xf32>,
        %swap3A_182 = vector.shape_cast %swap3A_181 : vector<16xf32> to vector<16xf32>
        %swap3A_183 = vector.shape_cast %add3A_179 : vector<16xf32> to vector<16xf32>
        tpu.vector_store %arg8[%swap3A_180], %swap3A_183 {strides = array<i32>} : memref<6400xf32, #tpu.memory_space<vmem>>, vector<16xf32>,
        %add3A_184 = arith.constant 64 : i32
        %add3A_185 = arith.addi %mul3A_128, %add3A_184 : i32
        %get3A_186 = arith.index_cast %add3A_185 : i32 to index
        %get3A_187 = tpu.vector_load %arg8[%get3A_186] {strides = array<i32>} : memref<6400xf32, #tpu.memory_space<vmem>>, vector<16xf32>,
        %get3A_188 = vector.shape_cast %get3A_187 : vector<16xf32> to vector<16xf32>
        %mul3A_189 = arith.constant 8.000000e+00 : f32
        %mul3A_190 = vector.broadcast %mul3A_189 : f32 to vector<16xf32>
        %mul3A_191 = arith.mulf %get3A_188, %mul3A_190 : vector<16xf32>
        %add3A_192 = arith.addf %mul3A_191, %get3A_132 : vector<16xf32>
        %swap3A_193 = arith.index_cast %add3A_185 : i32 to index
        %swap3A_194 = tpu.vector_load %arg8[%swap3A_193] {strides = array<i32>} : memref<6400xf32, #tpu.memory_space<vmem>>, vector<16xf32>,
        %swap3A_195 = vector.shape_cast %swap3A_194 : vector<16xf32> to vector<16xf32>
        %swap3A_196 = vector.shape_cast %add3A_192 : vector<16xf32> to vector<16xf32>
        tpu.vector_store %arg8[%swap3A_193], %swap3A_196 {strides = array<i32>} : memref<6400xf32, #tpu.memory_space<vmem>>, vector<16xf32>,
        %add3A_197 = arith.constant 80 : i32
        %add3A_198 = arith.addi %mul3A_128, %add3A_197 : i32
        %get3A_199 = arith.index_cast %add3A_198 : i32 to index
        %get3A_200 = tpu.vector_load %arg8[%get3A_199] {strides = array<i32>} : memref<6400xf32, #tpu.memory_space<vmem>>, vector<16xf32>,
        %get3A_201 = vector.shape_cast %get3A_200 : vector<16xf32> to vector<16xf32>
        %mul3A_202 = arith.constant 8.000000e+00 : f32
        %mul3A_203 = vector.broadcast %mul3A_202 : f32 to vector<16xf32>
        %mul3A_204 = arith.mulf %get3A_201, %mul3A_203 : vector<16xf32>
        %add3A_205 = arith.addf %mul3A_204, %get3A_132 : vector<16xf32>
        %swap3A_206 = arith.index_cast %add3A_198 : i32 to index
        %swap3A_207 = tpu.vector_load %arg8[%swap3A_206] {strides = array<i32>} : memref<6400xf32, #tpu.memory_space<vmem>>, vector<16xf32>,
        %swap3A_208 = vector.shape_cast %swap3A_207 : vector<16xf32> to vector<16xf32>
        %swap3A_209 = vector.shape_cast %add3A_205 : vector<16xf32> to vector<16xf32>
        tpu.vector_store %arg8[%swap3A_206], %swap3A_209 {strides = array<i32>} : memref<6400xf32, #tpu.memory_space<vmem>>, vector<16xf32>,
        %add3A_210 = arith.constant 96 : i32
        %add3A_211 = arith.addi %mul3A_128, %add3A_210 : i32
        %get3A_212 = arith.index_cast %add3A_211 : i32 to index
        %get3A_213 = tpu.vector_load %arg8[%get3A_212] {strides = array<i32>} : memref<6400xf32, #tpu.memory_space<vmem>>, vector<16xf32>,
        %get3A_214 = vector.shape_cast %get3A_213 : vector<16xf32> to vector<16xf32>
        %mul3A_215 = arith.constant 8.000000e+00 : f32
        %mul3A_216 = vector.broadcast %mul3A_215 : f32 to vector<16xf32>
        %mul3A_217 = arith.mulf %get3A_214, %mul3A_216 : vector<16xf32>
        %add3A_218 = arith.addf %mul3A_217, %get3A_132 : vector<16xf32>
        %swap3A_219 = arith.index_cast %add3A_211 : i32 to index
        %swap3A_220 = tpu.vector_load %arg8[%swap3A_219] {strides = array<i32>} : memref<6400xf32, #tpu.memory_space<vmem>>, vector<16xf32>,
        %swap3A_221 = vector.shape_cast %swap3A_220 : vector<16xf32> to vector<16xf32>
        %swap3A_222 = vector.shape_cast %add3A_218 : vector<16xf32> to vector<16xf32>
        tpu.vector_store %arg8[%swap3A_219], %swap3A_222 {strides = array<i32>} : memref<6400xf32, #tpu.memory_space<vmem>>, vector<16xf32>,
        %add3A_223 = arith.constant 112 : i32
        %add3A_224 = arith.addi %mul3A_128, %add3A_223 : i32
        %get3A_225 = arith.index_cast %add3A_224 : i32 to index
        %get3A_226 = tpu.vector_load %arg8[%get3A_225] {strides = array<i32>} : memref<6400xf32, #tpu.memory_space<vmem>>, vector<16xf32>,
        %get3A_227 = vector.shape_cast %get3A_226 : vector<16xf32> to vector<16xf32>
        %mul3A_228 = arith.constant 8.000000e+00 : f32
        %mul3A_229 = vector.broadcast %mul3A_228 : f32 to vector<16xf32>
        %mul3A_230 = arith.mulf %get3A_227, %mul3A_229 : vector<16xf32>
        %add3A_231 = arith.addf %mul3A_230, %get3A_132 : vector<16xf32>
        %swap3A_232 = arith.index_cast %add3A_224 : i32 to index
        %swap3A_233 = tpu.vector_load %arg8[%swap3A_232] {strides = array<i32>} : memref<6400xf32, #tpu.memory_space<vmem>>, vector<16xf32>,
        %swap3A_234 = vector.shape_cast %swap3A_233 : vector<16xf32> to vector<16xf32>
        %swap3A_235 = vector.shape_cast %add3A_231 : vector<16xf32> to vector<16xf32>
        tpu.vector_store %arg8[%swap3A_232], %swap3A_235 {strides = array<i32>} : memref<6400xf32, #tpu.memory_space<vmem>>, vector<16xf32>,
        %add3A_236 = arith.constant 128 : i32
        %add3A_237 = arith.addi %mul3A_128, %add3A_236 : i32
        %get3A_238 = arith.index_cast %add3A_237 : i32 to index
        %get3A_239 = tpu.vector_load %arg8[%get3A_238] {strides = array<i32>} : memref<6400xf32, #tpu.memory_space<vmem>>, vector<16xf32>,
        %get3A_240 = vector.shape_cast %get3A_239 : vector<16xf32> to vector<16xf32>
        %mul3A_241 = arith.constant 8.000000e+00 : f32
        %mul3A_242 = vector.broadcast %mul3A_241 : f32 to vector<16xf32>
        %mul3A_243 = arith.mulf %get3A_240, %mul3A_242 : vector<16xf32>
        %add3A_244 = arith.addf %mul3A_243, %get3A_132 : vector<16xf32>
        %swap3A_245 = arith.index_cast %add3A_237 : i32 to index
        %swap3A_246 = tpu.vector_load %arg8[%swap3A_245] {strides = array<i32>} : memref<6400xf32, #tpu.memory_space<vmem>>, vector<16xf32>,
        %swap3A_247 = vector.shape_cast %swap3A_246 : vector<16xf32> to vector<16xf32>
        %swap3A_248 = vector.shape_cast %add3A_244 : vector<16xf32> to vector<16xf32>
        tpu.vector_store %arg8[%swap3A_245], %swap3A_248 {strides = array<i32>} : memref<6400xf32, #tpu.memory_space<vmem>>, vector<16xf32>,
        %add3A_249 = arith.constant 144 : i32
        %add3A_250 = arith.addi %mul3A_128, %add3A_249 : i32
        %get3A_251 = arith.index_cast %add3A_250 : i32 to index
        %get3A_252 = tpu.vector_load %arg8[%get3A_251] {strides = array<i32>} : memref<6400xf32, #tpu.memory_space<vmem>>, vector<16xf32>,
        %get3A_253 = vector.shape_cast %get3A_252 : vector<16xf32> to vector<16xf32>
        %mul3A_254 = arith.constant 8.000000e+00 : f32
        %mul3A_255 = vector.broadcast %mul3A_254 : f32 to vector<16xf32>
        %mul3A_256 = arith.mulf %get3A_253, %mul3A_255 : vector<16xf32>
        %add3A_257 = arith.addf %mul3A_256, %get3A_132 : vector<16xf32>
        %swap3A_258 = arith.index_cast %add3A_250 : i32 to index
        %swap3A_259 = tpu.vector_load %arg8[%swap3A_258] {strides = array<i32>} : memref<6400xf32, #tpu.memory_space<vmem>>, vector<16xf32>,
        %swap3A_260 = vector.shape_cast %swap3A_259 : vector<16xf32> to vector<16xf32>
        %swap3A_261 = vector.shape_cast %add3A_257 : vector<16xf32> to vector<16xf32>
        tpu.vector_store %arg8[%swap3A_258], %swap3A_261 {strides = array<i32>} : memref<6400xf32, #tpu.memory_space<vmem>>, vector<16xf32>,
        %add3A_262 = arith.constant 160 : i32
        %add3A_263 = arith.addi %mul3A_128, %add3A_262 : i32
        %get3A_264 = arith.index_cast %add3A_263 : i32 to index
        %get3A_265 = tpu.vector_load %arg8[%get3A_264] {strides = array<i32>} : memref<6400xf32, #tpu.memory_space<vmem>>, vector<16xf32>,
        %get3A_266 = vector.shape_cast %get3A_265 : vector<16xf32> to vector<16xf32>
        %mul3A_267 = arith.constant 8.000000e+00 : f32
        %mul3A_268 = vector.broadcast %mul3A_267 : f32 to vector<16xf32>
        %mul3A_269 = arith.mulf %get3A_266, %mul3A_268 : vector<16xf32>
        %add3A_270 = arith.addf %mul3A_269, %get3A_132 : vector<16xf32>
        %swap3A_271 = arith.index_cast %add3A_263 : i32 to index
        %swap3A_272 = tpu.vector_load %arg8[%swap3A_271] {strides = array<i32>} : memref<6400xf32, #tpu.memory_space<vmem>>, vector<16xf32>,
        %swap3A_273 = vector.shape_cast %swap3A_272 : vector<16xf32> to vector<16xf32>
        %swap3A_274 = vector.shape_cast %add3A_270 : vector<16xf32> to vector<16xf32>
        tpu.vector_store %arg8[%swap3A_271], %swap3A_274 {strides = array<i32>} : memref<6400xf32, #tpu.memory_space<vmem>>, vector<16xf32>,
        %add3A_275 = arith.constant 176 : i32
        %add3A_276 = arith.addi %mul3A_128, %add3A_275 : i32
        %get3A_277 = arith.index_cast %add3A_276 : i32 to index
        %get3A_278 = tpu.vector_load %arg8[%get3A_277] {strides = array<i32>} : memref<6400xf32, #tpu.memory_space<vmem>>, vector<16xf32>,
        %get3A_279 = vector.shape_cast %get3A_278 : vector<16xf32> to vector<16xf32>
        %mul3A_280 = arith.constant 8.000000e+00 : f32
        %mul3A_281 = vector.broadcast %mul3A_280 : f32 to vector<16xf32>
        %mul3A_282 = arith.mulf %get3A_279, %mul3A_281 : vector<16xf32>
        %add3A_283 = arith.addf %mul3A_282, %get3A_132 : vector<16xf32>
        %swap3A_284 = arith.index_cast %add3A_276 : i32 to index
        %swap3A_285 = tpu.vector_load %arg8[%swap3A_284] {strides = array<i32>} : memref<6400xf32, #tpu.memory_space<vmem>>, vector<16xf32>,
        %swap3A_286 = vector.shape_cast %swap3A_285 : vector<16xf32> to vector<16xf32>
        %swap3A_287 = vector.shape_cast %add3A_283 : vector<16xf32> to vector<16xf32>
        tpu.vector_store %arg8[%swap3A_284], %swap3A_287 {strides = array<i32>} : memref<6400xf32, #tpu.memory_space<vmem>>, vector<16xf32>,
        %add3A_288 = arith.constant 192 : i32
        %add3A_289 = arith.addi %mul3A_128, %add3A_288 : i32
        %get3A_290 = arith.index_cast %add3A_289 : i32 to index
        %get3A_291 = tpu.vector_load %arg8[%get3A_290] {strides = array<i32>} : memref<6400xf32, #tpu.memory_space<vmem>>, vector<16xf32>,
        %get3A_292 = vector.shape_cast %get3A_291 : vector<16xf32> to vector<16xf32>
        %mul3A_293 = arith.constant 8.000000e+00 : f32
        %mul3A_294 = vector.broadcast %mul3A_293 : f32 to vector<16xf32>
        %mul3A_295 = arith.mulf %get3A_292, %mul3A_294 : vector<16xf32>
        %add3A_296 = arith.addf %mul3A_295, %get3A_132 : vector<16xf32>
        %swap3A_297 = arith.index_cast %add3A_289 : i32 to index
        %swap3A_298 = tpu.vector_load %arg8[%swap3A_297] {strides = array<i32>} : memref<6400xf32, #tpu.memory_space<vmem>>, vector<16xf32>,
        %swap3A_299 = vector.shape_cast %swap3A_298 : vector<16xf32> to vector<16xf32>
        %swap3A_300 = vector.shape_cast %add3A_296 : vector<16xf32> to vector<16xf32>
        tpu.vector_store %arg8[%swap3A_297], %swap3A_300 {strides = array<i32>} : memref<6400xf32, #tpu.memory_space<vmem>>, vector<16xf32>,
        %add3A_301 = arith.constant 208 : i32
        %add3A_302 = arith.addi %mul3A_128, %add3A_301 : i32
        %get3A_303 = arith.index_cast %add3A_302 : i32 to index
        %get3A_304 = tpu.vector_load %arg8[%get3A_303] {strides = array<i32>} : memref<6400xf32, #tpu.memory_space<vmem>>, vector<16xf32>,
        %get3A_305 = vector.shape_cast %get3A_304 : vector<16xf32> to vector<16xf32>
        %mul3A_306 = arith.constant 8.000000e+00 : f32
        %mul3A_307 = vector.broadcast %mul3A_306 : f32 to vector<16xf32>
        %mul3A_308 = arith.mulf %get3A_305, %mul3A_307 : vector<16xf32>
        %add3A_309 = arith.addf %mul3A_308, %get3A_132 : vector<16xf32>
        %swap3A_310 = arith.index_cast %add3A_302 : i32 to index
        %swap3A_311 = tpu.vector_load %arg8[%swap3A_310] {strides = array<i32>} : memref<6400xf32, #tpu.memory_space<vmem>>, vector<16xf32>,
        %swap3A_312 = vector.shape_cast %swap3A_311 : vector<16xf32> to vector<16xf32>
        %swap3A_313 = vector.shape_cast %add3A_309 : vector<16xf32> to vector<16xf32>
        tpu.vector_store %arg8[%swap3A_310], %swap3A_313 {strides = array<i32>} : memref<6400xf32, #tpu.memory_space<vmem>>, vector<16xf32>,
        %add3A_314 = arith.constant 224 : i32
        %add3A_315 = arith.addi %mul3A_128, %add3A_314 : i32
        %get3A_316 = arith.index_cast %add3A_315 : i32 to index
        %get3A_317 = tpu.vector_load %arg8[%get3A_316] {strides = array<i32>} : memref<6400xf32, #tpu.memory_space<vmem>>, vector<16xf32>,
        %get3A_318 = vector.shape_cast %get3A_317 : vector<16xf32> to vector<16xf32>
        %mul3A_319 = arith.constant 8.000000e+00 : f32
        %mul3A_320 = vector.broadcast %mul3A_319 : f32 to vector<16xf32>
        %mul3A_321 = arith.mulf %get3A_318, %mul3A_320 : vector<16xf32>
        %add3A_322 = arith.addf %mul3A_321, %get3A_132 : vector<16xf32>
        %swap3A_323 = arith.index_cast %add3A_315 : i32 to index
        %swap3A_324 = tpu.vector_load %arg8[%swap3A_323] {strides = array<i32>} : memref<6400xf32, #tpu.memory_space<vmem>>, vector<16xf32>,
        %swap3A_325 = vector.shape_cast %swap3A_324 : vector<16xf32> to vector<16xf32>
        %swap3A_326 = vector.shape_cast %add3A_322 : vector<16xf32> to vector<16xf32>
        tpu.vector_store %arg8[%swap3A_323], %swap3A_326 {strides = array<i32>} : memref<6400xf32, #tpu.memory_space<vmem>>, vector<16xf32>,
        %add3A_327 = arith.constant 240 : i32
        %add3A_328 = arith.addi %mul3A_128, %add3A_327 : i32
        %get3A_329 = arith.index_cast %add3A_328 : i32 to index
        %get3A_330 = tpu.vector_load %arg8[%get3A_329] {strides = array<i32>} : memref<6400xf32, #tpu.memory_space<vmem>>, vector<16xf32>,
        %get3A_331 = vector.shape_cast %get3A_330 : vector<16xf32> to vector<16xf32>
        %mul3A_332 = arith.constant 8.000000e+00 : f32
        %mul3A_333 = vector.broadcast %mul3A_332 : f32 to vector<16xf32>
        %mul3A_334 = arith.mulf %get3A_331, %mul3A_333 : vector<16xf32>
        %add3A_335 = arith.addf %mul3A_334, %get3A_132 : vector<16xf32>
        %swap3A_336 = arith.index_cast %add3A_328 : i32 to index
        %swap3A_337 = tpu.vector_load %arg8[%swap3A_336] {strides = array<i32>} : memref<6400xf32, #tpu.memory_space<vmem>>, vector<16xf32>,
        %swap3A_338 = vector.shape_cast %swap3A_337 : vector<16xf32> to vector<16xf32>
        %swap3A_339 = vector.shape_cast %add3A_335 : vector<16xf32> to vector<16xf32>
        tpu.vector_store %arg8[%swap3A_336], %swap3A_339 {strides = array<i32>} : memref<6400xf32, #tpu.memory_space<vmem>>, vector<16xf32>,
        %jit3A = arith.constant 25 : i32
        %eq3A_340 = arith.constant 0 : i32
        %eq3A_341 = arith.cmpi eq, %jit3A, %eq3A_340 : i32
        %jit3A_342 = arith.constant 1 : i32
        %select_n3A = arith.select %eq3A_341, %jit3A_342, %jit3A : i32
        %rem3A = arith.remsi %add3A_126, %select_n3A : i32
        %ne3A = arith.constant 0 : i32
        %ne3A_343 = arith.cmpi ne, %rem3A, %ne3A : i32
        %lt3A_344 = arith.constant 0 : i32
        %lt3A_345 = arith.cmpi slt, %rem3A, %lt3A_344 : i32
        %lt3A_346 = arith.constant 0 : i32
        %lt3A_347 = arith.cmpi slt, %select_n3A, %lt3A_346 : i32
        %ne3A_348 = arith.xori %lt3A_345, %lt3A_347 : i1
        %and3A_349 = arith.andi %ne3A_348, %ne3A_343 : i1
        %add3A_350 = arith.addi %rem3A, %select_n3A : i32
        %select_n3A_351 = arith.select %and3A_349, %add3A_350, %rem3A : i32
        %mul3A_352 = arith.constant 256 : i32
        %mul3A_353 = arith.muli %select_n3A_351, %mul3A_352 : i32
        %dma_start3A_354 = tpu.memref_slice %arg8[%mul3A_353] : memref<6400xf32, #tpu.memory_space<vmem>> -> memref<256xf32, #tpu.memory_space<vmem>>
        %dma_start3A_355 = tpu.memref_slice %arg5[%add3A_126, %add3A_53, %mul3A_0] : memref<200x64x4096xf32, #tpu.memory_space<hbm>> -> memref<1x1x256xf32, #tpu.memory_space<hbm>>
        %dma_start3A_356 = tpu.memref_squeeze %dma_start3A_355 : memref<1x1x256xf32, #tpu.memory_space<hbm>> -> memref<256xf32, #tpu.memory_space<hbm>>
        %dma_start3A_357 = tpu.memref_slice %arg5[%add3A_126, %add3A_53, %mul3A_0] : memref<200x64x4096xf32, #tpu.memory_space<hbm>> -> memref<1x1x256xf32, #tpu.memory_space<hbm>>
        %dma_start3A_358 = tpu.memref_squeeze %dma_start3A_357 : memref<1x1x256xf32, #tpu.memory_space<hbm>> -> memref<256xf32, #tpu.memory_space<hbm>>
        %dma_start3A_359 = tpu.memref_slice %arg8[%mul3A_353] : memref<6400xf32, #tpu.memory_space<vmem>> -> memref<256xf32, #tpu.memory_space<vmem>>
        tpu.enqueue_dma source(%dma_start3A_359 : memref<256xf32, #tpu.memory_space<vmem>>) target(%dma_start3A_358 : memref<256xf32, #tpu.memory_space<hbm>>) target_semaphore(%arg13 : memref<!tpu.dma_semaphore, #tpu.memory_space<semaphore_mem>>)
        %scan3A_360 = arith.constant 0 : i32
        scf.yield %scan3A_360 : i32
      }
      %scan3A_113 = arith.constant 25 : i32
      %add3A_114 = arith.constant 1 : i32
      %add3A_115 = arith.addi %scan3A_51, %add3A_114 : i32
      %lt3A_116 = arith.constant 32 : i32
      %lt3A_117 = arith.cmpi slt, %add3A_115, %lt3A_116 : i32
      %convert_element_type3A_118 = arith.extui %lt3A_117 : i1 to i32
      %cond3A_119 = arith.constant 0 : i32
      %cond3A_120 = arith.cmpi ne, %convert_element_type3A_118, %cond3A_119 : i32
      scf.if %cond3A_120 {
        %add3A_123 = arith.constant 1 : i32
        %add3A_124 = arith.addi %add3A_53, %add3A_123 : i32
        %dma_start3A_125 = arith.constant 0 : i32
        %dma_start3A_126 = tpu.memref_slice %arg4[%add3A_124, %dma_start3A_125] : memref<64x3200xf32, #tpu.memory_space<hbm>> -> memref<1x3200xf32, #tpu.memory_space<hbm>>
        %dma_start3A_127 = tpu.memref_squeeze %dma_start3A_126 : memref<1x3200xf32, #tpu.memory_space<hbm>> -> memref<3200xf32, #tpu.memory_space<hbm>>
        %dma_start3A_128 = arith.constant 0 : i32
        %dma_start3A_129 = tpu.memref_slice %arg4[%add3A_124, %dma_start3A_128] : memref<64x3200xf32, #tpu.memory_space<hbm>> -> memref<1x3200xf32, #tpu.memory_space<hbm>>
        %dma_start3A_130 = tpu.memref_squeeze %dma_start3A_129 : memref<1x3200xf32, #tpu.memory_space<hbm>> -> memref<3200xf32, #tpu.memory_space<hbm>>
        tpu.enqueue_dma source(%dma_start3A_130 : memref<3200xf32, #tpu.memory_space<hbm>>) target(%arg9 : memref<3200xf32, #tpu.memory_space<vmem>>) target_semaphore(%arg11 : memref<!tpu.dma_semaphore, #tpu.memory_space<semaphore_mem>>)
        %add3A_131 = arith.constant 1 : i32
        %add3A_132 = arith.addi %add3A_53, %add3A_131 : i32
        %dma_wait3A_133 = arith.constant 0 : i32
        %dma_wait3A_134 = tpu.memref_slice %arg4[%add3A_132, %dma_wait3A_133] : memref<64x3200xf32, #tpu.memory_space<hbm>> -> memref<1x3200xf32, #tpu.memory_space<hbm>>
        %dma_wait3A_135 = tpu.memref_squeeze %dma_wait3A_134 : memref<1x3200xf32, #tpu.memory_space<hbm>> -> memref<3200xf32, #tpu.memory_space<hbm>>
        %dma_wait3A_136 = arith.constant 0 : i32
        %dma_wait3A_137 = tpu.memref_slice %arg4[%add3A_132, %dma_wait3A_136] : memref<64x3200xf32, #tpu.memory_space<hbm>> -> memref<1x3200xf32, #tpu.memory_space<hbm>>
        %dma_wait3A_138 = tpu.memref_squeeze %dma_wait3A_137 : memref<1x3200xf32, #tpu.memory_space<hbm>> -> memref<3200xf32, #tpu.memory_space<hbm>>
        tpu.wait_dma2 semaphore(%arg11 : memref<!tpu.dma_semaphore, #tpu.memory_space<semaphore_mem>>) src(%dma_wait3A_138 : memref<3200xf32, #tpu.memory_space<hbm>>) dst(%arg9 : memref<3200xf32, #tpu.memory_space<vmem>>)
        %eq3A_139 = arith.constant 0 : i32
        %eq3A_140 = arith.cmpi eq, %arg1, %eq3A_139 : i32
        %convert_element_type3A_141 = arith.extui %eq3A_140 : i1 to i32
        %cond3A_142 = arith.constant 0 : i32
        %cond3A_143 = arith.cmpi ne, %convert_element_type3A_141, %cond3A_142 : i32
        scf.if %cond3A_143 {
          %add3A_144 = arith.constant 1 : i32
          %add3A_145 = arith.addi %add3A_53, %add3A_144 : i32
          %dma_wait3A_146 = arith.constant 0 : i32
          %dma_wait3A_147 = tpu.memref_slice %arg3[%add3A_145, %dma_wait3A_146] : memref<64x1000000xf32, #tpu.memory_space<hbm>> -> memref<1x1000000xf32, #tpu.memory_space<hbm>>
          %dma_wait3A_148 = tpu.memref_squeeze %dma_wait3A_147 : memref<1x1000000xf32, #tpu.memory_space<hbm>> -> memref<1000000xf32, #tpu.memory_space<hbm>>
          tpu.wait_dma2 semaphore(%arg10 : memref<!tpu.dma_semaphore, #tpu.memory_space<semaphore_mem>>) src(%dma_wait3A_148 : memref<1000000xf32, #tpu.memory_space<hbm>>) dst(%arg15 : memref<1000000xf32, #tpu.memory_space<vmem_shared>>)
        } else {
        }
      } else {
      }
      %barrier3A_121 = arith.constant 0 : index
      tpu.barrier barrier_id(%barrier3A_121)
      %scan3A_122 = arith.constant 0 : i32
      scf.yield %scan3A_122 : i32
    }
    %scan3A_34 = arith.constant 32 : i32
    %add3A = arith.constant 32 : i32
    %add3A_35 = arith.addi %mul3A_2, %add3A : i32
    %sub3A = arith.constant 1 : i32
    %sub3A_36 = arith.subi %add3A_35, %sub3A : i32
    %scan3A_37 = arith.constant 0 : i32
    %scan3A_38 = arith.constant 0 : i32
    %scan3A_39 = arith.constant 25 : i32
    %scan3A_40 = arith.addi %scan3A_38, %scan3A_39 : i32
    %scan3A_41 = arith.constant 1 : i32
    %scan3A_42 = scf.for %scan3A_51 = %scan3A_38 to %scan3A_40 step %scan3A_41 iter_args(%scan3A_52 = %scan3A_37) -> (i32)  : i32 {
      %add3A_53 = arith.constant 150 : i32
      %add3A_54 = arith.addi %add3A_53, %scan3A_51 : i32
      %jit3A = arith.constant 25 : i32
      %eq3A_55 = arith.constant 0 : i32
      %eq3A_56 = arith.cmpi eq, %jit3A, %eq3A_55 : i32
      %jit3A_57 = arith.constant 1 : i32
      %select_n3A = arith.select %eq3A_56, %jit3A_57, %jit3A : i32
      %rem3A = arith.remsi %add3A_54, %select_n3A : i32
      %ne3A = arith.constant 0 : i32
      %ne3A_58 = arith.cmpi ne, %rem3A, %ne3A : i32
      %lt3A = arith.constant 0 : i32
      %lt3A_59 = arith.cmpi slt, %rem3A, %lt3A : i32
      %lt3A_60 = arith.constant 0 : i32
      %lt3A_61 = arith.cmpi slt, %select_n3A, %lt3A_60 : i32
      %ne3A_62 = arith.xori %lt3A_59, %lt3A_61 : i1
      %and3A = arith.andi %ne3A_62, %ne3A_58 : i1
      %add3A_63 = arith.addi %rem3A, %select_n3A : i32
      %select_n3A_64 = arith.select %and3A, %add3A_63, %rem3A : i32
      %mul3A_65 = arith.constant 256 : i32
      %mul3A_66 = arith.muli %select_n3A_64, %mul3A_65 : i32
      %dma_wait3A_67 = tpu.memref_slice %arg7[%mul3A_66] : memref<6400xf32, #tpu.memory_space<vmem>> -> memref<256xf32, #tpu.memory_space<vmem>>
      %dma_wait3A_68 = tpu.memref_slice %arg5[%add3A_54, %sub3A_36, %mul3A_0] : memref<200x64x4096xf32, #tpu.memory_space<hbm>> -> memref<1x1x256xf32, #tpu.memory_space<hbm>>
      %dma_wait3A_69 = tpu.memref_squeeze %dma_wait3A_68 : memref<1x1x256xf32, #tpu.memory_space<hbm>> -> memref<256xf32, #tpu.memory_space<hbm>>
      %dma_wait3A_70 = tpu.memref_slice %arg5[%add3A_54, %sub3A_36, %mul3A_0] : memref<200x64x4096xf32, #tpu.memory_space<hbm>> -> memref<1x1x256xf32, #tpu.memory_space<hbm>>
      %dma_wait3A_71 = tpu.memref_squeeze %dma_wait3A_70 : memref<1x1x256xf32, #tpu.memory_space<hbm>> -> memref<256xf32, #tpu.memory_space<hbm>>
      %dma_wait3A_72 = tpu.memref_slice %arg7[%mul3A_66] : memref<6400xf32, #tpu.memory_space<vmem>> -> memref<256xf32, #tpu.memory_space<vmem>>
      tpu.wait_dma2 semaphore(%arg13 : memref<!tpu.dma_semaphore, #tpu.memory_space<semaphore_mem>>) src(%dma_wait3A_72 : memref<256xf32, #tpu.memory_space<vmem>>) dst(%dma_wait3A_71 : memref<256xf32, #tpu.memory_space<hbm>>)
      %scan3A_73 = arith.constant 0 : i32
      scf.yield %scan3A_73 : i32
    }
    %scan3A_43 = arith.constant 25 : i32
    %scan3A_44 = arith.constant 0 : i32
    %scan3A_45 = arith.constant 0 : i32
    %scan3A_46 = arith.constant 25 : i32
    %scan3A_47 = arith.addi %scan3A_45, %scan3A_46 : i32
    %scan3A_48 = arith.constant 1 : i32
    %scan3A_49 = scf.for %scan3A_51 = %scan3A_45 to %scan3A_47 step %scan3A_48 iter_args(%scan3A_52 = %scan3A_44) -> (i32)  : i32 {
      %add3A_53 = arith.constant 175 : i32
      %add3A_54 = arith.addi %add3A_53, %scan3A_51 : i32
      %jit3A = arith.constant 25 : i32
      %eq3A_55 = arith.constant 0 : i32
      %eq3A_56 = arith.cmpi eq, %jit3A, %eq3A_55 : i32
      %jit3A_57 = arith.constant 1 : i32
      %select_n3A = arith.select %eq3A_56, %jit3A_57, %jit3A : i32
      %rem3A = arith.remsi %add3A_54, %select_n3A : i32
      %ne3A = arith.constant 0 : i32
      %ne3A_58 = arith.cmpi ne, %rem3A, %ne3A : i32
      %lt3A = arith.constant 0 : i32
      %lt3A_59 = arith.cmpi slt, %rem3A, %lt3A : i32
      %lt3A_60 = arith.constant 0 : i32
      %lt3A_61 = arith.cmpi slt, %select_n3A, %lt3A_60 : i32
      %ne3A_62 = arith.xori %lt3A_59, %lt3A_61 : i1
      %and3A = arith.andi %ne3A_62, %ne3A_58 : i1
      %add3A_63 = arith.addi %rem3A, %select_n3A : i32
      %select_n3A_64 = arith.select %and3A, %add3A_63, %rem3A : i32
      %mul3A_65 = arith.constant 256 : i32
      %mul3A_66 = arith.muli %select_n3A_64, %mul3A_65 : i32
      %dma_wait3A_67 = tpu.memref_slice %arg8[%mul3A_66] : memref<6400xf32, #tpu.memory_space<vmem>> -> memref<256xf32, #tpu.memory_space<vmem>>
      %dma_wait3A_68 = tpu.memref_slice %arg5[%add3A_54, %sub3A_36, %mul3A_0] : memref<200x64x4096xf32, #tpu.memory_space<hbm>> -> memref<1x1x256xf32, #tpu.memory_space<hbm>>
      %dma_wait3A_69 = tpu.memref_squeeze %dma_wait3A_68 : memref<1x1x256xf32, #tpu.memory_space<hbm>> -> memref<256xf32, #tpu.memory_space<hbm>>
      %dma_wait3A_70 = tpu.memref_slice %arg5[%add3A_54, %sub3A_36, %mul3A_0] : memref<200x64x4096xf32, #tpu.memory_space<hbm>> -> memref<1x1x256xf32, #tpu.memory_space<hbm>>
      %dma_wait3A_71 = tpu.memref_squeeze %dma_wait3A_70 : memref<1x1x256xf32, #tpu.memory_space<hbm>> -> memref<256xf32, #tpu.memory_space<hbm>>
      %dma_wait3A_72 = tpu.memref_slice %arg8[%mul3A_66] : memref<6400xf32, #tpu.memory_space<vmem>> -> memref<256xf32, #tpu.memory_space<vmem>>
      tpu.wait_dma2 semaphore(%arg13 : memref<!tpu.dma_semaphore, #tpu.memory_space<semaphore_mem>>) src(%dma_wait3A_72 : memref<256xf32, #tpu.memory_space<vmem>>) dst(%dma_wait3A_71 : memref<256xf32, #tpu.memory_space<hbm>>)
      %scan3A_73 = arith.constant 0 : i32
      scf.yield %scan3A_73 : i32
    }
    %scan3A_50 = arith.constant 25 : i32
    return
  }
}

</mosaic_0001>

<sc_bundles>
// kernel: _run.3.cloned.1.call-start
scs
__scs_entry_jumppad:
0x0: {  	(pc) =	sbr.rel $0x88, $3  }
0x1: {  	(tag) =	ssettag $0x0;
	lr =	simm.s32 $0x1  }
0x2: {  	[smem:$0x3F9E] =	sst lr;
	_ =	strace $0xD0000000  }
0x3: {  	_ = 	snop  }
0x4: {  	_ = 	snop  }
0x5: {  	_ = 	snop  }
0x6: {  	_ = 	snop  }
0x7: {  	_ = 	snop  }
__scs_overlays_trampoline_lowered:
0x8: {  	[smem:$0x3FAD] =	sst s0  }
0x9: {  	[smem:$0x3FAE] =	sst s1  }
0xa: {  	[smem:$0x3FAF] =	sst s2  }
0xb: {  	[smem:$0x3FB0] =	sst s3  }
0xc: {  	[smem:$0x3FB1] =	sst s4  }
0xd: {  	[smem:$0x3FB2] =	sst s5  }
0xe: {  	[smem:$0x3FB3] =	sst s6  }
0xf: {  	[smem:$0x3FB4] =	sst s7  }
0x10: {  	[smem:$0x3FB5] =	sst s8  }
0x11: {  	[smem:$0x3FB6] =	sst s9;
	s0 =	simm.s32 @!p0 $0x0  }
0x12: {  	s1 =	sld [smem:$0x3F9C];
	s0 =	simm.s32 @p0 $0x1  }
0x13: {  	[smem:$0x3FB7] =	sst s0;
	s0 =	simm.s32 @!p1 $0x0  }
0x14: {  	s2 =	sld [smem:$0x3F9B];
	s0 =	simm.s32 @p1 $0x1  }
0x15: {  	[smem:$0x3FB8] =	sst s0;
	s0 =	simm.s32 @!p2 $0x0  }
0x16: {  	s3 =	sld [smem:$0x3FDB];
	s0 =	simm.s32 @p2 $0x1  }
0x17: {  	s4 =	simm.s32 $0x1BF5;
	[smem:$0x3FBA] =	sst s0  }
0x18: {  	s0 =	sld [smem:$0x3F9D];
	_ =	swait.ge [sflag:s4], $0x0  }
0x19: {  	s7 =	sld [smem:$0x3F9E]  }
0x1a: {  	s8 =	sadd.s32 $0xFFFFE003, lr  }
0x1b: {  	s9 =	sadd.s32 $0xFFFFFEF7, lr;
	s5 =	simm.s32 $0xFFFFFFFF;
	p2 =	slt.u32 s8, $0xFFFFF086  }
0x1c: {  	p1 =	slt.u32 s9, $0xF7A;
	s5 =	simm.s32 @!p2 $0x0  }
0x1d: {  	s5 =	simm.s32 @p1 $0x1;
	p0 =	seq.s32 s7, s2  }
0x1e: {  	s7 =	smul.u32 @!p0 $0xF7A, s2;
	p2 =	seq.s32 @!p0 s5, $0x0  }
0x1f: {  	s9 =	smul.u32 $0xF7A, s1;
	s8 =	simm.s32 @!p0 $0x1BF5;
	p2 =	por !p2, p0  }
0x20: {  	[sflag:s8] =	ssyncset.s32 @!p0 $0xFFFFF086;
	s6 =	sadd.s32 @!p0 s3, s7;
	s7 =	simm.s32 @!p0 $0x108  }
0x21: {  	s3 =	sadd.s32 s3, s9;
	s6 =	sadd.s32 @!p0 $0x88, s6;
	s7 =	simm.s32 @p2 $0x1082  }
0x22: {  	[simem:s7], [sflag:s8] =	dma.local @!p0 [hbm:s6], $0xF7A  }
0x23: {  	s9 =	sor.u32 $0xD0000000, s2;
	s6 =	simm.s32 $0x108;
	_ =	swait.ge @!p0 [sflag:s8], $0x0  }
0x24: {  	s3 =	sadd.s32 $0x88, s3;
	s6 =	simm.s32 @!p1 $0x1082;
	[sflag:s4] =	ssyncset.s32 $0xFFFFF086  }
0x25: {  	[simem:s6], [sflag:s4] =	dma.local [hbm:s3], $0xF7A  }
0x26: {  	[smem:$0x3F9E] =	sst s1;
	(tag) =	ssettag s2;
	_ =	strace s9  }
0x27: {  	s1 =	sld [smem:$0x3FAE]  }
0x28: {  	s2 =	sld [smem:$0x3FAF]  }
0x29: {  	s4 =	sld [smem:$0x3FB1]  }
0x2a: {  	p0 =	seq.s32 s5, $0x0;
	s5 =	sld [smem:$0x3FB2]  }
0x2b: {  	s6 =	sld [smem:$0x3FB3]  }
0x2c: {  	s7 =	sld [smem:$0x3FB4]  }
0x2d: {  	s3 =	simm.s32 $0x108;
	s8 =	sld [smem:$0x3FB5]  }
0x2e: {  	s3 =	simm.s32 @!p0 $0x1082;
	s9 =	sld [smem:$0x3FB6]  }
0x2f: {  	lr =	sadd.s32 s0, s3;
	s0 =	sld [smem:$0x3FAD]  }
0x30: {  	s3 =	sld [smem:$0x3FB0]  }
0x31: {  	[smem:$0x3FB9] =	sst s10  }
0x32: {  	s10 =	sld [smem:$0x3FB7];
	_ =	sdelay $0x3  }
0x33: {  	p0 =	seq.s32 s10, $0x1;
	s10 =	sld [smem:$0x3FB9];
	_ =	sdelay $0x3  }
0x34: {  	[smem:$0x3FB9] =	sst s10  }
0x35: {  	s10 =	sld [smem:$0x3FB8];
	_ =	sdelay $0x3  }
0x36: {  	p1 =	seq.s32 s10, $0x1;
	s10 =	sld [smem:$0x3FB9];
	_ =	sdelay $0x3  }
0x37: {  	[smem:$0x3FB9] =	sst s10  }
0x38: {  	s10 =	sld [smem:$0x3FBA]  }
0x39: {  	_ = 	snop;
	(pc) =	sbr.ind lr, $3  }
0x3a: {  	_ = 	snop  }
0x3b: {  	_ = 	snop  }
0x3c: {  	p2 =	seq.s32 s10, $0x1;
	s10 =	sld [smem:$0x3FB9]  }
0x3d: {  	_ =	shalt  }
0x3e: {  	_ =	shalt  }
0x3f: {  	_ =	shalt  }
0x40: {  	_ =	shalt  }
0x41: {  	_ =	shalt  }
0x42: {  	_ =	shalt  }
0x43: {  	_ =	shalt  }
0x44: {  	_ =	shalt  }
0x45: {  	_ =	shalt  }
0x46: {  	_ =	shalt  }
0x47: {  	_ =	shalt  }
0x48: {  	_ =	shalt  }
0x49: {  	_ =	shalt  }
0x4a: {  	_ =	shalt  }
0x4b: {  	_ =	shalt  }
0x4c: {  	_ =	shalt  }
0x4d: {  	_ =	shalt  }
0x4e: {  	_ =	shalt  }
0x4f: {  	_ =	shalt  }
0x50: {  	_ =	shalt  }
0x51: {  	_ =	shalt  }
0x52: {  	_ =	shalt  }
0x53: {  	_ =	shalt  }
0x54: {  	_ =	shalt  }
0x55: {  	_ =	shalt  }
0x56: {  	_ =	shalt  }
0x57: {  	_ =	shalt  }
0x58: {  	_ =	shalt  }
0x59: {  	_ =	shalt  }
0x5a: {  	_ =	shalt  }
0x5b: {  	_ =	shalt  }
0x5c: {  	_ =	shalt  }
0x5d: {  	_ =	shalt  }
0x5e: {  	_ =	shalt  }
0x5f: {  	_ =	shalt  }
0x60: {  	_ =	shalt  }
0x61: {  	_ =	shalt  }
0x62: {  	_ =	shalt  }
0x63: {  	_ =	shalt  }
0x64: {  	_ =	shalt  }
0x65: {  	_ =	shalt  }
0x66: {  	_ =	shalt  }
0x67: {  	_ =	shalt  }
0x68: {  	_ =	shalt  }
0x69: {  	_ =	shalt  }
0x6a: {  	_ =	shalt  }
0x6b: {  	_ =	shalt  }
0x6c: {  	_ =	shalt  }
0x6d: {  	_ =	shalt  }
0x6e: {  	_ =	shalt  }
0x6f: {  	_ =	shalt  }
0x70: {  	_ =	shalt  }
0x71: {  	_ =	shalt  }
0x72: {  	_ =	shalt  }
0x73: {  	_ =	shalt  }
0x74: {  	_ =	shalt  }
0x75: {  	_ =	shalt  }
0x76: {  	_ =	shalt  }
0x77: {  	_ =	shalt  }
0x78: {  	_ =	shalt  }
0x79: {  	_ =	shalt  }
0x7a: {  	_ =	shalt  }
0x7b: {  	_ =	shalt  }
0x7c: {  	_ =	shalt  }
0x7d: {  	_ =	shalt  }
0x7e: {  	_ =	shalt  }
0x7f: {  	_ =	shalt  }
0x80: {  	_ =	shalt  }
0x81: {  	_ =	shalt  }
0x82: {  	_ =	shalt  }
0x83: {  	_ =	shalt  }
0x84: {  	_ =	shalt  }
0x85: {  	_ =	shalt  }
0x86: {  	_ =	shalt  }
0x87: {  	_ =	shalt  }
.Lfunc_end0:
.L_simem_size_0:
called_computation_lowered:
.L_overlay_start_0:
0x88: {  	s2 =	sld [smem:$0x3FD9]  }
0x89: {  	s3 =	sld [smem:$0x3FFE];
	_ =	sdelay $0x1  }
0x8a: {  	s1 =	srdreg.scid  }
0x8b: {  	s0 =	sand.u32 $0x1, s1  }
0x8c: {  	s18 =	sshll.u32 s0, $0xA;
	s2 =	sadd.s32 s3, s2  }
0x8d: {  	s2 =	sadd.s32 s2, s18  }
0x8e: {  	[smem:$0x3FC5] =	sst s2  }
0x8f: {  	_ = 	snop  }
0x90: {  	s2 =	sld [smem:$0x3FC9]  }
0x91: {  	s19 =	sld [smem:$0x3FC8]  }
0x92: {  	s4 =	sld [smem:$0x3FC7]  }
0x93: {  	s5 =	sld [smem:$0x3FD0];
	(tm) =	ssettm $0x1  }
0x94: {  	s6 =	sld [smem:$0x3FFB];
	_ =	sdelay $0x3  }
0x95: {  	_ =	strace s6  }
0x96: {  	s6 =	sld [smem:$0x3FFC];
	_ =	sdelay $0x3  }
0x97: {  	_ =	strace s6  }
0x98: {  	s6 =	sld [smem:$0x3FFD];
	_ =	sdelay $0x3  }
0x99: {  	_ =	strace s6  }
0x9a: {  	_ =	strace $0x8FFFFFFF  }
0x9b: {  	s20 =	sld [smem:$0x3FDB];
	_ =	sdelay $0x1  }
0x9c: {  	s7 =	simm.s32 $_scs_section_size  }
0x9d: {  	s8 =	simm.s32 $_size__tile_overlayer_lowered;
	s9 =	simm.s32 $_tile_overlayer_lowered  }
0x9e: {  	s23 =	simm.s32 $0x1BFF;
	s22 =	sshll.u32 s9, $0x1;
	s6 =	sadd.s32 s7, s20  }
0x9f: {  	s10 =	simm.s32 $0x0;
	s21 =	sshll.u32 s8, $0x1;
	s8 =	sadd.s32 s22, s6  }
0xa0: {  	[timem:s10], [sflag:s23] =	dma.local [hbm:s8], s21  }
0xa1: {  	_ =	swait.ge [sflag:s23], s21  }
0xa2: {  	s7 =	ssub.s32 $0x0, s21;
	[sflag:s23] =	ssyncset.done $0x0  }
0xa3: {  	[sflag:s23] =	ssyncadd.s32 s7;
	_ =	sdelay $0x1  }
0xa4: {  	s24 =	simm.s32 $0x1B8B  }
0xa5: {  	_ =	swait.ge [sflag:s24], $0x1  }
0xa6: {  	[sflag:s24] =	ssyncset.done $0x0  }
0xa7: {  	s25 =	simm.s32 $0x1B8E;
	[sflag:s24] =	ssyncadd.s32 $0xFFFFFFFF  }
0xa8: {  	s26 =	simm.s32 $execute0_lowered;
	[smem:$0x3FD2] =	sst s25  }
0xa9: {  	s7 =	sshll.u32 s26, $0x1;
	_ =	strace $0x80000046;
	[dreg:$0x1] =	wrdreg $0xFFFFFFFF  }
0xaa: {  	s28 =	simm.s32 $_size_execute0_lowered;
	s6 =	sadd.s32 s6, s7;
	[dreg:$0x0] =	wrdreg $0x0  }
0xab: {  	s7 =	sshll.u32 s28, $0x1;
	[dreg:$0x2] =	wrdreg s6  }
0xac: {  	[dreg:$0x3] =	wrdreg s7  }
0xad: {  	[dreg:$0x4] =	wrdreg $0xC0  }
0xae: {  	_ =	task [dreg:s10], $0x5FFFF  }
0xaf: {  	[dreg:$0x1] =	wrdreg $0xFFFFFFFF  }
0xb0: {  	[dreg:$0x0] =	wrdreg $0x60  }
0xb1: {  	[dreg:$0x2] =	wrdreg s2  }
0xb2: {  	[dreg:$0x3] =	wrdreg s19  }
0xb3: {  	[dreg:$0x4] =	wrdreg s4  }
0xb4: {  	[dreg:$0x5] =	wrdreg s5  }
0xb5: {  	[dreg:$0x6] =	wrdreg $0x106800  }
0xb6: {  	[dreg:$0x7] =	wrdreg $0x9  }
0xb7: {  	_ =	task.clear_ibuf [dreg:s10], $0x8FFFF;
	_ =	strace $0x90000046  }
0xb8: {  	s29 =	simm.s32 $0x9;
	_ =	strace $0x80000048  }
0xb9: {  	_ =	swait.ge [sflag:s29], $0x1  }
0xba: {  	[sflag:s29] =	ssyncadd.s32 $0xFFFFFFFF  }
0xbb: {  	_ =	strace $0x90000048  }
0xbc: {  	_ =	sfence  }
0xbd: {  	s30 =	sld [smem:$0x0];
	_ =	sdelay $0x2  }
0xbe: {  	s31 =	sshll.u32 s1, $0xD;
	s1 =	sshrl.u32 s1, $0x2  }
0xbf: {  	s3 =	sand.u32 $0x4000, s31;
	s1 =	sadd.s32 s1, s30  }
0xc0: {  	s0 =	sor.u32 s3, s0;
	s1 =	sshll.u32 s1, $0x11  }
0xc1: {  	s0 =	sor.u32 s1, s0  }
0xc2: {  	s0 =	sadd.s32 $0x8F2B, s0  }
0xc3: {  	[sflag:s0] =	ssyncadd.remote.s32 $0x1  }
0xc4: {  	_ =	sfence.sel $0xFFFF  }
0xc5: {  	[dreg:$0x0] =	wrdreg $0xFFFFFFFF;
	(pc) =	sbr.abs _section_cstart, $3  }
0xc6: {  	[dreg:$0x1] =	wrdreg $0xFFFFFFFF  }
0xc7: {  	_ =	task.clear_ibuf [dreg:s10], $0x2FFFF;
	_ =	strace $0x9FFFFFFF  }
0xc8: {  	(tm) =	ssettm $0x7FFFFFFF  }
0xc9: {  	_ =	shalt  }
tec
execute0_lowered:
.L_overlay_start_1:
0x0: {  	(tag) =	ssettag $0x1  }
0x1: {  	s0 =	rddreg [dreg:$0x0]  }
0x2: {  	s10 =	rddreg [dreg:$0x1]  }
0x3: {  	s11 =	rddreg [dreg:$0x2]  }
0x4: {  	s1 =	rddreg [dreg:$0x3]  }
0x5: {  	s3 =	rddreg [dreg:$0x4]  }
0x6: {  	s4 =	simm.s32 $0x0;
	s2 =	srdreg.scid;
	s5 =	stileid.u32  }
0x7: {  	s15 =	simm.s32 $0x80;
	s16 =	simm.s32 $0x400;
	s17 =	simm.s32 $0x5  }
0x8: {  	s20 =	simm.s32 $0x1900;
	s21 =	simm.s32 $0xC800;
	[smem:$0x7FF] =	sst s4  }
0x9: {  	s2 =	sand.u32 $0x1, s2;
	s8 =	sshll.u32 s5, $0x8;
	p0 =	sne.s32 s5, $0x0  }
0xa: {  	_ =	strace $0x80000047;
	s22 =	ssub.s32 $0x2, s2;
	s23 =	sshll.u32 s2, $0x5  }
0xb: {  	s7 =	smul.u32 $0x3200, s2;
	s29 =	sshll.u32 s2, $0xE;
	[dreg:$0x6] =	wrdreg s23  }
0xc: {  	s9 =	smul.u32 $0x3D0A00, s2;
	s28 =	sadd.s32 s8, s1;
	[dreg:$0xb] =	wrdreg s29  }
0xd: {  	s1 =	simm.s32 $0x0;
	s30 =	sadd.s32 $0xC8000, s28;
	[dreg:$0xa] =	wrdreg s28  }
0xe: {  	s6 =	sshrl.u32 s22, $0x1;
	s31 =	sadd.s32 $0x4B0000, s28;
	[dreg:$0xc] =	wrdreg s30  }
.Ltmp0:
0xf: {  	s24 =	sadd.s32 s11, s7;
	[dreg:$0xd] =	wrdreg s31;
	(pc) =	sbr.rel .LBB2_1-.Ltmp0, $4  }
0x10: {  	s4 =	ssub.s32 s22, s6;
	s25 =	sadd.s32 s10, s9;
	[dreg:$0x7] =	wrdreg s24  }
0x11: {  	s6 =	sadd.s32 s0, s8;
	s0 =	sadd.s32 $0x578000, s28;
	[dreg:$0x8] =	wrdreg s25  }
0x12: {  	s23 =	simm.s32 $0x3;
	s26 =	smax.u32 s4, $0x1;
	[dreg:$0xe] =	wrdreg s0  }
0x13: {  	s22 =	simm.s32 $0xE100;
	s24 =	simm.s32 $0x4;
	[dreg:$0x9] =	wrdreg s26  }
.LBB2_21:
0x14: {  	[bflag:$0x0] =	sbarrier.arrive $0xFFFF  }
.LBB2_23:
0x15: {  	_ =	swait.ge [sflag:s24], $0x100  }
0x16: {  	[sflag:s24] =	ssyncset.done $0x0  }
0x17: {  	[sflag:s24] =	ssyncadd.s32 $0xFFFFFF00  }
0x18: {  	_ =	swait.ge [sflag:s24], $0x100  }
0x19: {  	[sflag:s24] =	ssyncset.done $0x0  }
0x1a: {  	[sflag:s24] =	ssyncadd.s32 $0xFFFFFF00  }
0x1b: {  	_ =	swait.ge [sflag:s24], $0x100  }
0x1c: {  	[sflag:s24] =	ssyncset.done $0x0  }
0x1d: {  	[sflag:s24] =	ssyncadd.s32 $0xFFFFFF00  }
0x1e: {  	_ =	swait.ge [sflag:s24], $0x100  }
0x1f: {  	[sflag:s24] =	ssyncset.done $0x0  }
0x20: {  	[sflag:s24] =	ssyncadd.s32 $0xFFFFFF00  }
0x21: {  	_ =	swait.ge [sflag:s24], $0x100  }
0x22: {  	[sflag:s24] =	ssyncset.done $0x0  }
0x23: {  	[sflag:s24] =	ssyncadd.s32 $0xFFFFFF00  }
0x24: {  	_ =	swait.ge [sflag:s24], $0x100  }
0x25: {  	[sflag:s24] =	ssyncset.done $0x0  }
0x26: {  	[sflag:s24] =	ssyncadd.s32 $0xFFFFFF00  }
0x27: {  	_ =	swait.ge [sflag:s24], $0x100  }
0x28: {  	[sflag:s24] =	ssyncset.done $0x0  }
0x29: {  	[sflag:s24] =	ssyncadd.s32 $0xFFFFFF00  }
0x2a: {  	_ =	swait.ge [sflag:s24], $0x100  }
0x2b: {  	[sflag:s24] =	ssyncset.done $0x0  }
0x2c: {  	[sflag:s24] =	ssyncadd.s32 $0xFFFFFF00  }
0x2d: {  	_ =	swait.ge [sflag:s24], $0x100  }
0x2e: {  	[sflag:s24] =	ssyncset.done $0x0  }
0x2f: {  	[sflag:s24] =	ssyncadd.s32 $0xFFFFFF00  }
0x30: {  	_ =	swait.ge [sflag:s24], $0x100  }
0x31: {  	[sflag:s24] =	ssyncset.done $0x0  }
0x32: {  	[sflag:s24] =	ssyncadd.s32 $0xFFFFFF00  }
0x33: {  	_ =	swait.ge [sflag:s24], $0x100  }
0x34: {  	[sflag:s24] =	ssyncset.done $0x0  }
0x35: {  	[sflag:s24] =	ssyncadd.s32 $0xFFFFFF00  }
0x36: {  	_ =	swait.ge [sflag:s24], $0x100  }
0x37: {  	[sflag:s24] =	ssyncset.done $0x0  }
0x38: {  	[sflag:s24] =	ssyncadd.s32 $0xFFFFFF00  }
0x39: {  	_ =	swait.ge [sflag:s24], $0x100  }
0x3a: {  	[sflag:s24] =	ssyncset.done $0x0  }
0x3b: {  	[sflag:s24] =	ssyncadd.s32 $0xFFFFFF00  }
0x3c: {  	_ =	swait.ge [sflag:s24], $0x100  }
0x3d: {  	[sflag:s24] =	ssyncset.done $0x0  }
0x3e: {  	[sflag:s24] =	ssyncadd.s32 $0xFFFFFF00  }
0x3f: {  	_ =	swait.ge [sflag:s24], $0x100  }
0x40: {  	[sflag:s24] =	ssyncset.done $0x0  }
0x41: {  	[sflag:s24] =	ssyncadd.s32 $0xFFFFFF00  }
0x42: {  	_ =	swait.ge [sflag:s24], $0x100  }
0x43: {  	[sflag:s24] =	ssyncset.done $0x0  }
0x44: {  	[sflag:s24] =	ssyncadd.s32 $0xFFFFFF00  }
0x45: {  	_ =	swait.ge [sflag:s24], $0x100  }
0x46: {  	[sflag:s24] =	ssyncset.done $0x0  }
0x47: {  	[sflag:s24] =	ssyncadd.s32 $0xFFFFFF00  }
0x48: {  	_ =	swait.ge [sflag:s24], $0x100  }
0x49: {  	[sflag:s24] =	ssyncset.done $0x0  }
0x4a: {  	[sflag:s24] =	ssyncadd.s32 $0xFFFFFF00  }
0x4b: {  	_ =	swait.ge [sflag:s24], $0x100  }
0x4c: {  	[sflag:s24] =	ssyncset.done $0x0  }
0x4d: {  	[sflag:s24] =	ssyncadd.s32 $0xFFFFFF00  }
0x4e: {  	_ =	swait.ge [sflag:s24], $0x100  }
0x4f: {  	[sflag:s24] =	ssyncset.done $0x0  }
0x50: {  	[sflag:s24] =	ssyncadd.s32 $0xFFFFFF00  }
0x51: {  	_ =	swait.ge [sflag:s24], $0x100  }
0x52: {  	[sflag:s24] =	ssyncset.done $0x0  }
0x53: {  	[sflag:s24] =	ssyncadd.s32 $0xFFFFFF00  }
0x54: {  	_ =	swait.ge [sflag:s24], $0x100  }
0x55: {  	[sflag:s24] =	ssyncset.done $0x0  }
0x56: {  	[sflag:s24] =	ssyncadd.s32 $0xFFFFFF00  }
0x57: {  	_ =	swait.ge [sflag:s24], $0x100  }
0x58: {  	[sflag:s24] =	ssyncset.done $0x0  }
0x59: {  	[sflag:s24] =	ssyncadd.s32 $0xFFFFFF00  }
0x5a: {  	_ =	swait.ge [sflag:s24], $0x100  }
0x5b: {  	[sflag:s24] =	ssyncset.done $0x0  }
0x5c: {  	[sflag:s24] =	ssyncadd.s32 $0xFFFFFF00  }
0x5d: {  	_ =	swait.ge [sflag:s24], $0x100  }
0x5e: {  	[sflag:s24] =	ssyncset.done $0x0  }
0x5f: {  	[sflag:s24] =	ssyncadd.s32 $0xFFFFFF00  }
0x60: {  	_ =	swait.ge [sflag:s24], $0x100  }
0x61: {  	[sflag:s24] =	ssyncset.done $0x0  }
0x62: {  	[sflag:s24] =	ssyncadd.s32 $0xFFFFFF00  }
0x63: {  	_ =	swait.ge [sflag:s24], $0x100  }
0x64: {  	[sflag:s24] =	ssyncset.done $0x0  }
0x65: {  	[sflag:s24] =	ssyncadd.s32 $0xFFFFFF00  }
0x66: {  	_ =	swait.ge [sflag:s24], $0x100  }
0x67: {  	[sflag:s24] =	ssyncset.done $0x0  }
0x68: {  	[sflag:s24] =	ssyncadd.s32 $0xFFFFFF00  }
0x69: {  	_ =	swait.ge [sflag:s24], $0x100  }
0x6a: {  	[sflag:s24] =	ssyncset.done $0x0  }
0x6b: {  	[sflag:s24] =	ssyncadd.s32 $0xFFFFFF00  }
0x6c: {  	_ =	swait.ge [sflag:s24], $0x100  }
0x6d: {  	[sflag:s24] =	ssyncset.done $0x0  }
0x6e: {  	[sflag:s24] =	ssyncadd.s32 $0xFFFFFF00  }
0x6f: {  	_ =	swait.ge [sflag:s24], $0x100  }
0x70: {  	[sflag:s24] =	ssyncset.done $0x0  }
0x71: {  	[sflag:s24] =	ssyncadd.s32 $0xFFFFFF00  }
0x72: {  	_ =	swait.ge [sflag:s24], $0x100  }
0x73: {  	[sflag:s24] =	ssyncset.done $0x0  }
0x74: {  	[sflag:s24] =	ssyncadd.s32 $0xFFFFFF00  }
0x75: {  	_ =	swait.ge [sflag:s24], $0x100  }
0x76: {  	[sflag:s24] =	ssyncset.done $0x0  }
0x77: {  	[sflag:s24] =	ssyncadd.s32 $0xFFFFFF00  }
0x78: {  	_ =	swait.ge [sflag:s24], $0x100  }
0x79: {  	[sflag:s24] =	ssyncset.done $0x0  }
0x7a: {  	[sflag:s24] =	ssyncadd.s32 $0xFFFFFF00  }
0x7b: {  	_ =	swait.ge [sflag:s24], $0x100  }
0x7c: {  	[sflag:s24] =	ssyncset.done $0x0  }
0x7d: {  	[sflag:s24] =	ssyncadd.s32 $0xFFFFFF00  }
0x7e: {  	_ =	swait.ge [sflag:s24], $0x100  }
0x7f: {  	[sflag:s24] =	ssyncset.done $0x0  }
0x80: {  	[sflag:s24] =	ssyncadd.s32 $0xFFFFFF00  }
0x81: {  	_ =	swait.ge [sflag:s24], $0x100  }
0x82: {  	[sflag:s24] =	ssyncset.done $0x0  }
0x83: {  	[sflag:s24] =	ssyncadd.s32 $0xFFFFFF00  }
0x84: {  	_ =	swait.ge [sflag:s24], $0x100  }
0x85: {  	[sflag:s24] =	ssyncset.done $0x0  }
0x86: {  	[sflag:s24] =	ssyncadd.s32 $0xFFFFFF00  }
0x87: {  	_ =	swait.ge [sflag:s24], $0x100  }
0x88: {  	[sflag:s24] =	ssyncset.done $0x0  }
0x89: {  	[sflag:s24] =	ssyncadd.s32 $0xFFFFFF00  }
0x8a: {  	_ =	swait.ge [sflag:s24], $0x100  }
0x8b: {  	[sflag:s24] =	ssyncset.done $0x0  }
0x8c: {  	[sflag:s24] =	ssyncadd.s32 $0xFFFFFF00  }
0x8d: {  	_ =	swait.ge [sflag:s24], $0x100  }
0x8e: {  	[sflag:s24] =	ssyncset.done $0x0  }
0x8f: {  	[sflag:s24] =	ssyncadd.s32 $0xFFFFFF00  }
0x90: {  	_ =	swait.ge [sflag:s24], $0x100  }
0x91: {  	[sflag:s24] =	ssyncset.done $0x0  }
0x92: {  	[sflag:s24] =	ssyncadd.s32 $0xFFFFFF00  }
0x93: {  	_ =	swait.ge [sflag:s24], $0x100  }
0x94: {  	[sflag:s24] =	ssyncset.done $0x0  }
0x95: {  	[sflag:s24] =	ssyncadd.s32 $0xFFFFFF00  }
0x96: {  	_ =	swait.ge [sflag:s24], $0x100  }
0x97: {  	[sflag:s24] =	ssyncset.done $0x0  }
0x98: {  	[sflag:s24] =	ssyncadd.s32 $0xFFFFFF00  }
0x99: {  	_ =	swait.ge [sflag:s24], $0x100  }
0x9a: {  	[sflag:s24] =	ssyncset.done $0x0  }
0x9b: {  	[sflag:s24] =	ssyncadd.s32 $0xFFFFFF00  }
0x9c: {  	_ =	swait.ge [sflag:s24], $0x100  }
0x9d: {  	[sflag:s24] =	ssyncset.done $0x0  }
0x9e: {  	[sflag:s24] =	ssyncadd.s32 $0xFFFFFF00  }
0x9f: {  	_ =	swait.ge [sflag:s24], $0x100  }
0xa0: {  	[sflag:s24] =	ssyncset.done $0x0  }
0xa1: {  	[sflag:s24] =	ssyncadd.s32 $0xFFFFFF00  }
0xa2: {  	_ =	swait.ge [sflag:s24], $0x100  }
0xa3: {  	[sflag:s24] =	ssyncset.done $0x0  }
0xa4: {  	[sflag:s24] =	ssyncadd.s32 $0xFFFFFF00  }
0xa5: {  	_ =	swait.ge [sflag:s24], $0x100  }
0xa6: {  	[sflag:s24] =	ssyncset.done $0x0  }
0xa7: {  	[sflag:s24] =	ssyncadd.s32 $0xFFFFFF00  }
0xa8: {  	_ =	swait.ge [sflag:s24], $0x100  }
0xa9: {  	s1 =	rddreg [dreg:$0xf]  }
0xaa: {  	s0 =	rddreg [dreg:$0x9];
	s1 =	sadd.s32 $0x1, s1  }
0xab: {  	p1 =	sne.s32 s1, s0  }
.Ltmp1:
0xac: {  	_ = 	snop;
	(pc) =	sbr.rel @!p1 .LBB2_24-.Ltmp1, $3  }
0xad: {  	_ =	sdelay $0x1  }
0xae: {  	[sflag:s24] =	ssyncset.done $0x0  }
0xaf: {  	[sflag:s24] =	ssyncadd.s32 $0xFFFFFF00  }
.LBB2_1:
0xb0: {  	s2 =	simm.s32 $0x0  }
0xb1: {  	s0 =	sand.u32 $0x1F000, s2  }
0xb2: {  	s31 =	sand.u32 $0x70, s2;
	s0 =	sadd.s32 s0, s6  }
0xb3: {  	[dreg:$0xf] =	wrdreg s1;
	s0 =	sadd.s32 s31, s0  }
0xb4: {  	[tilespmem:s2], [sflag:$0x5] =	stream.strided.gather [hbm4b:s0+s15], $0x100, s16, s15, $0x38;
	[tilespmem:$0x1FAA8] =	vst v63  }
0xb5: {  	s1 =	simm.s32 $0x10;
	s0 =	simm.s32 $0x200;
	s2 =	simm.s32 $0x0  }
.LBB2_2:
0xb6: {  	s4 =	sand.u32 $0x1F000, s0;
	p1 =	sne.s32 s0, $0x18E00;
	s0 =	sadd.s32 $0x200, s0  }
.Ltmp2:
0xb7: {  	s5 =	sand.u32 $0x70, s1;
	s4 =	sadd.s32 s4, s6;
	(pc) =	sbr.rel @p1 .LBB2_2-.Ltmp2, $4  }
0xb8: {  	s2 =	sadd.s32 $0x100, s2;
	s4 =	sadd.s32 s5, s4  }
0xb9: {  	[tilespmem:s2], [sflag:$0x5] =	stream.strided.gather [hbm4b:s4+s15], $0x100, s16, s15, $0x38;
	[tilespmem:$0x1FAA8] =	vst v63  }
0xba: {  	_ = 	snop  }
0xbb: {  	s1 =	sadd.s32 $0x10, s1  }
0xbc: {  	_ =	swait.ge [sflag:s17], $0x100  }
0xbd: {  	s0 =	simm.s32 $0xC7;
	[sflag:s17] =	ssyncset.done $0x0  }
.LBB2_4:
0xbe: {  	p1 =	sne.s32 s0, $0x1;
	s0 =	sadd.s32 $0xFFFFFFFF, s0;
	[sflag:s17] =	ssyncadd.s32 $0xFFFFFF00  }
.Ltmp3:
0xbf: {  	(pc) =	sbr.rel @p1 .LBB2_4-.Ltmp3, $3  }
0xc0: {  	_ =	sdelay $0x1  }
0xc1: {  	_ =	swait.ge [sflag:s17], $0x100  }
0xc2: {  	[sflag:s17] =	ssyncset.done $0x0  }
0xc3: {  	[sflag:s17] =	ssyncadd.s32 $0xFFFFFF00;
	s0 =	rddreg [dreg:$0x7];
	s1 =	simm.s32 $0xFA00  }
0xc4: {  	s2 =	simm.s32 @!p0 $0x10;
	s4 =	simm.s32 @!p0 $0x80;
	s5 =	simm.s32 @!p0 $0x1C01  }
0xc5: {  	[tilespmem:s1], [sflag:$0x2] =	stream.strided.gather [hbm4b:s0+s15], $0xC80, s16, s15, $0x38;
	[tilespmem:$0x1FAA8] =	vst v63  }
0xc6: {  	s7 =	rddreg [dreg:$0x8];
	s0 =	sshrl.u32 @!p0 s3, $0x3;
	s1 =	simm.s32 @!p0 $0x1  }
0xc7: {  	[spmem:s0@s2], [sflag:s5] =	dma.strided @!p0 [hbm:s7@s4], $0x1E850, s1, $0x10   }
0xc8: {  	_ =	swait.ge @!p0 [sflag:s1], $0x1E850  }
0xc9: {  	[sflag:s1] =	ssyncset.done @!p0 $0x0  }
0xca: {  	s29 =	simm.s32 $0x2;
	[sflag:s1] =	ssyncadd.s32 @!p0 $0xFFFE17B0  }
0xcb: {  	_ =	swait.ge [sflag:s29], $0xC80  }
0xcc: {  	[sflag:s29] =	ssyncset.done $0x0  }
0xcd: {  	[sflag:s29] =	ssyncadd.s32 $0xFFFFF380  }
0xce: {  	[bflag:$0x0] =	sbarrier.arrive $0xFFFF  }
0xcf: {  	s31 =	simm.s32 $0x0;
	s2 =	simm.s32 $0x0;
	s30 =	rddreg [dreg:$0xb]  }
.LBB2_6:
0xd0: {  	[dreg:$0x10] =	wrdreg s2  }
0xd1: {  	s26 =	rddreg [dreg:$0xe]  }
0xd2: {  	s28 =	rddreg [dreg:$0xd]  }
0xd3: {  	s4 =	rddreg [dreg:$0xc]  }
0xd4: {  	s0 =	sand.u32 $0xFFFFF000, s30;
	s5 =	rddreg [dreg:$0xa]  }
0xd5: {  	s1 =	sshll.u32 s2, $0x4;
	s29 =	rddreg [dreg:$0x6];
	s14 =	simm.s32 $0xC800  }
0xd6: {  	s25 =	simm.s32 $0xFB90;
	s10 =	simm.s32 $0x0;
	s2 =	sadd.s32 s0, s26  }
0xd7: {  	s1 =	sand.u32 $0x70, s1;
	s4 =	sadd.s32 s0, s4;
	s26 =	simm.s32 $0xFA00  }
0xd8: {  	s7 =	sadd.s32 s1, s2;
	s2 =	sadd.s32 s0, s28;
	s0 =	sadd.s32 s0, s5  }
0xd9: {  	s9 =	sadd.s32 s1, s4;
	s4 =	sshll.u32 s31, $0x3;
	s5 =	simm.s32 $0x0  }
0xda: {  	s8 =	sadd.s32 s1, s2;
	s13 =	sadd.s32 s1, s0;
	s0 =	sadd.s32 s29, s31  }
0xdb: {  	s2 =	simm.s32 $0xFA00;
	s1 =	simm.s32 $0x19;
	[dreg:$0x11] =	wrdreg s0  }
.LBB2_7:
0xdc: {  	s11 =	sor.u32 s31, s5  }
0xdd: {  	p1 =	seq.s32 s11, $0x0  }
.Ltmp4:
0xde: {  	_ = 	snop;
	(pc) =	sbr.rel @p1 .LBB2_9-.Ltmp4, $1  }
0xdf: {  	_ =	sdelay $0x3  }
0xe0: {  	_ =	swait.ge [sflag:s24], $0x100  }
0xe1: {  	[sflag:s24] =	ssyncset.done $0x0  }
0xe2: {  	[sflag:s24] =	ssyncadd.s32 $0xFFFFFF00  }
0xe3: {  	_ =	swait.ge [sflag:s24], $0x100  }
0xe4: {  	[sflag:s24] =	ssyncset.done $0x0  }
0xe5: {  	[sflag:s24] =	ssyncadd.s32 $0xFFFFFF00  }
0xe6: {  	_ =	swait.ge [sflag:s24], $0x100  }
0xe7: {  	[sflag:s24] =	ssyncset.done $0x0  }
0xe8: {  	[sflag:s24] =	ssyncadd.s32 $0xFFFFFF00  }
0xe9: {  	_ =	swait.ge [sflag:s24], $0x100  }
0xea: {  	[sflag:s24] =	ssyncset.done $0x0  }
0xeb: {  	[sflag:s24] =	ssyncadd.s32 $0xFFFFFF00  }
0xec: {  	_ =	swait.ge [sflag:s24], $0x100  }
0xed: {  	[sflag:s24] =	ssyncset.done $0x0  }
0xee: {  	[sflag:s24] =	ssyncadd.s32 $0xFFFFFF00  }
0xef: {  	_ =	swait.ge [sflag:s24], $0x100  }
0xf0: {  	[sflag:s24] =	ssyncset.done $0x0  }
0xf1: {  	[sflag:s24] =	ssyncadd.s32 $0xFFFFFF00  }
0xf2: {  	_ =	swait.ge [sflag:s24], $0x100  }
0xf3: {  	[sflag:s24] =	ssyncset.done $0x0  }
0xf4: {  	[sflag:s24] =	ssyncadd.s32 $0xFFFFFF00  }
0xf5: {  	_ =	swait.ge [sflag:s24], $0x100  }
0xf6: {  	[sflag:s24] =	ssyncset.done $0x0  }
0xf7: {  	[sflag:s24] =	ssyncadd.s32 $0xFFFFFF00  }
0xf8: {  	_ =	swait.ge [sflag:s24], $0x100  }
0xf9: {  	[sflag:s24] =	ssyncset.done $0x0  }
0xfa: {  	[sflag:s24] =	ssyncadd.s32 $0xFFFFFF00  }
0xfb: {  	_ =	swait.ge [sflag:s24], $0x100  }
0xfc: {  	[sflag:s24] =	ssyncset.done $0x0  }
0xfd: {  	[sflag:s24] =	ssyncadd.s32 $0xFFFFFF00  }
0xfe: {  	_ =	swait.ge [sflag:s24], $0x100  }
0xff: {  	[sflag:s24] =	ssyncset.done $0x0  }
0x100: {  	[sflag:s24] =	ssyncadd.s32 $0xFFFFFF00  }
0x101: {  	_ =	swait.ge [sflag:s24], $0x100  }
0x102: {  	[sflag:s24] =	ssyncset.done $0x0  }
0x103: {  	[sflag:s24] =	ssyncadd.s32 $0xFFFFFF00  }
0x104: {  	_ =	swait.ge [sflag:s24], $0x100  }
0x105: {  	[sflag:s24] =	ssyncset.done $0x0  }
0x106: {  	[sflag:s24] =	ssyncadd.s32 $0xFFFFFF00  }
0x107: {  	_ =	swait.ge [sflag:s24], $0x100  }
0x108: {  	[sflag:s24] =	ssyncset.done $0x0  }
0x109: {  	[sflag:s24] =	ssyncadd.s32 $0xFFFFFF00  }
0x10a: {  	_ =	swait.ge [sflag:s24], $0x100  }
0x10b: {  	[sflag:s24] =	ssyncset.done $0x0  }
0x10c: {  	[sflag:s24] =	ssyncadd.s32 $0xFFFFFF00  }
0x10d: {  	_ =	swait.ge [sflag:s24], $0x100  }
0x10e: {  	[sflag:s24] =	ssyncset.done $0x0  }
0x10f: {  	[sflag:s24] =	ssyncadd.s32 $0xFFFFFF00  }
0x110: {  	_ =	swait.ge [sflag:s24], $0x100  }
0x111: {  	[sflag:s24] =	ssyncset.done $0x0  }
0x112: {  	[sflag:s24] =	ssyncadd.s32 $0xFFFFFF00  }
0x113: {  	_ =	swait.ge [sflag:s24], $0x100  }
0x114: {  	[sflag:s24] =	ssyncset.done $0x0  }
0x115: {  	[sflag:s24] =	ssyncadd.s32 $0xFFFFFF00  }
0x116: {  	_ =	swait.ge [sflag:s24], $0x100  }
0x117: {  	[sflag:s24] =	ssyncset.done $0x0  }
0x118: {  	[sflag:s24] =	ssyncadd.s32 $0xFFFFFF00  }
0x119: {  	_ =	swait.ge [sflag:s24], $0x100  }
0x11a: {  	[sflag:s24] =	ssyncset.done $0x0  }
0x11b: {  	[sflag:s24] =	ssyncadd.s32 $0xFFFFFF00  }
0x11c: {  	_ =	swait.ge [sflag:s24], $0x100  }
0x11d: {  	[sflag:s24] =	ssyncset.done $0x0  }
0x11e: {  	[sflag:s24] =	ssyncadd.s32 $0xFFFFFF00  }
0x11f: {  	_ =	swait.ge [sflag:s24], $0x100  }
0x120: {  	[sflag:s24] =	ssyncset.done $0x0  }
0x121: {  	[sflag:s24] =	ssyncadd.s32 $0xFFFFFF00  }
0x122: {  	_ =	swait.ge [sflag:s24], $0x100  }
0x123: {  	[sflag:s24] =	ssyncset.done $0x0  }
0x124: {  	[sflag:s24] =	ssyncadd.s32 $0xFFFFFF00  }
0x125: {  	_ =	swait.ge [sflag:s24], $0x100  }
0x126: {  	[sflag:s24] =	ssyncset.done $0x0  }
0x127: {  	[sflag:s24] =	ssyncadd.s32 $0xFFFFFF00  }
0x128: {  	_ =	swait.ge [sflag:s24], $0x100  }
0x129: {  	[sflag:s24] =	ssyncset.done $0x0  }
0x12a: {  	[sflag:s24] =	ssyncadd.s32 $0xFFFFFF00  }
.LBB2_9:
0x12b: {  	s11 =	smul.u32 $0xC800, s5;
	_ =	sdelay $0x1  }
0x12c: {  	s12 =	sshll.u32 s5, $0x1;
	s11 =	sshra.s32 s11, $0x2  }
0x12d: {  	[tilespmem:s21], [sflag:$0x3] =	stream.indirect.gather [spmem:s3], $0x1, s11, s20, $0xb8;
	[tilespmem:$0x1FAA8] =	vst v63  }
0x12e: {  	s11 =	sor.u32 $0x1, s12  }
0x12f: {  	s12 =	sadd.s32 s4, s11  }
0x130: {  	p1 =	seq.s32 s12, $0x1  }
.Ltmp5:
0x131: {  	_ = 	snop;
	(pc) =	sbr.rel @p1 .LBB2_11-.Ltmp5, $1  }
0x132: {  	_ =	sdelay $0x3  }
0x133: {  	_ =	swait.ge [sflag:s24], $0x100  }
0x134: {  	[sflag:s24] =	ssyncset.done $0x0  }
0x135: {  	[sflag:s24] =	ssyncadd.s32 $0xFFFFFF00  }
0x136: {  	_ =	swait.ge [sflag:s24], $0x100  }
0x137: {  	[sflag:s24] =	ssyncset.done $0x0  }
0x138: {  	[sflag:s24] =	ssyncadd.s32 $0xFFFFFF00  }
0x139: {  	_ =	swait.ge [sflag:s24], $0x100  }
0x13a: {  	[sflag:s24] =	ssyncset.done $0x0  }
0x13b: {  	[sflag:s24] =	ssyncadd.s32 $0xFFFFFF00  }
0x13c: {  	_ =	swait.ge [sflag:s24], $0x100  }
0x13d: {  	[sflag:s24] =	ssyncset.done $0x0  }
0x13e: {  	[sflag:s24] =	ssyncadd.s32 $0xFFFFFF00  }
0x13f: {  	_ =	swait.ge [sflag:s24], $0x100  }
0x140: {  	[sflag:s24] =	ssyncset.done $0x0  }
0x141: {  	[sflag:s24] =	ssyncadd.s32 $0xFFFFFF00  }
0x142: {  	_ =	swait.ge [sflag:s24], $0x100  }
0x143: {  	[sflag:s24] =	ssyncset.done $0x0  }
0x144: {  	[sflag:s24] =	ssyncadd.s32 $0xFFFFFF00  }
0x145: {  	_ =	swait.ge [sflag:s24], $0x100  }
0x146: {  	[sflag:s24] =	ssyncset.done $0x0  }
0x147: {  	[sflag:s24] =	ssyncadd.s32 $0xFFFFFF00  }
0x148: {  	_ =	swait.ge [sflag:s24], $0x100  }
0x149: {  	[sflag:s24] =	ssyncset.done $0x0  }
0x14a: {  	[sflag:s24] =	ssyncadd.s32 $0xFFFFFF00  }
0x14b: {  	_ =	swait.ge [sflag:s24], $0x100  }
0x14c: {  	[sflag:s24] =	ssyncset.done $0x0  }
0x14d: {  	[sflag:s24] =	ssyncadd.s32 $0xFFFFFF00  }
0x14e: {  	_ =	swait.ge [sflag:s24], $0x100  }
0x14f: {  	[sflag:s24] =	ssyncset.done $0x0  }
0x150: {  	[sflag:s24] =	ssyncadd.s32 $0xFFFFFF00  }
0x151: {  	_ =	swait.ge [sflag:s24], $0x100  }
0x152: {  	[sflag:s24] =	ssyncset.done $0x0  }
0x153: {  	[sflag:s24] =	ssyncadd.s32 $0xFFFFFF00  }
0x154: {  	_ =	swait.ge [sflag:s24], $0x100  }
0x155: {  	[sflag:s24] =	ssyncset.done $0x0  }
0x156: {  	[sflag:s24] =	ssyncadd.s32 $0xFFFFFF00  }
0x157: {  	_ =	swait.ge [sflag:s24], $0x100  }
0x158: {  	[sflag:s24] =	ssyncset.done $0x0  }
0x159: {  	[sflag:s24] =	ssyncadd.s32 $0xFFFFFF00  }
0x15a: {  	_ =	swait.ge [sflag:s24], $0x100  }
0x15b: {  	[sflag:s24] =	ssyncset.done $0x0  }
0x15c: {  	[sflag:s24] =	ssyncadd.s32 $0xFFFFFF00  }
0x15d: {  	_ =	swait.ge [sflag:s24], $0x100  }
0x15e: {  	[sflag:s24] =	ssyncset.done $0x0  }
0x15f: {  	[sflag:s24] =	ssyncadd.s32 $0xFFFFFF00  }
0x160: {  	_ =	swait.ge [sflag:s24], $0x100  }
0x161: {  	[sflag:s24] =	ssyncset.done $0x0  }
0x162: {  	[sflag:s24] =	ssyncadd.s32 $0xFFFFFF00  }
0x163: {  	_ =	swait.ge [sflag:s24], $0x100  }
0x164: {  	[sflag:s24] =	ssyncset.done $0x0  }
0x165: {  	[sflag:s24] =	ssyncadd.s32 $0xFFFFFF00  }
0x166: {  	_ =	swait.ge [sflag:s24], $0x100  }
0x167: {  	[sflag:s24] =	ssyncset.done $0x0  }
0x168: {  	[sflag:s24] =	ssyncadd.s32 $0xFFFFFF00  }
0x169: {  	_ =	swait.ge [sflag:s24], $0x100  }
0x16a: {  	[sflag:s24] =	ssyncset.done $0x0  }
0x16b: {  	[sflag:s24] =	ssyncadd.s32 $0xFFFFFF00  }
0x16c: {  	_ =	swait.ge [sflag:s24], $0x100  }
0x16d: {  	[sflag:s24] =	ssyncset.done $0x0  }
0x16e: {  	[sflag:s24] =	ssyncadd.s32 $0xFFFFFF00  }
0x16f: {  	_ =	swait.ge [sflag:s24], $0x100  }
0x170: {  	[sflag:s24] =	ssyncset.done $0x0  }
0x171: {  	[sflag:s24] =	ssyncadd.s32 $0xFFFFFF00  }
0x172: {  	_ =	swait.ge [sflag:s24], $0x100  }
0x173: {  	[sflag:s24] =	ssyncset.done $0x0  }
0x174: {  	[sflag:s24] =	ssyncadd.s32 $0xFFFFFF00  }
0x175: {  	_ =	swait.ge [sflag:s24], $0x100  }
0x176: {  	[sflag:s24] =	ssyncset.done $0x0  }
0x177: {  	[sflag:s24] =	ssyncadd.s32 $0xFFFFFF00  }
0x178: {  	_ =	swait.ge [sflag:s24], $0x100  }
0x179: {  	[sflag:s24] =	ssyncset.done $0x0  }
0x17a: {  	[sflag:s24] =	ssyncadd.s32 $0xFFFFFF00  }
0x17b: {  	_ =	swait.ge [sflag:s24], $0x100  }
0x17c: {  	[sflag:s24] =	ssyncset.done $0x0  }
0x17d: {  	[sflag:s24] =	ssyncadd.s32 $0xFFFFFF00  }
.LBB2_11:
0x17e: {  	s11 =	smul.u32 $0x6400, s11;
	_ =	sdelay $0x1  }
0x17f: {  	v0 =	vmov s26;
	s11 =	sshra.s32 s11, $0x2  }
0x180: {  	[tilespmem:s22], [sflag:$0x3] =	stream.indirect.gather [spmem:s3], $0x1, s11, s20, $0xb8;
	[tilespmem:$0x1FAA8] =	vst v63  }
0x181: {  	_ =	swait.ge [sflag:s23], $0x1900  }
0x182: {  	[sflag:s23] =	ssyncset.done $0x0  }
0x183: {  	s12 =	simm.s32 $0x0;
	[sflag:s23] =	ssyncadd.s32 $0xFFFFE700  }
0x184: {  	s19 =	simm.s32 $0xC880;
	v1 =	vld.idx.msk [tilespmem:v0+s12+$0x0 ss:$0x1], $0xffff  }
0x185: {  	v2 =	vld [tilespmem:s19+$0xFFFFFF80]  }
0x186: {  	v3 =	vld [tilespmem:s19+$0xFFFFFF90]  }
0x187: {  	v4 =	vld [tilespmem:s19+$0xFFFFFFA0]  }
0x188: {  	v5 =	vld [tilespmem:s19+$0xFFFFFFB0]  }
0x189: {  	v6 =	vld [tilespmem:s19+$0xFFFFFFC0]  }
0x18a: {  	v7 =	vld [tilespmem:s19+$0xFFFFFFD0];
	v2 =	vmul.f32 $8.000000000e+00, v2  }
0x18b: {  	v8 =	vld [tilespmem:s19+$0xFFFFFFE0];
	v3 =	vmul.f32 $8.000000000e+00, v3  }
0x18c: {  	v9 =	vld [tilespmem:s19+$0xFFFFFFF0];
	v4 =	vmul.f32 $8.000000000e+00, v4;
	v2 =	vadd.f32 v2, v1  }
0x18d: {  	v10 =	vld [tilespmem:s19+$0x0];
	v5 =	vmul.f32 $8.000000000e+00, v5;
	v3 =	vadd.f32 v3, v1  }
0x18e: {  	[tilespmem:s19+$0xFFFFFF80] =	vst v2;
	v2 =	vadd.f32 v4, v1;
	v4 =	vmul.f32 $8.000000000e+00, v6;
	v6 =	vld [tilespmem:s19+$0x10]  }
0x18f: {  	[tilespmem:s19+$0xFFFFFF90] =	vst v3;
	v3 =	vadd.f32 v5, v1;
	v5 =	vmul.f32 $8.000000000e+00, v7;
	v7 =	vld [tilespmem:s19+$0x20]  }
0x190: {  	[tilespmem:s19+$0xFFFFFFA0] =	vst v2;
	v2 =	vadd.f32 v4, v1;
	v4 =	vmul.f32 $8.000000000e+00, v8;
	v8 =	vld [tilespmem:s19+$0x30]  }
0x191: {  	[tilespmem:s19+$0xFFFFFFB0] =	vst v3;
	v3 =	vadd.f32 v5, v1;
	v5 =	vmul.f32 $8.000000000e+00, v9;
	v9 =	vld [tilespmem:s19+$0x40]  }
0x192: {  	[tilespmem:s19+$0xFFFFFFC0] =	vst v2;
	v2 =	vadd.f32 v4, v1;
	v4 =	vmul.f32 $8.000000000e+00, v10;
	v10 =	vld [tilespmem:s19+$0x50]  }
0x193: {  	[tilespmem:s19+$0xFFFFFFD0] =	vst v3;
	v3 =	vadd.f32 v5, v1;
	v5 =	vmul.f32 $8.000000000e+00, v6;
	v6 =	vld [tilespmem:s19+$0x60]  }
0x194: {  	[tilespmem:s19+$0xFFFFFFE0] =	vst v2;
	v2 =	vadd.f32 v4, v1;
	v4 =	vmul.f32 $8.000000000e+00, v7;
	v7 =	vld [tilespmem:s19+$0x70]  }
0x195: {  	[tilespmem:s19+$0xFFFFFFF0] =	vst v3;
	v3 =	vadd.f32 v5, v1;
	v5 =	vmul.f32 $8.000000000e+00, v8  }
0x196: {  	[tilespmem:s19+$0x0] =	vst v2;
	v2 =	vadd.f32 v4, v1;
	v4 =	vmul.f32 $8.000000000e+00, v9  }
0x197: {  	s29 =	smulhi.u32 $0x51EB851F, s10;
	[tilespmem:s19+$0x10] =	vst v3;
	v3 =	vadd.f32 v5, v1;
	v5 =	vmul.f32 $8.000000000e+00, v10  }
0x198: {  	[tilespmem:s19+$0x20] =	vst v2;
	v2 =	vadd.f32 v4, v1;
	v4 =	vmul.f32 $8.000000000e+00, v6  }
0x199: {  	s12 =	sshrl.u32 s29, $0x3;
	[tilespmem:s19+$0x30] =	vst v3;
	v3 =	vadd.f32 v5, v1;
	v5 =	vmul.f32 $8.000000000e+00, v7  }
0x19a: {  	s12 =	smul.u32 $0xFFFF9C00, s12;
	[tilespmem:s19+$0x40] =	vst v2;
	v2 =	vadd.f32 v4, v1  }
0x19b: {  	[tilespmem:s19+$0x50] =	vst v3;
	v1 =	vadd.f32 v5, v1  }
0x19c: {  	s12 =	sshra.s32 s12, $0x2;
	[tilespmem:s19+$0x60] =	vst v2  }
0x19d: {  	s18 =	simm.s32 $0x10;
	s12 =	sadd.s32 s12, s14;
	[tilespmem:s19+$0x70] =	vst v1  }
0x19e: {  	[hbm4b:s13+s15] =	stream.strided.scatter [tilespmem:s12], [sflag:$0x4], $0x100, s16, s15, $0x38;
	[tilespmem:$0x1FAA8] =	vst v63  }
0x19f: {  	s12 =	simm.s32 $0xC980;
	v1 =	vld.idx.msk [tilespmem:v0+s18+$0x0 ss:$0x1], $0xffff  }
0x1a0: {  	v2 =	vld [tilespmem:s12+$0xFFFFFF80]  }
0x1a1: {  	v3 =	vld [tilespmem:s12+$0xFFFFFF90]  }
0x1a2: {  	v4 =	vld [tilespmem:s12+$0xFFFFFFA0]  }
0x1a3: {  	v5 =	vld [tilespmem:s12+$0xFFFFFFB0];
	_ =	sdelay $0x1  }
0x1a4: {  	v6 =	vld [tilespmem:s12+$0xFFFFFFC0]  }
0x1a5: {  	v7 =	vld [tilespmem:s12+$0xFFFFFFD0];
	v2 =	vmul.f32 $8.000000000e+00, v2  }
0x1a6: {  	v8 =	vld [tilespmem:s12+$0xFFFFFFE0];
	v3 =	vmul.f32 $8.000000000e+00, v3  }
0x1a7: {  	v9 =	vld [tilespmem:s12+$0xFFFFFFF0];
	v4 =	vmul.f32 $8.000000000e+00, v4;
	v5 =	vmul.f32 $8.000000000e+00, v5;
	v2 =	vadd.f32 v2, v1  }
0x1a8: {  	v10 =	vld [tilespmem:s12+$0x0];
	v3 =	vadd.f32 v3, v1  }
0x1a9: {  	v5 =	vadd.f32 v5, v1;
	[tilespmem:s12+$0xFFFFFF80] =	vst v2;
	v2 =	vadd.f32 v4, v1;
	v4 =	vmul.f32 $8.000000000e+00, v6;
	v6 =	vld [tilespmem:s12+$0x10]  }
0x1aa: {  	v11 =	vld [tilespmem:s12+$0x20];
	v7 =	vmul.f32 $8.000000000e+00, v7;
	[tilespmem:s12+$0xFFFFFF90] =	vst v3  }
0x1ab: {  	v8 =	vmul.f32 $8.000000000e+00, v8;
	v3 =	vld [tilespmem:s12+$0x30];
	[tilespmem:s12+$0xFFFFFFB0] =	vst v5;
	v4 =	vadd.f32 v4, v1  }
0x1ac: {  	v5 =	vadd.f32 v7, v1;
	v7 =	vmul.f32 $8.000000000e+00, v9;
	[tilespmem:s12+$0xFFFFFFA0] =	vst v2;
	v2 =	vld [tilespmem:s12+$0x40]  }
0x1ad: {  	v12 =	vmul.f32 $8.000000000e+00, v10;
	v8 =	vadd.f32 v8, v1;
	[tilespmem:s12+$0xFFFFFFC0] =	vst v4;
	v4 =	vld [tilespmem:s12+$0x50]  }
0x1ae: {  	s28 =	smov.u32 s14;
	[tilespmem:s12+$0xFFFFFFD0] =	vst v5;
	v9 =	vadd.f32 v7, v1;
	v5 =	vld [tilespmem:s12+$0x60];
	v10 =	vmul.f32 $8.000000000e+00, v6  }
0x1af: {  	s11 =	smov.u32 s13;
	s19 =	simm.s32 $0x80;
	s18 =	smov.u32 s10;
	[tilespmem:s12+$0xFFFFFFE0] =	vst v8;
	v8 =	vmul.f32 $8.000000000e+00, v11;
	v7 =	vadd.f32 v12, v1;
	v6 =	vld [tilespmem:s12+$0x70]  }
.LBB2_12:
0x1b0: {  	p1 =	sne.s32 s19, $0x600;
	[tilespmem:s12+$0xFFFFFFF0] =	vst v9;
	v9 =	vadd.f32 v10, v1;
	v3 =	vmul.f32 $8.000000000e+00, v3;
	s18 =	sadd.s32 $0x1, s18  }
0x1b1: {  	s0 =	smulhi.u32 $0x51EB851F, s18;
	[tilespmem:s12+$0x0] =	vst v7;
	v7 =	vadd.f32 v8, v1;
	v2 =	vmul.f32 $8.000000000e+00, v2  }
0x1b2: {  	[tilespmem:s12+$0x10] =	vst v9;
	v3 =	vadd.f32 v3, v1;
	v4 =	vmul.f32 $8.000000000e+00, v4  }
0x1b3: {  	s0 =	sshrl.u32 s0, $0x3;
	[tilespmem:s12+$0x20] =	vst v7;
	v2 =	vadd.f32 v2, v1;
	v5 =	vmul.f32 $8.000000000e+00, v5  }
0x1b4: {  	s0 =	smul.u32 $0xFFFF9C00, s0;
	[tilespmem:s12+$0x30] =	vst v3;
	v3 =	vadd.f32 v4, v1;
	v4 =	vmul.f32 $8.000000000e+00, v6  }
0x1b5: {  	[tilespmem:s12+$0x40] =	vst v2;
	v2 =	vadd.f32 v5, v1  }
0x1b6: {  	s28 =	sadd.s32 $0x100, s28;
	s0 =	sshra.s32 s0, $0x2;
	[tilespmem:s12+$0x50] =	vst v3;
	v1 =	vadd.f32 v4, v1  }
0x1b7: {  	s29 =	sshra.s32 s19, $0x2;
	s11 =	sadd.s32 $0x8000, s11;
	s0 =	sadd.s32 s0, s28;
	[tilespmem:s12+$0x60] =	vst v2  }
0x1b8: {  	[tilespmem:s12+$0x70] =	vst v1;
	[hbm4b:s11+s15] =	stream.strided.scatter [tilespmem:s0], [sflag:$0x4], $0x100, s16, s15, $0x38  }
0x1b9: {  	s12 =	sadd.s32 $0x100, s12;
	v1 =	vld.idx.msk [tilespmem:v0+s29+$0x0 ss:$0x1], $0xffff  }
0x1ba: {  	v2 =	vld [tilespmem:s12+$0xFFFFFF80]  }
0x1bb: {  	v3 =	vld [tilespmem:s12+$0xFFFFFF90]  }
0x1bc: {  	v4 =	vld [tilespmem:s12+$0xFFFFFFA0]  }
0x1bd: {  	v5 =	vld [tilespmem:s12+$0xFFFFFFB0]  }
0x1be: {  	v6 =	vld [tilespmem:s12+$0xFFFFFFC0]  }
0x1bf: {  	v2 =	vmul.f32 $8.000000000e+00, v2;
	v7 =	vld [tilespmem:s12+$0xFFFFFFD0]  }
0x1c0: {  	v3 =	vmul.f32 $8.000000000e+00, v3;
	v8 =	vld [tilespmem:s12+$0xFFFFFFE0]  }
0x1c1: {  	v2 =	vadd.f32 v2, v1;
	v4 =	vmul.f32 $8.000000000e+00, v4;
	v9 =	vld [tilespmem:s12+$0xFFFFFFF0]  }
0x1c2: {  	v3 =	vadd.f32 v3, v1;
	v5 =	vmul.f32 $8.000000000e+00, v5;
	v10 =	vld [tilespmem:s12+$0x0]  }
0x1c3: {  	[tilespmem:s12+$0xFFFFFF80] =	vst v2;
	v2 =	vadd.f32 v4, v1;
	v4 =	vmul.f32 $8.000000000e+00, v6;
	v6 =	vld [tilespmem:s12+$0x10]  }
0x1c4: {  	[tilespmem:s12+$0xFFFFFF90] =	vst v3;
	v5 =	vadd.f32 v5, v1;
	v7 =	vmul.f32 $8.000000000e+00, v7;
	v11 =	vld [tilespmem:s12+$0x20]  }
.Ltmp6:
0x1c5: {  	[tilespmem:s12+$0xFFFFFFA0] =	vst v2;
	v4 =	vadd.f32 v4, v1;
	v8 =	vmul.f32 $8.000000000e+00, v8;
	v3 =	vld [tilespmem:s12+$0x30];
	(pc) =	sbr.rel @p1 .LBB2_12-.Ltmp6, $4  }
0x1c6: {  	[tilespmem:s12+$0xFFFFFFB0] =	vst v5;
	v5 =	vadd.f32 v7, v1;
	v7 =	vmul.f32 $8.000000000e+00, v9;
	v2 =	vld [tilespmem:s12+$0x40]  }
0x1c7: {  	[tilespmem:s12+$0xFFFFFFC0] =	vst v4;
	v8 =	vadd.f32 v8, v1;
	v12 =	vmul.f32 $8.000000000e+00, v10;
	v4 =	vld [tilespmem:s12+$0x50]  }
0x1c8: {  	[tilespmem:s12+$0xFFFFFFD0] =	vst v5;
	v9 =	vadd.f32 v7, v1;
	v10 =	vmul.f32 $8.000000000e+00, v6;
	v5 =	vld [tilespmem:s12+$0x60]  }
0x1c9: {  	s19 =	sadd.s32 $0x40, s19;
	[tilespmem:s12+$0xFFFFFFE0] =	vst v8;
	v7 =	vadd.f32 v12, v1;
	v8 =	vmul.f32 $8.000000000e+00, v11;
	v6 =	vld [tilespmem:s12+$0x70]  }
0x1ca: {  	[tilespmem:s12+$0xFFFFFFF0] =	vst v9;
	v0 =	vadd.f32 v10, v1;
	v3 =	vmul.f32 $8.000000000e+00, v3  }
0x1cb: {  	s0 =	sadd.s32 $0x1, s18;
	[tilespmem:s12+$0x0] =	vst v7;
	v7 =	vadd.f32 v8, v1;
	v2 =	vmul.f32 $8.000000000e+00, v2  }
0x1cc: {  	s0 =	smulhi.u32 $0x51EB851F, s0;
	[tilespmem:s12+$0x10] =	vst v0;
	v0 =	vadd.f32 v3, v1;
	v3 =	vmul.f32 $8.000000000e+00, v4  }
0x1cd: {  	[tilespmem:s12+$0x20] =	vst v7;
	v2 =	vadd.f32 v2, v1;
	v4 =	vmul.f32 $8.000000000e+00, v5  }
0x1ce: {  	s0 =	sshrl.u32 s0, $0x3;
	[tilespmem:s12+$0x30] =	vst v0;
	v0 =	vadd.f32 v3, v1;
	v3 =	vmul.f32 $8.000000000e+00, v6  }
0x1cf: {  	s0 =	smul.u32 $0xFFFF9C00, s0;
	[tilespmem:s12+$0x40] =	vst v2;
	v2 =	vadd.f32 v4, v1  }
0x1d0: {  	[tilespmem:s12+$0x50] =	vst v0;
	v0 =	vadd.f32 v3, v1  }
0x1d1: {  	s29 =	sadd.s32 $0x100, s28;
	s0 =	sshra.s32 s0, $0x2;
	[tilespmem:s12+$0x60] =	vst v2  }
0x1d2: {  	s11 =	sadd.s32 $0x8000, s11;
	s0 =	sadd.s32 s0, s29;
	[tilespmem:s12+$0x70] =	vst v0;
	v0 =	vmov s25  }
0x1d3: {  	[hbm4b:s11+s15] =	stream.strided.scatter [tilespmem:s0], [sflag:$0x4], $0x100, s16, s15, $0x38;
	[tilespmem:$0x1FAA8] =	vst v63  }
0x1d4: {  	_ =	swait.ge [sflag:s23], $0x1900  }
0x1d5: {  	[sflag:s23] =	ssyncset.done $0x0  }
0x1d6: {  	s12 =	simm.s32 $0x0;
	[sflag:s23] =	ssyncadd.s32 $0xFFFFE700  }
0x1d7: {  	s18 =	simm.s32 $0xE100;
	v1 =	vld.idx.msk [tilespmem:v0+s12+$0x0 ss:$0x1], $0xffff  }
0x1d8: {  	v2 =	vld [tilespmem:s18+$0x0]  }
0x1d9: {  	v3 =	vld [tilespmem:s18+$0x10]  }
0x1da: {  	v4 =	vld [tilespmem:s18+$0x20]  }
0x1db: {  	v5 =	vld [tilespmem:s18+$0x30]  }
0x1dc: {  	v6 =	vld [tilespmem:s18+$0x40]  }
0x1dd: {  	v7 =	vld [tilespmem:s18+$0x50];
	v2 =	vmul.f32 $8.000000000e+00, v2  }
0x1de: {  	v8 =	vld [tilespmem:s18+$0x60];
	v3 =	vmul.f32 $8.000000000e+00, v3  }
0x1df: {  	v9 =	vld [tilespmem:s18+$0x70];
	v4 =	vmul.f32 $8.000000000e+00, v4;
	v2 =	vadd.f32 v2, v1  }
0x1e0: {  	v10 =	vld [tilespmem:s18+$0x80];
	v5 =	vmul.f32 $8.000000000e+00, v5;
	v3 =	vadd.f32 v3, v1  }
0x1e1: {  	[tilespmem:s18+$0x0] =	vst v2;
	v2 =	vadd.f32 v4, v1;
	v4 =	vmul.f32 $8.000000000e+00, v6;
	v6 =	vld [tilespmem:s18+$0x90]  }
0x1e2: {  	[tilespmem:s18+$0x10] =	vst v3;
	v3 =	vadd.f32 v5, v1;
	v5 =	vmul.f32 $8.000000000e+00, v7;
	v7 =	vld [tilespmem:s18+$0xA0]  }
0x1e3: {  	[tilespmem:s18+$0x20] =	vst v2;
	v2 =	vadd.f32 v4, v1;
	v4 =	vmul.f32 $8.000000000e+00, v8;
	v8 =	vld [tilespmem:s18+$0xB0]  }
0x1e4: {  	[tilespmem:s18+$0x30] =	vst v3;
	v3 =	vadd.f32 v5, v1;
	v5 =	vmul.f32 $8.000000000e+00, v9;
	v9 =	vld [tilespmem:s18+$0xC0]  }
0x1e5: {  	[tilespmem:s18+$0x40] =	vst v2;
	v2 =	vadd.f32 v4, v1;
	v4 =	vmul.f32 $8.000000000e+00, v10;
	v10 =	vld [tilespmem:s18+$0xD0]  }
0x1e6: {  	[tilespmem:s18+$0x50] =	vst v3;
	v3 =	vadd.f32 v5, v1;
	v5 =	vmul.f32 $8.000000000e+00, v6;
	v6 =	vld [tilespmem:s18+$0xE0]  }
0x1e7: {  	[tilespmem:s18+$0x60] =	vst v2;
	v2 =	vadd.f32 v4, v1;
	v4 =	vmul.f32 $8.000000000e+00, v7;
	v7 =	vld [tilespmem:s18+$0xF0]  }
0x1e8: {  	[tilespmem:s18+$0x70] =	vst v3;
	v3 =	vadd.f32 v5, v1;
	v5 =	vmul.f32 $8.000000000e+00, v8  }
0x1e9: {  	[tilespmem:s18+$0x80] =	vst v2;
	v2 =	vadd.f32 v4, v1;
	v4 =	vmul.f32 $8.000000000e+00, v9  }
0x1ea: {  	s19 =	smulhi.u32 $0x51EB851F, s1;
	[tilespmem:s18+$0x90] =	vst v3;
	v3 =	vadd.f32 v5, v1;
	v5 =	vmul.f32 $8.000000000e+00, v10  }
0x1eb: {  	[tilespmem:s18+$0xA0] =	vst v2;
	v2 =	vadd.f32 v4, v1;
	v4 =	vmul.f32 $8.000000000e+00, v6  }
0x1ec: {  	s0 =	sshrl.u32 s19, $0x3;
	[tilespmem:s18+$0xB0] =	vst v3;
	v3 =	vadd.f32 v5, v1;
	v5 =	vmul.f32 $8.000000000e+00, v7  }
0x1ed: {  	s0 =	smul.u32 $0xFFFF9C00, s0;
	[tilespmem:s18+$0xC0] =	vst v2;
	v2 =	vadd.f32 v4, v1  }
0x1ee: {  	[tilespmem:s18+$0xD0] =	vst v3;
	v1 =	vadd.f32 v5, v1  }
0x1ef: {  	s0 =	sshra.s32 s0, $0x2;
	[tilespmem:s18+$0xE0] =	vst v2  }
0x1f0: {  	s29 =	simm.s32 $0x10;
	s0 =	sadd.s32 s0, s2;
	[tilespmem:s18+$0xF0] =	vst v1  }
0x1f1: {  	[hbm4b:s9+s15] =	stream.strided.scatter [tilespmem:s0], [sflag:$0x4], $0x100, s16, s15, $0x38;
	[tilespmem:$0x1FAA8] =	vst v63  }
0x1f2: {  	s12 =	simm.s32 $0xE200;
	v1 =	vld.idx.msk [tilespmem:v0+s29+$0x0 ss:$0x1], $0xffff  }
0x1f3: {  	v2 =	vld [tilespmem:s12+$0x0]  }
0x1f4: {  	v3 =	vld [tilespmem:s12+$0x10]  }
0x1f5: {  	v4 =	vld [tilespmem:s12+$0x20]  }
0x1f6: {  	v5 =	vld [tilespmem:s12+$0x30];
	_ =	sdelay $0x1  }
0x1f7: {  	v6 =	vld [tilespmem:s12+$0x40]  }
0x1f8: {  	v7 =	vld [tilespmem:s12+$0x50];
	v2 =	vmul.f32 $8.000000000e+00, v2  }
0x1f9: {  	v8 =	vld [tilespmem:s12+$0x60];
	v3 =	vmul.f32 $8.000000000e+00, v3  }
0x1fa: {  	v9 =	vld [tilespmem:s12+$0x70];
	v4 =	vmul.f32 $8.000000000e+00, v4;
	v5 =	vmul.f32 $8.000000000e+00, v5;
	v2 =	vadd.f32 v2, v1  }
0x1fb: {  	v10 =	vld [tilespmem:s12+$0x80];
	v3 =	vadd.f32 v3, v1  }
0x1fc: {  	v5 =	vadd.f32 v5, v1;
	[tilespmem:s12+$0x0] =	vst v2;
	v2 =	vadd.f32 v4, v1;
	v4 =	vmul.f32 $8.000000000e+00, v6;
	v6 =	vld [tilespmem:s12+$0x90]  }
0x1fd: {  	v11 =	vld [tilespmem:s12+$0xA0];
	v7 =	vmul.f32 $8.000000000e+00, v7;
	[tilespmem:s12+$0x10] =	vst v3  }
0x1fe: {  	v8 =	vmul.f32 $8.000000000e+00, v8;
	v3 =	vld [tilespmem:s12+$0xB0];
	[tilespmem:s12+$0x30] =	vst v5;
	v4 =	vadd.f32 v4, v1  }
0x1ff: {  	v5 =	vadd.f32 v7, v1;
	v7 =	vmul.f32 $8.000000000e+00, v9;
	[tilespmem:s12+$0x20] =	vst v2;
	v2 =	vld [tilespmem:s12+$0xC0]  }
0x200: {  	v12 =	vmul.f32 $8.000000000e+00, v10;
	v8 =	vadd.f32 v8, v1;
	[tilespmem:s12+$0x40] =	vst v4;
	v4 =	vld [tilespmem:s12+$0xD0]  }
0x201: {  	s28 =	smov.u32 s2;
	[tilespmem:s12+$0x50] =	vst v5;
	v9 =	vadd.f32 v7, v1;
	v5 =	vld [tilespmem:s12+$0xE0];
	v10 =	vmul.f32 $8.000000000e+00, v6  }
0x202: {  	s19 =	simm.s32 $0x80;
	s11 =	smov.u32 s9;
	s18 =	smov.u32 s1;
	[tilespmem:s12+$0x60] =	vst v8;
	v8 =	vmul.f32 $8.000000000e+00, v11;
	v7 =	vadd.f32 v12, v1;
	v6 =	vld [tilespmem:s12+$0xF0]  }
.LBB2_14:
0x203: {  	p1 =	sne.s32 s19, $0x600;
	[tilespmem:s12+$0x70] =	vst v9;
	v9 =	vadd.f32 v10, v1;
	v3 =	vmul.f32 $8.000000000e+00, v3;
	s18 =	sadd.s32 $0x1, s18  }
0x204: {  	s0 =	smulhi.u32 $0x51EB851F, s18;
	[tilespmem:s12+$0x80] =	vst v7;
	v7 =	vadd.f32 v8, v1;
	v2 =	vmul.f32 $8.000000000e+00, v2  }
0x205: {  	[tilespmem:s12+$0x90] =	vst v9;
	v3 =	vadd.f32 v3, v1;
	v4 =	vmul.f32 $8.000000000e+00, v4  }
0x206: {  	s0 =	sshrl.u32 s0, $0x3;
	[tilespmem:s12+$0xA0] =	vst v7;
	v2 =	vadd.f32 v2, v1;
	v5 =	vmul.f32 $8.000000000e+00, v5  }
0x207: {  	s0 =	smul.u32 $0xFFFF9C00, s0;
	[tilespmem:s12+$0xB0] =	vst v3;
	v3 =	vadd.f32 v4, v1;
	v4 =	vmul.f32 $8.000000000e+00, v6  }
0x208: {  	[tilespmem:s12+$0xC0] =	vst v2;
	v2 =	vadd.f32 v5, v1  }
0x209: {  	s28 =	sadd.s32 $0x100, s28;
	s0 =	sshra.s32 s0, $0x2;
	[tilespmem:s12+$0xD0] =	vst v3;
	v1 =	vadd.f32 v4, v1  }
0x20a: {  	s29 =	sshra.s32 s19, $0x2;
	s11 =	sadd.s32 $0x8000, s11;
	s0 =	sadd.s32 s0, s28;
	[tilespmem:s12+$0xE0] =	vst v2  }
0x20b: {  	[tilespmem:s12+$0xF0] =	vst v1;
	[hbm4b:s11+s15] =	stream.strided.scatter [tilespmem:s0], [sflag:$0x4], $0x100, s16, s15, $0x38  }
0x20c: {  	s12 =	sadd.s32 $0x100, s12;
	v1 =	vld.idx.msk [tilespmem:v0+s29+$0x0 ss:$0x1], $0xffff  }
0x20d: {  	v2 =	vld [tilespmem:s12+$0x0]  }
0x20e: {  	v3 =	vld [tilespmem:s12+$0x10]  }
0x20f: {  	v4 =	vld [tilespmem:s12+$0x20]  }
0x210: {  	v5 =	vld [tilespmem:s12+$0x30]  }
0x211: {  	v6 =	vld [tilespmem:s12+$0x40]  }
0x212: {  	v2 =	vmul.f32 $8.000000000e+00, v2;
	v7 =	vld [tilespmem:s12+$0x50]  }
0x213: {  	v3 =	vmul.f32 $8.000000000e+00, v3;
	v8 =	vld [tilespmem:s12+$0x60]  }
0x214: {  	v2 =	vadd.f32 v2, v1;
	v4 =	vmul.f32 $8.000000000e+00, v4;
	v9 =	vld [tilespmem:s12+$0x70]  }
0x215: {  	v3 =	vadd.f32 v3, v1;
	v5 =	vmul.f32 $8.000000000e+00, v5;
	v10 =	vld [tilespmem:s12+$0x80]  }
0x216: {  	[tilespmem:s12+$0x0] =	vst v2;
	v2 =	vadd.f32 v4, v1;
	v4 =	vmul.f32 $8.000000000e+00, v6;
	v6 =	vld [tilespmem:s12+$0x90]  }
0x217: {  	[tilespmem:s12+$0x10] =	vst v3;
	v5 =	vadd.f32 v5, v1;
	v7 =	vmul.f32 $8.000000000e+00, v7;
	v11 =	vld [tilespmem:s12+$0xA0]  }
.Ltmp7:
0x218: {  	[tilespmem:s12+$0x20] =	vst v2;
	v4 =	vadd.f32 v4, v1;
	v8 =	vmul.f32 $8.000000000e+00, v8;
	v3 =	vld [tilespmem:s12+$0xB0];
	(pc) =	sbr.rel @p1 .LBB2_14-.Ltmp7, $4  }
0x219: {  	[tilespmem:s12+$0x30] =	vst v5;
	v5 =	vadd.f32 v7, v1;
	v7 =	vmul.f32 $8.000000000e+00, v9;
	v2 =	vld [tilespmem:s12+$0xC0]  }
0x21a: {  	[tilespmem:s12+$0x40] =	vst v4;
	v8 =	vadd.f32 v8, v1;
	v12 =	vmul.f32 $8.000000000e+00, v10;
	v4 =	vld [tilespmem:s12+$0xD0]  }
0x21b: {  	[tilespmem:s12+$0x50] =	vst v5;
	v9 =	vadd.f32 v7, v1;
	v10 =	vmul.f32 $8.000000000e+00, v6;
	v5 =	vld [tilespmem:s12+$0xE0]  }
0x21c: {  	s19 =	sadd.s32 $0x40, s19;
	[tilespmem:s12+$0x60] =	vst v8;
	v7 =	vadd.f32 v12, v1;
	v8 =	vmul.f32 $8.000000000e+00, v11;
	v6 =	vld [tilespmem:s12+$0xF0]  }
0x21d: {  	[tilespmem:s12+$0x70] =	vst v9;
	v0 =	vadd.f32 v10, v1;
	v3 =	vmul.f32 $8.000000000e+00, v3;
	s0 =	sadd.s32 $0x1, s18  }
0x21e: {  	[tilespmem:s12+$0x80] =	vst v7;
	v56 =	vadd.f32 v8, v1;
	v2 =	vmul.f32 $8.000000000e+00, v2;
	s0 =	smulhi.u32 $0x51EB851F, s0  }
0x21f: {  	[tilespmem:s12+$0x90] =	vst v0;
	v57 =	vadd.f32 v3, v1;
	v58 =	vmul.f32 $8.000000000e+00, v4  }
0x220: {  	s5 =	sadd.s32 $0x1, s5;
	[tilespmem:s12+$0xA0] =	vst v56;
	v2 =	vadd.f32 v2, v1;
	v59 =	vmul.f32 $8.000000000e+00, v5;
	s0 =	sshrl.u32 s0, $0x3  }
0x221: {  	s29 =	sadd.s32 $0x100, s28;
	p1 =	sne.s32 s5, $0x3;
	[tilespmem:s12+$0xB0] =	vst v57;
	v60 =	vadd.f32 v58, v1;
	v61 =	vmul.f32 $8.000000000e+00, v6;
	s0 =	smul.u32 $0xFFFF9C00, s0  }
.Ltmp8:
0x222: {  	s11 =	sadd.s32 $0x8000, s11;
	s14 =	sadd.s32 $0x3200, s14;
	[tilespmem:s12+$0xC0] =	vst v2;
	v62 =	vadd.f32 v59, v1;
	(pc) =	sbr.rel @p1 .LBB2_7-.Ltmp8, $4  }
0x223: {  	s10 =	sadd.s32 $0x32, s10;
	s13 =	sadd.s32 $0x190000, s13;
	s26 =	sadd.s32 $0x320, s26;
	[tilespmem:s12+$0xD0] =	vst v60;
	v63 =	vadd.f32 v61, v1  }
0x224: {  	s2 =	sadd.s32 $0x3200, s2;
	s1 =	sadd.s32 $0x32, s1;
	s0 =	sshra.s32 s0, $0x2;
	[tilespmem:s12+$0xE0] =	vst v62  }
0x225: {  	s9 =	sadd.s32 $0x190000, s9;
	s25 =	sadd.s32 $0x320, s25;
	s0 =	sadd.s32 s0, s29;
	[tilespmem:s12+$0xF0] =	vst v63  }
0x226: {  	[hbm4b:s11+s15] =	stream.strided.scatter [tilespmem:s0], [sflag:$0x4], $0x100, s16, s15, $0x38;
	[tilespmem:$0x1FAA8] =	vst v63  }
0x227: {  	_ =	swait.ge [sflag:s24], $0x100  }
0x228: {  	[sflag:s24] =	ssyncset.done $0x0  }
0x229: {  	[sflag:s24] =	ssyncadd.s32 $0xFFFFFF00  }
0x22a: {  	_ =	swait.ge [sflag:s24], $0x100  }
0x22b: {  	[sflag:s24] =	ssyncset.done $0x0  }
0x22c: {  	[sflag:s24] =	ssyncadd.s32 $0xFFFFFF00  }
0x22d: {  	_ =	swait.ge [sflag:s24], $0x100  }
0x22e: {  	[sflag:s24] =	ssyncset.done $0x0  }
0x22f: {  	[sflag:s24] =	ssyncadd.s32 $0xFFFFFF00  }
0x230: {  	_ =	swait.ge [sflag:s24], $0x100  }
0x231: {  	[sflag:s24] =	ssyncset.done $0x0  }
0x232: {  	[sflag:s24] =	ssyncadd.s32 $0xFFFFFF00  }
0x233: {  	_ =	swait.ge [sflag:s24], $0x100  }
0x234: {  	[sflag:s24] =	ssyncset.done $0x0  }
0x235: {  	[sflag:s24] =	ssyncadd.s32 $0xFFFFFF00  }
0x236: {  	_ =	swait.ge [sflag:s24], $0x100  }
0x237: {  	[sflag:s24] =	ssyncset.done $0x0  }
0x238: {  	[sflag:s24] =	ssyncadd.s32 $0xFFFFFF00  }
0x239: {  	_ =	swait.ge [sflag:s24], $0x100  }
0x23a: {  	[sflag:s24] =	ssyncset.done $0x0  }
0x23b: {  	[sflag:s24] =	ssyncadd.s32 $0xFFFFFF00  }
0x23c: {  	_ =	swait.ge [sflag:s24], $0x100  }
0x23d: {  	[sflag:s24] =	ssyncset.done $0x0  }
0x23e: {  	[sflag:s24] =	ssyncadd.s32 $0xFFFFFF00  }
0x23f: {  	_ =	swait.ge [sflag:s24], $0x100  }
0x240: {  	[sflag:s24] =	ssyncset.done $0x0  }
0x241: {  	[sflag:s24] =	ssyncadd.s32 $0xFFFFFF00  }
0x242: {  	_ =	swait.ge [sflag:s24], $0x100  }
0x243: {  	[sflag:s24] =	ssyncset.done $0x0  }
0x244: {  	[sflag:s24] =	ssyncadd.s32 $0xFFFFFF00  }
0x245: {  	_ =	swait.ge [sflag:s24], $0x100  }
0x246: {  	[sflag:s24] =	ssyncset.done $0x0  }
0x247: {  	[sflag:s24] =	ssyncadd.s32 $0xFFFFFF00  }
0x248: {  	_ =	swait.ge [sflag:s24], $0x100  }
0x249: {  	[sflag:s24] =	ssyncset.done $0x0  }
0x24a: {  	[sflag:s24] =	ssyncadd.s32 $0xFFFFFF00  }
0x24b: {  	_ =	swait.ge [sflag:s24], $0x100  }
0x24c: {  	[sflag:s24] =	ssyncset.done $0x0  }
0x24d: {  	[sflag:s24] =	ssyncadd.s32 $0xFFFFFF00  }
0x24e: {  	_ =	swait.ge [sflag:s24], $0x100  }
0x24f: {  	[sflag:s24] =	ssyncset.done $0x0  }
0x250: {  	[sflag:s24] =	ssyncadd.s32 $0xFFFFFF00  }
0x251: {  	_ =	swait.ge [sflag:s24], $0x100  }
0x252: {  	[sflag:s24] =	ssyncset.done $0x0  }
0x253: {  	[sflag:s24] =	ssyncadd.s32 $0xFFFFFF00  }
0x254: {  	_ =	swait.ge [sflag:s24], $0x100  }
0x255: {  	[sflag:s24] =	ssyncset.done $0x0  }
0x256: {  	[sflag:s24] =	ssyncadd.s32 $0xFFFFFF00  }
0x257: {  	_ =	swait.ge [sflag:s24], $0x100  }
0x258: {  	[sflag:s24] =	ssyncset.done $0x0  }
0x259: {  	[sflag:s24] =	ssyncadd.s32 $0xFFFFFF00  }
0x25a: {  	_ =	swait.ge [sflag:s24], $0x100  }
0x25b: {  	[sflag:s24] =	ssyncset.done $0x0  }
0x25c: {  	[sflag:s24] =	ssyncadd.s32 $0xFFFFFF00  }
0x25d: {  	_ =	swait.ge [sflag:s24], $0x100  }
0x25e: {  	[sflag:s24] =	ssyncset.done $0x0  }
0x25f: {  	[sflag:s24] =	ssyncadd.s32 $0xFFFFFF00  }
0x260: {  	_ =	swait.ge [sflag:s24], $0x100  }
0x261: {  	[sflag:s24] =	ssyncset.done $0x0  }
0x262: {  	[sflag:s24] =	ssyncadd.s32 $0xFFFFFF00  }
0x263: {  	_ =	swait.ge [sflag:s24], $0x100  }
0x264: {  	[sflag:s24] =	ssyncset.done $0x0  }
0x265: {  	[sflag:s24] =	ssyncadd.s32 $0xFFFFFF00  }
0x266: {  	_ =	swait.ge [sflag:s24], $0x100  }
0x267: {  	[sflag:s24] =	ssyncset.done $0x0  }
0x268: {  	[sflag:s24] =	ssyncadd.s32 $0xFFFFFF00  }
0x269: {  	_ =	swait.ge [sflag:s24], $0x100  }
0x26a: {  	[sflag:s24] =	ssyncset.done $0x0  }
0x26b: {  	[sflag:s24] =	ssyncadd.s32 $0xFFFFFF00  }
0x26c: {  	_ =	swait.ge [sflag:s24], $0x100  }
0x26d: {  	[sflag:s24] =	ssyncset.done $0x0  }
0x26e: {  	[sflag:s24] =	ssyncadd.s32 $0xFFFFFF00  }
0x26f: {  	_ =	swait.ge [sflag:s24], $0x100  }
0x270: {  	[sflag:s24] =	ssyncset.done $0x0  }
0x271: {  	s0 =	simm.s32 $0x9600;
	[sflag:s24] =	ssyncadd.s32 $0xFFFFFF00  }
0x272: {  	[tilespmem:s21], [sflag:$0x3] =	stream.indirect.gather [spmem:s3], $0x1, s0, s20, $0xb8;
	[tilespmem:$0x1FAA8] =	vst v63  }
0x273: {  	_ =	swait.ge [sflag:s24], $0x100  }
0x274: {  	[sflag:s24] =	ssyncset.done $0x0  }
0x275: {  	[sflag:s24] =	ssyncadd.s32 $0xFFFFFF00  }
0x276: {  	_ =	swait.ge [sflag:s24], $0x100  }
0x277: {  	[sflag:s24] =	ssyncset.done $0x0  }
0x278: {  	[sflag:s24] =	ssyncadd.s32 $0xFFFFFF00  }
0x279: {  	_ =	swait.ge [sflag:s24], $0x100  }
0x27a: {  	[sflag:s24] =	ssyncset.done $0x0  }
0x27b: {  	[sflag:s24] =	ssyncadd.s32 $0xFFFFFF00  }
0x27c: {  	_ =	swait.ge [sflag:s24], $0x100  }
0x27d: {  	[sflag:s24] =	ssyncset.done $0x0  }
0x27e: {  	[sflag:s24] =	ssyncadd.s32 $0xFFFFFF00  }
0x27f: {  	_ =	swait.ge [sflag:s24], $0x100  }
0x280: {  	[sflag:s24] =	ssyncset.done $0x0  }
0x281: {  	[sflag:s24] =	ssyncadd.s32 $0xFFFFFF00  }
0x282: {  	_ =	swait.ge [sflag:s24], $0x100  }
0x283: {  	[sflag:s24] =	ssyncset.done $0x0  }
0x284: {  	[sflag:s24] =	ssyncadd.s32 $0xFFFFFF00  }
0x285: {  	_ =	swait.ge [sflag:s24], $0x100  }
0x286: {  	[sflag:s24] =	ssyncset.done $0x0  }
0x287: {  	[sflag:s24] =	ssyncadd.s32 $0xFFFFFF00  }
0x288: {  	_ =	swait.ge [sflag:s24], $0x100  }
0x289: {  	[sflag:s24] =	ssyncset.done $0x0  }
0x28a: {  	[sflag:s24] =	ssyncadd.s32 $0xFFFFFF00  }
0x28b: {  	_ =	swait.ge [sflag:s24], $0x100  }
0x28c: {  	[sflag:s24] =	ssyncset.done $0x0  }
0x28d: {  	[sflag:s24] =	ssyncadd.s32 $0xFFFFFF00  }
0x28e: {  	_ =	swait.ge [sflag:s24], $0x100  }
0x28f: {  	[sflag:s24] =	ssyncset.done $0x0  }
0x290: {  	[sflag:s24] =	ssyncadd.s32 $0xFFFFFF00  }
0x291: {  	_ =	swait.ge [sflag:s24], $0x100  }
0x292: {  	[sflag:s24] =	ssyncset.done $0x0  }
0x293: {  	[sflag:s24] =	ssyncadd.s32 $0xFFFFFF00  }
0x294: {  	_ =	swait.ge [sflag:s24], $0x100  }
0x295: {  	[sflag:s24] =	ssyncset.done $0x0  }
0x296: {  	[sflag:s24] =	ssyncadd.s32 $0xFFFFFF00  }
0x297: {  	_ =	swait.ge [sflag:s24], $0x100  }
0x298: {  	[sflag:s24] =	ssyncset.done $0x0  }
0x299: {  	[sflag:s24] =	ssyncadd.s32 $0xFFFFFF00  }
0x29a: {  	_ =	swait.ge [sflag:s24], $0x100  }
0x29b: {  	[sflag:s24] =	ssyncset.done $0x0  }
0x29c: {  	[sflag:s24] =	ssyncadd.s32 $0xFFFFFF00  }
0x29d: {  	_ =	swait.ge [sflag:s24], $0x100  }
0x29e: {  	[sflag:s24] =	ssyncset.done $0x0  }
0x29f: {  	[sflag:s24] =	ssyncadd.s32 $0xFFFFFF00  }
0x2a0: {  	_ =	swait.ge [sflag:s24], $0x100  }
0x2a1: {  	[sflag:s24] =	ssyncset.done $0x0  }
0x2a2: {  	[sflag:s24] =	ssyncadd.s32 $0xFFFFFF00  }
0x2a3: {  	_ =	swait.ge [sflag:s24], $0x100  }
0x2a4: {  	[sflag:s24] =	ssyncset.done $0x0  }
0x2a5: {  	[sflag:s24] =	ssyncadd.s32 $0xFFFFFF00  }
0x2a6: {  	_ =	swait.ge [sflag:s24], $0x100  }
0x2a7: {  	[sflag:s24] =	ssyncset.done $0x0  }
0x2a8: {  	[sflag:s24] =	ssyncadd.s32 $0xFFFFFF00  }
0x2a9: {  	_ =	swait.ge [sflag:s24], $0x100  }
0x2aa: {  	[sflag:s24] =	ssyncset.done $0x0  }
0x2ab: {  	[sflag:s24] =	ssyncadd.s32 $0xFFFFFF00  }
0x2ac: {  	_ =	swait.ge [sflag:s24], $0x100  }
0x2ad: {  	[sflag:s24] =	ssyncset.done $0x0  }
0x2ae: {  	[sflag:s24] =	ssyncadd.s32 $0xFFFFFF00  }
0x2af: {  	_ =	swait.ge [sflag:s24], $0x100  }
0x2b0: {  	[sflag:s24] =	ssyncset.done $0x0  }
0x2b1: {  	[sflag:s24] =	ssyncadd.s32 $0xFFFFFF00  }
0x2b2: {  	_ =	swait.ge [sflag:s24], $0x100  }
0x2b3: {  	[sflag:s24] =	ssyncset.done $0x0  }
0x2b4: {  	[sflag:s24] =	ssyncadd.s32 $0xFFFFFF00  }
0x2b5: {  	_ =	swait.ge [sflag:s24], $0x100  }
0x2b6: {  	[sflag:s24] =	ssyncset.done $0x0  }
0x2b7: {  	[sflag:s24] =	ssyncadd.s32 $0xFFFFFF00  }
0x2b8: {  	_ =	swait.ge [sflag:s24], $0x100  }
0x2b9: {  	[sflag:s24] =	ssyncset.done $0x0  }
0x2ba: {  	[sflag:s24] =	ssyncadd.s32 $0xFFFFFF00  }
0x2bb: {  	_ =	swait.ge [sflag:s24], $0x100  }
0x2bc: {  	[sflag:s24] =	ssyncset.done $0x0  }
0x2bd: {  	s25 =	simm.s32 $0xAF00;
	[sflag:s24] =	ssyncadd.s32 $0xFFFFFF00  }
0x2be: {  	[tilespmem:s22], [sflag:$0x3] =	stream.indirect.gather [spmem:s3], $0x1, s25, s20, $0xb8;
	[tilespmem:$0x1FAA8] =	vst v63  }
0x2bf: {  	p1 =	seq.s32 @!p0 s31, $0x1F;
	_ =	swait.ge [sflag:s23], $0x1900  }
0x2c0: {  	p1 =	por p1, p0;
	[sflag:s23] =	ssyncset.done $0x0;
	s11 =	rddreg [dreg:$0x11]  }
0x2c1: {  	s0 =	sadd.s32 @!p1 $0x1, s11;
	[sflag:s23] =	ssyncadd.s32 $0xFFFFE700  }
0x2c2: {  	s26 =	simm.s32 $0x10360;
	s1 =	sshrl.u32 @!p1 s0, $0x3;
	_ =	swait.ge [sflag:s23], $0x1900  }
0x2c3: {  	s0 =	sshll.u32 @!p1 s0, $0x7;
	s1 =	smul.u32 @!p1 $0x7A1400, s1;
	[sflag:s23] =	ssyncset.done $0x0  }
0x2c4: {  	s2 =	simm.s32 @!p1 $0x1;
	s0 =	sand.u32 @!p1 $0x380, s0;
	[sflag:s23] =	ssyncadd.s32 $0xFFFFE700  }
0x2c5: {  	s4 =	simm.s32 @!p1 $0x10;
	s0 =	sor.u32 @!p1 s0, s1;
	[bflag:$0x0] =	sbarrier.arrive $0xFFFF  }
0x2c6: {  	s5 =	simm.s32 @!p1 $0x80;
	s0 =	sshrl.u32 @!p1 s0, $0x3;
	s1 =	rddreg [dreg:$0x1]  }
0x2c7: {  	s9 =	simm.s32 @!p1 $0x1C01;
	s0 =	sadd.s32 @!p1 s1, s0;
	s1 =	sshrl.u32 @!p1 s3, $0x3  }
0x2c8: {  	[spmem:s1@s4], [sflag:s9] =	dma.strided @!p1 [hbm:s0@s5], $0x1E850, s2, $0x10   }
0x2c9: {  	s28 =	simm.s32 $0xC880;
	v0 =	vld [tilespmem:s26+$0x0]  }
0x2ca: {  	v1 =	vld [tilespmem:s28+$0xFFFFFF80]  }
0x2cb: {  	v2 =	vld [tilespmem:s28+$0xFFFFFF90]  }
0x2cc: {  	v3 =	vld [tilespmem:s28+$0xFFFFFFA0]  }
0x2cd: {  	v4 =	vld [tilespmem:s28+$0xFFFFFFB0]  }
0x2ce: {  	v5 =	vld [tilespmem:s28+$0xFFFFFFC0]  }
0x2cf: {  	v6 =	vld [tilespmem:s28+$0xFFFFFFD0];
	v1 =	vmul.f32 $8.000000000e+00, v1  }
0x2d0: {  	v7 =	vld [tilespmem:s28+$0xFFFFFFE0];
	v2 =	vmul.f32 $8.000000000e+00, v2  }
0x2d1: {  	v8 =	vld [tilespmem:s28+$0xFFFFFFF0];
	v3 =	vmul.f32 $8.000000000e+00, v3;
	v1 =	vadd.f32 v1, v0  }
0x2d2: {  	v9 =	vld [tilespmem:s28+$0x0];
	v4 =	vmul.f32 $8.000000000e+00, v4;
	v2 =	vadd.f32 v2, v0  }
0x2d3: {  	[tilespmem:s28+$0xFFFFFF80] =	vst v1;
	v1 =	vadd.f32 v3, v0;
	v3 =	vmul.f32 $8.000000000e+00, v5;
	v5 =	vld [tilespmem:s28+$0x10]  }
0x2d4: {  	[tilespmem:s28+$0xFFFFFF90] =	vst v2;
	v2 =	vadd.f32 v4, v0;
	v4 =	vmul.f32 $8.000000000e+00, v6;
	v6 =	vld [tilespmem:s28+$0x20]  }
0x2d5: {  	[tilespmem:s28+$0xFFFFFFA0] =	vst v1;
	v1 =	vadd.f32 v3, v0;
	v3 =	vmul.f32 $8.000000000e+00, v7;
	v7 =	vld [tilespmem:s28+$0x30]  }
0x2d6: {  	[tilespmem:s28+$0xFFFFFFB0] =	vst v2;
	v2 =	vadd.f32 v4, v0;
	v4 =	vmul.f32 $8.000000000e+00, v8;
	v8 =	vld [tilespmem:s28+$0x40]  }
0x2d7: {  	[tilespmem:s28+$0xFFFFFFC0] =	vst v1;
	v1 =	vadd.f32 v3, v0;
	v3 =	vmul.f32 $8.000000000e+00, v9;
	v9 =	vld [tilespmem:s28+$0x50]  }
0x2d8: {  	s29 =	simm.s32 $0x96;
	[tilespmem:s28+$0xFFFFFFD0] =	vst v2;
	v2 =	vadd.f32 v4, v0;
	v4 =	vmul.f32 $8.000000000e+00, v5;
	v5 =	vld [tilespmem:s28+$0x60]  }
0x2d9: {  	s0 =	smul.u32 $0x29, s29;
	[tilespmem:s28+$0xFFFFFFE0] =	vst v1;
	v1 =	vadd.f32 v3, v0;
	v3 =	vmul.f32 $8.000000000e+00, v6;
	v6 =	vld [tilespmem:s28+$0x70]  }
0x2da: {  	[tilespmem:s28+$0xFFFFFFF0] =	vst v2;
	v2 =	vadd.f32 v4, v0;
	v4 =	vmul.f32 $8.000000000e+00, v7  }
0x2db: {  	s0 =	sshrl.u32 s0, $0xA;
	[tilespmem:s28+$0x0] =	vst v1;
	v1 =	vadd.f32 v3, v0;
	v3 =	vmul.f32 $8.000000000e+00, v8  }
0x2dc: {  	s0 =	sand.u32 $0x3F, s0;
	[tilespmem:s28+$0x10] =	vst v2;
	v2 =	vadd.f32 v4, v0;
	v4 =	vmul.f32 $8.000000000e+00, v9  }
0x2dd: {  	s0 =	smul.u32 $0x19, s0;
	[tilespmem:s28+$0x20] =	vst v1;
	v1 =	vadd.f32 v3, v0;
	v3 =	vmul.f32 $8.000000000e+00, v5  }
0x2de: {  	[tilespmem:s28+$0x30] =	vst v2;
	v2 =	vadd.f32 v4, v0;
	v4 =	vmul.f32 $8.000000000e+00, v6  }
0x2df: {  	s0 =	ssub.s32 $0x96, s0;
	[tilespmem:s28+$0x40] =	vst v1;
	v1 =	vadd.f32 v3, v0  }
0x2e0: {  	s0 =	sand.u32 $0xFF, s0;
	[tilespmem:s28+$0x50] =	vst v2;
	v0 =	vadd.f32 v4, v0  }
0x2e1: {  	s0 =	sshll.u32 s0, $0x8;
	[tilespmem:s28+$0x60] =	vst v1  }
0x2e2: {  	s4 =	simm.s32 $0x10370;
	s0 =	sadd.s32 $0xC800, s0;
	[tilespmem:s28+$0x70] =	vst v0  }
0x2e3: {  	[hbm4b:s8+s15] =	stream.strided.scatter [tilespmem:s0], [sflag:$0x4], $0x100, s16, s15, $0x38;
	[tilespmem:$0x1FAA8] =	vst v63  }
0x2e4: {  	s2 =	simm.s32 $0xC980;
	v0 =	vld [tilespmem:s4+$0x0]  }
0x2e5: {  	v1 =	vld [tilespmem:s2+$0xFFFFFF80]  }
0x2e6: {  	v2 =	vld [tilespmem:s2+$0xFFFFFF90]  }
0x2e7: {  	v3 =	vld [tilespmem:s2+$0xFFFFFFA0]  }
0x2e8: {  	v4 =	vld [tilespmem:s2+$0xFFFFFFB0]  }
0x2e9: {  	v5 =	vld [tilespmem:s2+$0xFFFFFFC0]  }
0x2ea: {  	v6 =	vld [tilespmem:s2+$0xFFFFFFD0];
	v1 =	vmul.f32 $8.000000000e+00, v1  }
0x2eb: {  	v7 =	vld [tilespmem:s2+$0xFFFFFFE0];
	v2 =	vmul.f32 $8.000000000e+00, v2  }
0x2ec: {  	v8 =	vld [tilespmem:s2+$0xFFFFFFF0];
	v3 =	vmul.f32 $8.000000000e+00, v3;
	v1 =	vadd.f32 v1, v0  }
0x2ed: {  	v9 =	vld [tilespmem:s2+$0x0];
	v4 =	vmul.f32 $8.000000000e+00, v4;
	v2 =	vadd.f32 v2, v0  }
0x2ee: {  	v10 =	vld [tilespmem:s2+$0x10];
	v5 =	vmul.f32 $8.000000000e+00, v5;
	v3 =	vadd.f32 v3, v0;
	[tilespmem:s2+$0xFFFFFF80] =	vst v1  }
0x2ef: {  	v6 =	vmul.f32 $8.000000000e+00, v6;
	v4 =	vadd.f32 v4, v0;
	[tilespmem:s2+$0xFFFFFF90] =	vst v2;
	v1 =	vld [tilespmem:s2+$0x20]  }
0x2f0: {  	v7 =	vmul.f32 $8.000000000e+00, v7;
	v5 =	vadd.f32 v5, v0;
	[tilespmem:s2+$0xFFFFFFA0] =	vst v3;
	v2 =	vld [tilespmem:s2+$0x30]  }
0x2f1: {  	v8 =	vmul.f32 $8.000000000e+00, v8;
	v11 =	vadd.f32 v6, v0;
	[tilespmem:s2+$0xFFFFFFB0] =	vst v4;
	v3 =	vld [tilespmem:s2+$0x40]  }
0x2f2: {  	s5 =	simm.s32 $0x97;
	v9 =	vmul.f32 $8.000000000e+00, v9;
	v6 =	vadd.f32 v7, v0;
	[tilespmem:s2+$0xFFFFFFC0] =	vst v5;
	v4 =	vld [tilespmem:s2+$0x50]  }
0x2f3: {  	s1 =	sadd.s32 $0x1, s31;
	s9 =	simm.s32 $0x98;
	s10 =	smul.u32 $0x29, s5;
	v7 =	vadd.f32 v8, v0;
	v8 =	vmul.f32 $8.000000000e+00, v10;
	[tilespmem:s2+$0xFFFFFFD0] =	vst v11;
	v5 =	vld [tilespmem:s2+$0x60]  }
.LBB2_17:
0x2f4: {  	p1 =	sne.s32 s9, $0xAE;
	[tilespmem:s2+$0xFFFFFFE0] =	vst v6;
	v6 =	vadd.f32 v9, v0;
	v1 =	vmul.f32 $8.000000000e+00, v1;
	v9 =	vld [tilespmem:s2+$0x70]  }
0x2f5: {  	[tilespmem:s2+$0xFFFFFFF0] =	vst v7;
	v7 =	vadd.f32 v8, v0;
	v2 =	vmul.f32 $8.000000000e+00, v2;
	s0 =	sshrl.u32 s10, $0xA  }
0x2f6: {  	[tilespmem:s2+$0x0] =	vst v6;
	v1 =	vadd.f32 v1, v0;
	v3 =	vmul.f32 $8.000000000e+00, v3;
	s0 =	sand.u32 $0x3F, s0  }
0x2f7: {  	[tilespmem:s2+$0x10] =	vst v7;
	v2 =	vadd.f32 v2, v0;
	v4 =	vmul.f32 $8.000000000e+00, v4;
	s0 =	smul.u32 $0x19, s0  }
0x2f8: {  	[tilespmem:s2+$0x20] =	vst v1;
	v1 =	vadd.f32 v3, v0;
	v3 =	vmul.f32 $8.000000000e+00, v5  }
0x2f9: {  	[tilespmem:s2+$0x30] =	vst v2;
	v2 =	vadd.f32 v4, v0;
	v4 =	vmul.f32 $8.000000000e+00, v9;
	s0 =	ssub.s32 s5, s0;
	s5 =	smov.u32 s9  }
0x2fa: {  	[tilespmem:s2+$0x40] =	vst v1;
	v1 =	vadd.f32 v3, v0;
	s0 =	sand.u32 $0xFF, s0  }
0x2fb: {  	[tilespmem:s2+$0x50] =	vst v2;
	v0 =	vadd.f32 v4, v0;
	s0 =	sshll.u32 s0, $0x8  }
0x2fc: {  	s4 =	sadd.s32 $0x10, s4;
	s8 =	sadd.s32 $0x8000, s8;
	[tilespmem:s2+$0x60] =	vst v1;
	s0 =	sadd.s32 $0xC800, s0  }
0x2fd: {  	[tilespmem:s2+$0x70] =	vst v0;
	[hbm4b:s8+s15] =	stream.strided.scatter [tilespmem:s0], [sflag:$0x4], $0x100, s16, s15, $0x38  }
0x2fe: {  	s2 =	sadd.s32 $0x100, s2;
	v0 =	vld [tilespmem:s4+$0x0]  }
0x2ff: {  	v1 =	vld [tilespmem:s2+$0xFFFFFF80]  }
0x300: {  	v2 =	vld [tilespmem:s2+$0xFFFFFF90]  }
0x301: {  	v3 =	vld [tilespmem:s2+$0xFFFFFFA0]  }
0x302: {  	v4 =	vld [tilespmem:s2+$0xFFFFFFB0]  }
0x303: {  	v5 =	vld [tilespmem:s2+$0xFFFFFFC0]  }
0x304: {  	v1 =	vmul.f32 $8.000000000e+00, v1;
	v6 =	vld [tilespmem:s2+$0xFFFFFFD0]  }
0x305: {  	v2 =	vmul.f32 $8.000000000e+00, v2;
	v7 =	vld [tilespmem:s2+$0xFFFFFFE0]  }
0x306: {  	v1 =	vadd.f32 v1, v0;
	v3 =	vmul.f32 $8.000000000e+00, v3;
	v8 =	vld [tilespmem:s2+$0xFFFFFFF0]  }
0x307: {  	v2 =	vadd.f32 v2, v0;
	v4 =	vmul.f32 $8.000000000e+00, v4;
	v9 =	vld [tilespmem:s2+$0x0]  }
0x308: {  	[tilespmem:s2+$0xFFFFFF80] =	vst v1;
	v3 =	vadd.f32 v3, v0;
	v5 =	vmul.f32 $8.000000000e+00, v5;
	v10 =	vld [tilespmem:s2+$0x10]  }
.Ltmp9:
0x309: {  	[tilespmem:s2+$0xFFFFFF90] =	vst v2;
	v4 =	vadd.f32 v4, v0;
	v6 =	vmul.f32 $8.000000000e+00, v6;
	v1 =	vld [tilespmem:s2+$0x20];
	(pc) =	sbr.rel @p1 .LBB2_17-.Ltmp9, $4  }
0x30a: {  	[tilespmem:s2+$0xFFFFFFA0] =	vst v3;
	v5 =	vadd.f32 v5, v0;
	v7 =	vmul.f32 $8.000000000e+00, v7;
	v2 =	vld [tilespmem:s2+$0x30]  }
0x30b: {  	[tilespmem:s2+$0xFFFFFFB0] =	vst v4;
	v11 =	vadd.f32 v6, v0;
	v8 =	vmul.f32 $8.000000000e+00, v8;
	v3 =	vld [tilespmem:s2+$0x40]  }
0x30c: {  	[tilespmem:s2+$0xFFFFFFC0] =	vst v5;
	v6 =	vadd.f32 v7, v0;
	v9 =	vmul.f32 $8.000000000e+00, v9;
	v4 =	vld [tilespmem:s2+$0x50]  }
0x30d: {  	s9 =	sadd.s32 $0x1, s9;
	s10 =	smul.u32 $0x29, s5;
	[tilespmem:s2+$0xFFFFFFD0] =	vst v11;
	v7 =	vadd.f32 v8, v0;
	v8 =	vmul.f32 $8.000000000e+00, v10;
	v5 =	vld [tilespmem:s2+$0x60]  }
0x30e: {  	[tilespmem:s2+$0xFFFFFFE0] =	vst v6;
	v6 =	vadd.f32 v9, v0;
	v1 =	vmul.f32 $8.000000000e+00, v1;
	v9 =	vld [tilespmem:s2+$0x70]  }
0x30f: {  	[tilespmem:s2+$0xFFFFFFF0] =	vst v7;
	v7 =	vadd.f32 v8, v0;
	v2 =	vmul.f32 $8.000000000e+00, v2  }
0x310: {  	s0 =	sshrl.u32 s10, $0xA;
	[tilespmem:s2+$0x0] =	vst v6;
	v1 =	vadd.f32 v1, v0;
	v3 =	vmul.f32 $8.000000000e+00, v3  }
0x311: {  	s0 =	sand.u32 $0x3F, s0;
	[tilespmem:s2+$0x10] =	vst v7;
	v2 =	vadd.f32 v2, v0;
	v4 =	vmul.f32 $8.000000000e+00, v4  }
0x312: {  	s0 =	smul.u32 $0x19, s0;
	[tilespmem:s2+$0x20] =	vst v1;
	v1 =	vadd.f32 v3, v0;
	v3 =	vmul.f32 $8.000000000e+00, v5  }
0x313: {  	[tilespmem:s2+$0x30] =	vst v2;
	v2 =	vadd.f32 v4, v0;
	v4 =	vmul.f32 $8.000000000e+00, v9  }
0x314: {  	s0 =	ssub.s32 s5, s0;
	[tilespmem:s2+$0x40] =	vst v1;
	v1 =	vadd.f32 v3, v0  }
0x315: {  	s0 =	sand.u32 $0xFF, s0;
	[tilespmem:s2+$0x50] =	vst v2;
	v0 =	vadd.f32 v4, v0  }
0x316: {  	s0 =	sshll.u32 s0, $0x8;
	[tilespmem:s2+$0x60] =	vst v1  }
0x317: {  	s4 =	sadd.s32 $0x8000, s8;
	s26 =	simm.s32 $0x104F0;
	s0 =	sadd.s32 $0xC800, s0;
	[tilespmem:s2+$0x70] =	vst v0  }
0x318: {  	[hbm4b:s4+s15] =	stream.strided.scatter [tilespmem:s0], [sflag:$0x4], $0x100, s16, s15, $0x38;
	[tilespmem:$0x1FAA8] =	vst v63  }
0x319: {  	s28 =	simm.s32 $0xE180;
	v0 =	vld [tilespmem:s26+$0x0]  }
0x31a: {  	v1 =	vld [tilespmem:s28+$0xFFFFFF80]  }
0x31b: {  	v2 =	vld [tilespmem:s28+$0xFFFFFF90]  }
0x31c: {  	v3 =	vld [tilespmem:s28+$0xFFFFFFA0]  }
0x31d: {  	v4 =	vld [tilespmem:s28+$0xFFFFFFB0]  }
0x31e: {  	v5 =	vld [tilespmem:s28+$0xFFFFFFC0]  }
0x31f: {  	v6 =	vld [tilespmem:s28+$0xFFFFFFD0];
	v1 =	vmul.f32 $8.000000000e+00, v1  }
0x320: {  	v7 =	vld [tilespmem:s28+$0xFFFFFFE0];
	v2 =	vmul.f32 $8.000000000e+00, v2  }
0x321: {  	v8 =	vld [tilespmem:s28+$0xFFFFFFF0];
	v3 =	vmul.f32 $8.000000000e+00, v3;
	v1 =	vadd.f32 v1, v0  }
0x322: {  	v9 =	vld [tilespmem:s28+$0x0];
	v4 =	vmul.f32 $8.000000000e+00, v4;
	v2 =	vadd.f32 v2, v0  }
0x323: {  	[tilespmem:s28+$0xFFFFFF80] =	vst v1;
	v1 =	vadd.f32 v3, v0;
	v3 =	vmul.f32 $8.000000000e+00, v5;
	v5 =	vld [tilespmem:s28+$0x10]  }
0x324: {  	[tilespmem:s28+$0xFFFFFF90] =	vst v2;
	v2 =	vadd.f32 v4, v0;
	v4 =	vmul.f32 $8.000000000e+00, v6;
	v6 =	vld [tilespmem:s28+$0x20]  }
0x325: {  	[tilespmem:s28+$0xFFFFFFA0] =	vst v1;
	v1 =	vadd.f32 v3, v0;
	v3 =	vmul.f32 $8.000000000e+00, v7;
	v7 =	vld [tilespmem:s28+$0x30]  }
0x326: {  	[tilespmem:s28+$0xFFFFFFB0] =	vst v2;
	v2 =	vadd.f32 v4, v0;
	v4 =	vmul.f32 $8.000000000e+00, v8;
	v8 =	vld [tilespmem:s28+$0x40]  }
0x327: {  	[tilespmem:s28+$0xFFFFFFC0] =	vst v1;
	v1 =	vadd.f32 v3, v0;
	v3 =	vmul.f32 $8.000000000e+00, v9;
	v9 =	vld [tilespmem:s28+$0x50]  }
0x328: {  	s29 =	simm.s32 $0xAF;
	[tilespmem:s28+$0xFFFFFFD0] =	vst v2;
	v2 =	vadd.f32 v4, v0;
	v4 =	vmul.f32 $8.000000000e+00, v5;
	v5 =	vld [tilespmem:s28+$0x60]  }
0x329: {  	s0 =	smul.u32 $0x29, s29;
	[tilespmem:s28+$0xFFFFFFE0] =	vst v1;
	v1 =	vadd.f32 v3, v0;
	v3 =	vmul.f32 $8.000000000e+00, v6;
	v6 =	vld [tilespmem:s28+$0x70]  }
0x32a: {  	[tilespmem:s28+$0xFFFFFFF0] =	vst v2;
	v2 =	vadd.f32 v4, v0;
	v4 =	vmul.f32 $8.000000000e+00, v7  }
0x32b: {  	s0 =	sshrl.u32 s0, $0xA;
	[tilespmem:s28+$0x0] =	vst v1;
	v1 =	vadd.f32 v3, v0;
	v3 =	vmul.f32 $8.000000000e+00, v8  }
0x32c: {  	s0 =	sand.u32 $0x3F, s0;
	[tilespmem:s28+$0x10] =	vst v2;
	v2 =	vadd.f32 v4, v0;
	v4 =	vmul.f32 $8.000000000e+00, v9  }
0x32d: {  	s0 =	smul.u32 $0x19, s0;
	[tilespmem:s28+$0x20] =	vst v1;
	v1 =	vadd.f32 v3, v0;
	v3 =	vmul.f32 $8.000000000e+00, v5  }
0x32e: {  	[tilespmem:s28+$0x30] =	vst v2;
	v2 =	vadd.f32 v4, v0;
	v4 =	vmul.f32 $8.000000000e+00, v6  }
0x32f: {  	s0 =	ssub.s32 $0xAF, s0;
	[tilespmem:s28+$0x40] =	vst v1;
	v1 =	vadd.f32 v3, v0  }
0x330: {  	s0 =	sand.u32 $0xFF, s0;
	[tilespmem:s28+$0x50] =	vst v2;
	v0 =	vadd.f32 v4, v0  }
0x331: {  	s0 =	sshll.u32 s0, $0x8;
	[tilespmem:s28+$0x60] =	vst v1  }
0x332: {  	s4 =	simm.s32 $0x10500;
	s0 =	sadd.s32 $0xE100, s0;
	[tilespmem:s28+$0x70] =	vst v0  }
0x333: {  	[hbm4b:s7+s15] =	stream.strided.scatter [tilespmem:s0], [sflag:$0x4], $0x100, s16, s15, $0x38;
	[tilespmem:$0x1FAA8] =	vst v63  }
0x334: {  	s2 =	simm.s32 $0xE280;
	v0 =	vld [tilespmem:s4+$0x0]  }
0x335: {  	v1 =	vld [tilespmem:s2+$0xFFFFFF80]  }
0x336: {  	v2 =	vld [tilespmem:s2+$0xFFFFFF90]  }
0x337: {  	v3 =	vld [tilespmem:s2+$0xFFFFFFA0]  }
0x338: {  	v4 =	vld [tilespmem:s2+$0xFFFFFFB0]  }
0x339: {  	v5 =	vld [tilespmem:s2+$0xFFFFFFC0]  }
0x33a: {  	v6 =	vld [tilespmem:s2+$0xFFFFFFD0];
	v1 =	vmul.f32 $8.000000000e+00, v1  }
0x33b: {  	v7 =	vld [tilespmem:s2+$0xFFFFFFE0];
	v2 =	vmul.f32 $8.000000000e+00, v2  }
0x33c: {  	v8 =	vld [tilespmem:s2+$0xFFFFFFF0];
	v3 =	vmul.f32 $8.000000000e+00, v3;
	v1 =	vadd.f32 v1, v0  }
0x33d: {  	v9 =	vld [tilespmem:s2+$0x0];
	v4 =	vmul.f32 $8.000000000e+00, v4;
	v2 =	vadd.f32 v2, v0  }
0x33e: {  	v10 =	vld [tilespmem:s2+$0x10];
	v5 =	vmul.f32 $8.000000000e+00, v5;
	v3 =	vadd.f32 v3, v0;
	[tilespmem:s2+$0xFFFFFF80] =	vst v1  }
0x33f: {  	v6 =	vmul.f32 $8.000000000e+00, v6;
	v4 =	vadd.f32 v4, v0;
	[tilespmem:s2+$0xFFFFFF90] =	vst v2;
	v1 =	vld [tilespmem:s2+$0x20]  }
0x340: {  	v7 =	vmul.f32 $8.000000000e+00, v7;
	v5 =	vadd.f32 v5, v0;
	[tilespmem:s2+$0xFFFFFFA0] =	vst v3;
	v2 =	vld [tilespmem:s2+$0x30]  }
0x341: {  	v8 =	vmul.f32 $8.000000000e+00, v8;
	v11 =	vadd.f32 v6, v0;
	[tilespmem:s2+$0xFFFFFFB0] =	vst v4;
	v3 =	vld [tilespmem:s2+$0x40]  }
0x342: {  	s5 =	simm.s32 $0xB0;
	v9 =	vmul.f32 $8.000000000e+00, v9;
	v6 =	vadd.f32 v7, v0;
	[tilespmem:s2+$0xFFFFFFC0] =	vst v5;
	v4 =	vld [tilespmem:s2+$0x50]  }
0x343: {  	s8 =	simm.s32 $0xB1;
	s9 =	smul.u32 $0x29, s5;
	v7 =	vadd.f32 v8, v0;
	v8 =	vmul.f32 $8.000000000e+00, v10;
	[tilespmem:s2+$0xFFFFFFD0] =	vst v11;
	v5 =	vld [tilespmem:s2+$0x60]  }
.LBB2_19:
0x344: {  	p1 =	sne.s32 s8, $0xC7;
	[tilespmem:s2+$0xFFFFFFE0] =	vst v6;
	v6 =	vadd.f32 v9, v0;
	v1 =	vmul.f32 $8.000000000e+00, v1;
	v9 =	vld [tilespmem:s2+$0x70]  }
0x345: {  	[tilespmem:s2+$0xFFFFFFF0] =	vst v7;
	v7 =	vadd.f32 v8, v0;
	v2 =	vmul.f32 $8.000000000e+00, v2;
	s0 =	sshrl.u32 s9, $0xA  }
0x346: {  	[tilespmem:s2+$0x0] =	vst v6;
	v1 =	vadd.f32 v1, v0;
	v3 =	vmul.f32 $8.000000000e+00, v3;
	s0 =	sand.u32 $0x3F, s0  }
0x347: {  	[tilespmem:s2+$0x10] =	vst v7;
	v2 =	vadd.f32 v2, v0;
	v4 =	vmul.f32 $8.000000000e+00, v4;
	s0 =	smul.u32 $0x19, s0  }
0x348: {  	[tilespmem:s2+$0x20] =	vst v1;
	v1 =	vadd.f32 v3, v0;
	v3 =	vmul.f32 $8.000000000e+00, v5  }
0x349: {  	[tilespmem:s2+$0x30] =	vst v2;
	v2 =	vadd.f32 v4, v0;
	v4 =	vmul.f32 $8.000000000e+00, v9;
	s0 =	ssub.s32 s5, s0;
	s5 =	smov.u32 s8  }
0x34a: {  	[tilespmem:s2+$0x40] =	vst v1;
	v1 =	vadd.f32 v3, v0;
	s0 =	sand.u32 $0xFF, s0  }
0x34b: {  	[tilespmem:s2+$0x50] =	vst v2;
	v0 =	vadd.f32 v4, v0;
	s0 =	sshll.u32 s0, $0x8  }
0x34c: {  	s4 =	sadd.s32 $0x10, s4;
	s7 =	sadd.s32 $0x8000, s7;
	[tilespmem:s2+$0x60] =	vst v1;
	s0 =	sadd.s32 $0xE100, s0  }
0x34d: {  	[tilespmem:s2+$0x70] =	vst v0;
	[hbm4b:s7+s15] =	stream.strided.scatter [tilespmem:s0], [sflag:$0x4], $0x100, s16, s15, $0x38  }
0x34e: {  	s2 =	sadd.s32 $0x100, s2;
	v0 =	vld [tilespmem:s4+$0x0]  }
0x34f: {  	v1 =	vld [tilespmem:s2+$0xFFFFFF80]  }
0x350: {  	v2 =	vld [tilespmem:s2+$0xFFFFFF90]  }
0x351: {  	v3 =	vld [tilespmem:s2+$0xFFFFFFA0]  }
0x352: {  	v4 =	vld [tilespmem:s2+$0xFFFFFFB0]  }
0x353: {  	v5 =	vld [tilespmem:s2+$0xFFFFFFC0]  }
0x354: {  	v1 =	vmul.f32 $8.000000000e+00, v1;
	v6 =	vld [tilespmem:s2+$0xFFFFFFD0]  }
0x355: {  	v2 =	vmul.f32 $8.000000000e+00, v2;
	v7 =	vld [tilespmem:s2+$0xFFFFFFE0]  }
0x356: {  	v1 =	vadd.f32 v1, v0;
	v3 =	vmul.f32 $8.000000000e+00, v3;
	v8 =	vld [tilespmem:s2+$0xFFFFFFF0]  }
0x357: {  	v2 =	vadd.f32 v2, v0;
	v4 =	vmul.f32 $8.000000000e+00, v4;
	v9 =	vld [tilespmem:s2+$0x0]  }
0x358: {  	[tilespmem:s2+$0xFFFFFF80] =	vst v1;
	v3 =	vadd.f32 v3, v0;
	v5 =	vmul.f32 $8.000000000e+00, v5;
	v10 =	vld [tilespmem:s2+$0x10]  }
.Ltmp10:
0x359: {  	[tilespmem:s2+$0xFFFFFF90] =	vst v2;
	v4 =	vadd.f32 v4, v0;
	v6 =	vmul.f32 $8.000000000e+00, v6;
	v1 =	vld [tilespmem:s2+$0x20];
	(pc) =	sbr.rel @p1 .LBB2_19-.Ltmp10, $4  }
0x35a: {  	[tilespmem:s2+$0xFFFFFFA0] =	vst v3;
	v5 =	vadd.f32 v5, v0;
	v7 =	vmul.f32 $8.000000000e+00, v7;
	v2 =	vld [tilespmem:s2+$0x30]  }
0x35b: {  	[tilespmem:s2+$0xFFFFFFB0] =	vst v4;
	v11 =	vadd.f32 v6, v0;
	v8 =	vmul.f32 $8.000000000e+00, v8;
	v3 =	vld [tilespmem:s2+$0x40]  }
0x35c: {  	[tilespmem:s2+$0xFFFFFFC0] =	vst v5;
	v6 =	vadd.f32 v7, v0;
	v9 =	vmul.f32 $8.000000000e+00, v9;
	v4 =	vld [tilespmem:s2+$0x50]  }
0x35d: {  	s8 =	sadd.s32 $0x1, s8;
	s9 =	smul.u32 $0x29, s5;
	[tilespmem:s2+$0xFFFFFFD0] =	vst v11;
	v7 =	vadd.f32 v8, v0;
	v8 =	vmul.f32 $8.000000000e+00, v10;
	v5 =	vld [tilespmem:s2+$0x60]  }
0x35e: {  	[tilespmem:s2+$0xFFFFFFE0] =	vst v6;
	v55 =	vadd.f32 v9, v0;
	v1 =	vmul.f32 $8.000000000e+00, v1;
	v56 =	vld [tilespmem:s2+$0x70]  }
0x35f: {  	[tilespmem:s2+$0xFFFFFFF0] =	vst v7;
	v57 =	vadd.f32 v8, v0;
	v2 =	vmul.f32 $8.000000000e+00, v2  }
0x360: {  	s0 =	sshrl.u32 s9, $0xA;
	[tilespmem:s2+$0x0] =	vst v55;
	v1 =	vadd.f32 v1, v0;
	v3 =	vmul.f32 $8.000000000e+00, v3  }
0x361: {  	s0 =	sand.u32 $0x3F, s0;
	[tilespmem:s2+$0x10] =	vst v57;
	v2 =	vadd.f32 v2, v0;
	v4 =	vmul.f32 $8.000000000e+00, v4  }
0x362: {  	s0 =	smul.u32 $0x19, s0;
	[tilespmem:s2+$0x20] =	vst v1;
	v58 =	vadd.f32 v3, v0;
	v59 =	vmul.f32 $8.000000000e+00, v5  }
0x363: {  	p1 =	sne.s32 s31, $0x1F;
	[tilespmem:s2+$0x30] =	vst v2;
	v60 =	vadd.f32 v4, v0;
	v61 =	vmul.f32 $8.000000000e+00, v56  }
.Ltmp11:
0x364: {  	s0 =	ssub.s32 s5, s0;
	[tilespmem:s2+$0x40] =	vst v58;
	v62 =	vadd.f32 v59, v0;
	(pc) =	sbr.rel @!p1 .LBB2_21-.Ltmp11, $4  }
0x365: {  	s0 =	sand.u32 $0xFF, s0;
	[tilespmem:s2+$0x50] =	vst v60;
	v63 =	vadd.f32 v61, v0  }
0x366: {  	s0 =	sshll.u32 s0, $0x8;
	[tilespmem:s2+$0x60] =	vst v62  }
0x367: {  	s4 =	sadd.s32 $0x8000, s7;
	s0 =	sadd.s32 $0xE100, s0;
	[tilespmem:s2+$0x70] =	vst v63  }
0x368: {  	[hbm4b:s4+s15] =	stream.strided.scatter [tilespmem:s0], [sflag:$0x4], $0x100, s16, s15, $0x38;
	[tilespmem:$0x1FAA8] =	vst v63  }
0x369: {  	s0 =	sadd.s32 $0x1, s11  }
0x36a: {  	s2 =	sshrl.u32 s0, $0x3  }
0x36b: {  	s0 =	sshll.u32 s0, $0x7;
	s2 =	smul.u32 $0x6400, s2  }
0x36c: {  	s0 =	sand.u32 $0x380, s0  }
0x36d: {  	s0 =	sor.u32 s0, s2  }
0x36e: {  	s25 =	rddreg [dreg:$0x2];
	s0 =	sshrl.u32 s0, $0x3  }
0x36f: {  	s26 =	simm.s32 $0xFA00;
	s28 =	simm.s32 $0x2;
	s0 =	sadd.s32 s25, s0  }
0x370: {  	[tilespmem:s26], [sflag:$0x2] =	stream.strided.gather [hbm4b:s0+s15], $0xC80, s16, s15, $0x38;
	[tilespmem:$0x1FAA8] =	vst v63  }
0x371: {  	_ =	swait.ge [sflag:s28], $0xC80  }
0x372: {  	[sflag:s28] =	ssyncset.done $0x0  }
0x373: {  	s0 =	simm.s32 @!p0 $0x1;
	[sflag:s28] =	ssyncadd.s32 $0xFFFFF380  }
0x374: {  	p1 =	sne.s32 s1, $0x20;
	_ =	swait.ge @!p0 [sflag:s0], $0x1E850  }
.Ltmp12:
0x375: {  	[sflag:s0] =	ssyncset.done @!p0 $0x0;
	(pc) =	sbr.rel @p1 .LBB2_6-.Ltmp12, $4  }
.Ltmp13:
0x376: {  	[sflag:s0] =	ssyncadd.s32 @!p0 $0xFFFE17B0;
	(pc) =	sbr.rel @!p1 .LBB2_23-.Ltmp13, $4  }
0x377: {  	[bflag:$0x0] =	sbarrier.arrive $0xFFFF  }
0x378: {  	s29 =	rddreg [dreg:$0x10]  }
0x379: {  	s30 =	sadd.s32 $0x200, s30;
	s31 =	smov.u32 s1;
	s2 =	sadd.s32 $0x1, s29  }
0x37a: {  	_ = 	snop  }
.LBB2_24:
0x37b: {  	_ =	sfence.sel $0x180000  }
0x37c: {  	[bflag:$0x0] =	sbarrier.arrive $0xFFFF  }
0x37d: {  	_ =	strace $0x90000047  }
0x37e: {  	[bflag:$0x2] =	sbarrier.arrive $0xFFFF  }
0x37f: {  	s0 =	rddreg [dreg:$0x5]  }
0x380: {  	s0 =	sadd.s32 @!p0 $0x100000, s0  }
0x381: {  	[sflag:s0] =	ssyncadd.tile.s32 @!p0 $0x1;
	_ =	shalt  }
.Lfunc_end2:
_tile_overlayer_lowered:
.L_overlay_start_2:
0x382: {  	(tag) =	ssettag $0x2  }
0x383: {  	s0 =	rddreg [dreg:$0x0];
	s2 =	stileid.u32  }
0x384: {  	s1 =	rddreg [dreg:$0x1];
	p0 =	sne.s32 s2, $0x0  }
0x385: {  	s3 =	rddreg [dreg:$0x2];
	[bflag:$0x3] =	sbarrier.arrive $0xFFFF;
	s2 =	simm.s32 @!p0 $0x1C06  }
0x386: {  	[timem:s3], [sflag:s2] =	dma.local @!p0 [hbm:s0], s1  }
0x387: {  	s0 =	simm.s32 @!p0 $0x6  }
0x388: {  	_ =	swait.ge @!p0 [sflag:s0], s1  }
0x389: {  	s1 =	ssub.s32 @!p0 $0x0, s1;
	[sflag:s0] =	ssyncset.done @!p0 $0x0  }
0x38a: {  	[sflag:s0] =	ssyncadd.s32 @!p0 s1  }
0x38b: {  	[bflag:$0x3] =	sbarrier.arrive $0xFFFF  }
0x38c: {  	_ =	shalt  }

</sc_bundles>
